<compile_context>
chip_gen: v7x
topology: tpu7x:2x2x1
jax: 0.10.2.dev20260603
libtpu: 0.0.44.dev20260713+nightly
codegen_flags: <defaults>
</compile_context>

<pallas_src>
import jax
import jax.numpy as jnp
from jax import lax
from jax.experimental import pallas as pl
from jax.experimental.pallas import tpu as pltpu
from jax.experimental.pallas import tpu_sc as plsc

_B, _D, _P = 64, 96, 1024
_KSC = 16
_LANES = 16

_DG = 8
_GH = 3
_NS = 2
_SLICES = _DG * _P // _LANES


def _sc_body(x_hbm, p_hbm, o_hbm, pos_v, ibuf, obuf, psems, isems, osems):
    wid = lax.axis_index("s") * 2 + lax.axis_index("c")
    b0 = (wid // 4) * 2
    gh = wid % 4

    def d_off(g):
        return pl.multiple_of(gh * (_GH * _DG) + g * _DG, _DG)

    def pos_cp(g, s):
        return pltpu.make_async_copy(
            p_hbm.at[pl.ds(d_off(g), _DG)], pos_v.at[s], psems.at[s])

    def in_cp(g, s):
        return pltpu.make_async_copy(
            x_hbm.at[pl.ds(b0, 2), pl.ds(d_off(g), _DG)], ibuf.at[s],
            isems.at[s])

    def out_cp(g, s):
        return pltpu.make_async_copy(
            obuf.at[s], o_hbm.at[pl.ds(b0, 2), pl.ds(d_off(g), _DG)],
            osems.at[s])

    for s in range(_NS):
        pos_cp(s, s).start()
        in_cp(s, s).start()

    for g in range(_GH):
        s = g % _NS
        in_cp(g, s).wait()
        pos_cp(g, s).wait()
        if g >= _NS:
            out_cp(g - _NS, s).wait()

        def add_slices(j, carry, s=s):
            r = j // (_P // _LANES)
            col = (j % (_P // _LANES)) * _LANES
            sl = pl.ds(col, _LANES)
            pv = pos_v[s, r, sl]
            obuf[s, 0, r, sl] = ibuf[s, 0, r, sl] + pv
            obuf[s, 1, r, sl] = ibuf[s, 1, r, sl] + pv
            return carry

        lax.fori_loop(0, _SLICES, add_slices, 0, unroll=8)
        out_cp(g, s).start()
        if g + _NS < _GH:
            in_cp(g + _NS, s).start()
            pos_cp(g + _NS, s).start()

    for g in range(max(0, _GH - _NS), _GH):
        out_cp(g, g % _NS).wait()


def _run_sc(xt, pt):
    mesh = plsc.VectorSubcoreMesh(core_axis_name="c", subcore_axis_name="s")
    run = pl.kernel(
        _sc_body,
        mesh=mesh,
        out_type=jax.ShapeDtypeStruct((_KSC, _D, _P), jnp.float32),
        scratch_types=[
            pltpu.VMEM((_NS, _DG, _P), jnp.float32),
            pltpu.VMEM((_NS, 2, _DG, _P), jnp.float32),
            pltpu.VMEM((_NS, 2, _DG, _P), jnp.float32),
            pltpu.SemaphoreType.DMA((_NS,)),
            pltpu.SemaphoreType.DMA((_NS,)),
            pltpu.SemaphoreType.DMA((_NS,)),
        ],
    )
    return run(xt, pt)


_CB = 8
_NCH = (_B - _KSC) // _CB
_NBUF = 4


def _tc_body(x_hbm, p_ref, o_hbm, ibuf, obuf, isems, osems):
    pos = p_ref[...]

    def in_cp(c, s):
        return pltpu.make_async_copy(
            x_hbm.at[pl.ds(_KSC + c * _CB, _CB)], ibuf.at[s], isems.at[s])

    def out_cp(c, s):
        return pltpu.make_async_copy(
            obuf.at[s], o_hbm.at[pl.ds(_KSC + c * _CB, _CB)], osems.at[s])

    for s in range(min(_NBUF, _NCH)):
        in_cp(s, s).start()
    for c in range(_NCH):
        s = c % _NBUF
        in_cp(c, s).wait()
        if c >= _NBUF:
            out_cp(c - _NBUF, s).wait()
        obuf[s] = ibuf[s] + pos
        out_cp(c, s).start()
        if c + _NBUF < _NCH:
            in_cp(c + _NBUF, s).start()
    for c in range(max(0, _NCH - _NBUF), _NCH):
        out_cp(c, c % _NBUF).wait()


def _run_tc(xt, pt):
    return pl.pallas_call(
        _tc_body,
        in_specs=[
            pl.BlockSpec(memory_space=pl.ANY),
            pl.BlockSpec(memory_space=pltpu.MemorySpace.VMEM),
        ],
        out_specs=pl.BlockSpec(memory_space=pl.ANY),
        out_shape=jax.ShapeDtypeStruct((_B, _D, _P), jnp.float32),
        scratch_shapes=[
            pltpu.VMEM((_NBUF, _CB, _D, _P), jnp.float32),
            pltpu.VMEM((_NBUF, _CB, _D, _P), jnp.float32),
            pltpu.SemaphoreType.DMA((_NBUF,)),
            pltpu.SemaphoreType.DMA((_NBUF,)),
        ],
    )(xt, pt)


def kernel(x, pos_table):
    xt = jnp.swapaxes(x, 1, 2)
    pt = jnp.swapaxes(pos_table, 0, 1)
    sc_out = _run_sc(xt, pt)
    tc_out = _run_tc(xt, pt)
    out = lax.dynamic_update_slice(tc_out, sc_out, (0, 0, 0))
    return jnp.swapaxes(out, 1, 2)

# --- scband reference (transcript-rebuilt; emitter-appended) ---
"""Pipeline reference for scband-position-encoder-69191923138980 (READ-ONLY COPY).

The authoritative reference and input builder live on the scoring server;
editing this copy changes nothing except your own understanding.
"""

import jax, jax.numpy as jnp
import numpy as np

NUM_PATCHES = 1024
PROJECTION_DIM = 96
BATCH = 64

def setup_inputs(seed: int = 0) -> dict:
    key = jax.random.key(seed)
    kx, kw = jax.random.split(key)
    x = jax.random.normal(kx, (BATCH, NUM_PATCHES, PROJECTION_DIM), dtype=jnp.float32)
    # Keras Embedding default initializer is uniform(-0.05, 0.05)
    pos_table = jax.random.uniform(kw, (NUM_PATCHES, PROJECTION_DIM), dtype=jnp.float32, minval=-0.05, maxval=0.05)
    return {"x": x, "pos_table": pos_table}

def reference(x, pos_table):
    positions = jnp.arange(0, NUM_PATCHES, 1)
    encoded = x + jnp.take(pos_table, positions, axis=0)
    return encoded

if __name__ == "__main__":
    import jax
    _d = setup_inputs()
    print(jax.jit(kernel)(*tuple(_d.values())))

</pallas_src>

<mosaic_0001>
#map = affine_map<(d0, d1) -> (0, 0, 0)>
#map1 = affine_map<(d0, d1) -> (0, 0)>
module attributes {stable_mosaic.version = 14 : i64} {
  func.func @_sc_body(%arg0: i32, %arg1: i32, %arg2: memref<64x96x1024xf32, #tpu.memory_space<hbm>>, %arg3: memref<96x1024xf32, #tpu.memory_space<hbm>>, %arg4: memref<16x96x1024xf32, #tpu.memory_space<hbm>>, %arg5: memref<2x8x1024xf32, #tpu.memory_space<vmem>>, %arg6: memref<2x2x8x1024xf32, #tpu.memory_space<vmem>>, %arg7: memref<2x2x8x1024xf32, #tpu.memory_space<vmem>>, %arg8: memref<2x!tpu.dma_semaphore, #tpu.memory_space<semaphore_mem>>, %arg9: memref<2x!tpu.dma_semaphore, #tpu.memory_space<semaphore_mem>>, %arg10: memref<2x!tpu.dma_semaphore, #tpu.memory_space<semaphore_mem>>) attributes {dimension_semantics = [#tpu.dimension_semantics<core_parallel>, #tpu.dimension_semantics<subcore_parallel>], iteration_bounds = array<i64: 2, 16>, scalar_prefetch = 0 : i64, scratch_operands = 6 : i64, tpu.core_type = #tpu.core_type<sc_vector_subcore>, window_params = [{transform_indices = #map}, {transform_indices = #map1}, {transform_indices = #map}]} {
    %mul3A = arith.constant 2 : i32
    %mul3A_0 = arith.muli %arg1, %mul3A : i32
    %add3A = arith.addi %mul3A_0, %arg0 : i32
    %jit3A = arith.constant 4 : i32
    %div3A = arith.divsi %add3A, %jit3A : i32
    %sign3A = arith.constant 0 : i32
    %sign3A_1 = arith.cmpi sgt, %add3A, %sign3A : i32
    %sign3A_2 = arith.extui %sign3A_1 : i1 to i32
    %sign3A_3 = arith.constant 0 : i32
    %sign3A_4 = arith.cmpi slt, %add3A, %sign3A_3 : i32
    %sign3A_5 = arith.extui %sign3A_4 : i1 to i32
    %sign3A_6 = arith.subi %sign3A_2, %sign3A_5 : i32
    %sign3A_7 = arith.constant 0 : i32
    %sign3A_8 = arith.cmpi sgt, %jit3A, %sign3A_7 : i32
    %sign3A_9 = arith.extui %sign3A_8 : i1 to i32
    %sign3A_10 = arith.constant 0 : i32
    %sign3A_11 = arith.cmpi slt, %jit3A, %sign3A_10 : i32
    %sign3A_12 = arith.extui %sign3A_11 : i1 to i32
    %sign3A_13 = arith.subi %sign3A_9, %sign3A_12 : i32
    %ne3A = arith.cmpi ne, %sign3A_6, %sign3A_13 : i32
    %rem3A = arith.remsi %add3A, %jit3A : i32
    %ne3A_14 = arith.constant 0 : i32
    %ne3A_15 = arith.cmpi ne, %rem3A, %ne3A_14 : i32
    %and3A = arith.andi %ne3A, %ne3A_15 : i1
    %sub3A = arith.constant 1 : i32
    %sub3A_16 = arith.subi %div3A, %sub3A : i32
    %select_n3A = arith.select %and3A, %sub3A_16, %div3A : i32
    %mul3A_17 = arith.constant 2 : i32
    %mul3A_18 = arith.muli %select_n3A, %mul3A_17 : i32
    %jit3A_19 = arith.constant 4 : i32
    %eq3A = arith.constant 0 : i32
    %eq3A_20 = arith.cmpi eq, %jit3A_19, %eq3A : i32
    %jit3A_21 = arith.constant 1 : i32
    %select_n3A_22 = arith.select %eq3A_20, %jit3A_21, %jit3A_19 : i32
    %rem3A_23 = arith.remsi %add3A, %select_n3A_22 : i32
    %ne3A_24 = arith.constant 0 : i32
    %ne3A_25 = arith.cmpi ne, %rem3A_23, %ne3A_24 : i32
    %lt3A = arith.constant 0 : i32
    %lt3A_26 = arith.cmpi slt, %rem3A_23, %lt3A : i32
    %lt3A_27 = arith.constant 0 : i32
    %lt3A_28 = arith.cmpi slt, %select_n3A_22, %lt3A_27 : i32
    %ne3A_29 = arith.xori %lt3A_26, %lt3A_28 : i1
    %and3A_30 = arith.andi %ne3A_29, %ne3A_25 : i1
    %add3A_31 = arith.addi %rem3A_23, %select_n3A_22 : i32
    %select_n3A_32 = arith.select %and3A_30, %add3A_31, %rem3A_23 : i32
    %mul3A_33 = arith.constant 24 : i32
    %mul3A_34 = arith.muli %select_n3A_32, %mul3A_33 : i32
    %add3A_35 = arith.constant 0 : i32
    %add3A_36 = arith.addi %mul3A_34, %add3A_35 : i32
    %multiple_of3A = tpu.assume_multiple %add3A_36, 8 : i32
    %dma_start3A = arith.constant 0 : i32
    %dma_start3A_37 = arith.constant 0 : i32
    %dma_start3A_38 = arith.constant 0 : i32
    %dma_start3A_39 = arith.constant 0 : i32
    %dma_start3A_40 = tpu.memref_slice %arg5[%dma_start3A, %dma_start3A_38, %dma_start3A_39] : memref<2x8x1024xf32, #tpu.memory_space<vmem>> -> memref<1x8x1024xf32, #tpu.memory_space<vmem>>
    %dma_start3A_41 = tpu.memref_squeeze %dma_start3A_40 : memref<1x8x1024xf32, #tpu.memory_space<vmem>> -> memref<8x1024xf32, #tpu.memory_space<vmem>>
    %dma_start3A_42 = arith.constant 0 : i32
    %dma_start3A_43 = tpu.memref_slice %arg3[%multiple_of3A, %dma_start3A_42] : memref<96x1024xf32, #tpu.memory_space<hbm>> -> memref<8x1024xf32, #tpu.memory_space<hbm>>
    %dma_start3A_44 = tpu.memref_slice %arg8[%dma_start3A_37] : memref<2x!tpu.dma_semaphore, #tpu.memory_space<semaphore_mem>> -> memref<1x!tpu.dma_semaphore, #tpu.memory_space<semaphore_mem>>
    %dma_start3A_45 = tpu.memref_squeeze %dma_start3A_44 : memref<1x!tpu.dma_semaphore, #tpu.memory_space<semaphore_mem>> -> memref<!tpu.dma_semaphore, #tpu.memory_space<semaphore_mem>>
    %dma_start3A_46 = arith.constant 0 : i32
    %dma_start3A_47 = arith.constant 0 : i32
    %dma_start3A_48 = tpu.memref_slice %arg5[%dma_start3A, %dma_start3A_46, %dma_start3A_47] : memref<2x8x1024xf32, #tpu.memory_space<vmem>> -> memref<1x8x1024xf32, #tpu.memory_space<vmem>>
    %dma_start3A_49 = tpu.memref_squeeze %dma_start3A_48 : memref<1x8x1024xf32, #tpu.memory_space<vmem>> -> memref<8x1024xf32, #tpu.memory_space<vmem>>
    %dma_start3A_50 = arith.constant 0 : i32
    %dma_start3A_51 = tpu.memref_slice %arg3[%multiple_of3A, %dma_start3A_50] : memref<96x1024xf32, #tpu.memory_space<hbm>> -> memref<8x1024xf32, #tpu.memory_space<hbm>>
    tpu.enqueue_dma source(%dma_start3A_51 : memref<8x1024xf32, #tpu.memory_space<hbm>>) target(%dma_start3A_49 : memref<8x1024xf32, #tpu.memory_space<vmem>>) target_semaphore(%dma_start3A_45 : memref<!tpu.dma_semaphore, #tpu.memory_space<semaphore_mem>>)
    %mul3A_52 = arith.constant 24 : i32
    %mul3A_53 = arith.muli %select_n3A_32, %mul3A_52 : i32
    %add3A_54 = arith.constant 0 : i32
    %add3A_55 = arith.addi %mul3A_53, %add3A_54 : i32
    %multiple_of3A_56 = tpu.assume_multiple %add3A_55, 8 : i32
    %dma_start3A_57 = arith.constant 0 : i32
    %dma_start3A_58 = arith.constant 0 : i32
    %dma_start3A_59 = arith.constant 0 : i32
    %dma_start3A_60 = arith.constant 0 : i32
    %dma_start3A_61 = arith.constant 0 : i32
    %dma_start3A_62 = tpu.memref_slice %arg6[%dma_start3A_57, %dma_start3A_59, %dma_start3A_60, %dma_start3A_61] : memref<2x2x8x1024xf32, #tpu.memory_space<vmem>> -> memref<1x2x8x1024xf32, #tpu.memory_space<vmem>>
    %dma_start3A_63 = tpu.memref_squeeze %dma_start3A_62 : memref<1x2x8x1024xf32, #tpu.memory_space<vmem>> -> memref<2x8x1024xf32, #tpu.memory_space<vmem>>
    %dma_start3A_64 = arith.constant 0 : i32
    %dma_start3A_65 = tpu.memref_slice %arg2[%mul3A_18, %multiple_of3A_56, %dma_start3A_64] : memref<64x96x1024xf32, #tpu.memory_space<hbm>> -> memref<2x8x1024xf32, #tpu.memory_space<hbm>>
    %dma_start3A_66 = tpu.memref_slice %arg9[%dma_start3A_58] : memref<2x!tpu.dma_semaphore, #tpu.memory_space<semaphore_mem>> -> memref<1x!tpu.dma_semaphore, #tpu.memory_space<semaphore_mem>>
    %dma_start3A_67 = tpu.memref_squeeze %dma_start3A_66 : memref<1x!tpu.dma_semaphore, #tpu.memory_space<semaphore_mem>> -> memref<!tpu.dma_semaphore, #tpu.memory_space<semaphore_mem>>
    %dma_start3A_68 = arith.constant 0 : i32
    %dma_start3A_69 = arith.constant 0 : i32
    %dma_start3A_70 = arith.constant 0 : i32
    %dma_start3A_71 = tpu.memref_slice %arg6[%dma_start3A_57, %dma_start3A_68, %dma_start3A_69, %dma_start3A_70] : memref<2x2x8x1024xf32, #tpu.memory_space<vmem>> -> memref<1x2x8x1024xf32, #tpu.memory_space<vmem>>
    %dma_start3A_72 = tpu.memref_squeeze %dma_start3A_71 : memref<1x2x8x1024xf32, #tpu.memory_space<vmem>> -> memref<2x8x1024xf32, #tpu.memory_space<vmem>>
    %dma_start3A_73 = arith.constant 0 : i32
    %dma_start3A_74 = tpu.memref_slice %arg2[%mul3A_18, %multiple_of3A_56, %dma_start3A_73] : memref<64x96x1024xf32, #tpu.memory_space<hbm>> -> memref<2x8x1024xf32, #tpu.memory_space<hbm>>
    tpu.enqueue_dma source(%dma_start3A_74 : memref<2x8x1024xf32, #tpu.memory_space<hbm>>) target(%dma_start3A_72 : memref<2x8x1024xf32, #tpu.memory_space<vmem>>) target_semaphore(%dma_start3A_67 : memref<!tpu.dma_semaphore, #tpu.memory_space<semaphore_mem>>)
    %mul3A_75 = arith.constant 24 : i32
    %mul3A_76 = arith.muli %select_n3A_32, %mul3A_75 : i32
    %add3A_77 = arith.constant 8 : i32
    %add3A_78 = arith.addi %mul3A_76, %add3A_77 : i32
    %multiple_of3A_79 = tpu.assume_multiple %add3A_78, 8 : i32
    %dma_start3A_80 = arith.constant 1 : i32
    %dma_start3A_81 = arith.constant 1 : i32
    %dma_start3A_82 = arith.constant 0 : i32
    %dma_start3A_83 = arith.constant 0 : i32
    %dma_start3A_84 = tpu.memref_slice %arg5[%dma_start3A_80, %dma_start3A_82, %dma_start3A_83] : memref<2x8x1024xf32, #tpu.memory_space<vmem>> -> memref<1x8x1024xf32, #tpu.memory_space<vmem>>
    %dma_start3A_85 = tpu.memref_squeeze %dma_start3A_84 : memref<1x8x1024xf32, #tpu.memory_space<vmem>> -> memref<8x1024xf32, #tpu.memory_space<vmem>>
    %dma_start3A_86 = arith.constant 0 : i32
    %dma_start3A_87 = tpu.memref_slice %arg3[%multiple_of3A_79, %dma_start3A_86] : memref<96x1024xf32, #tpu.memory_space<hbm>> -> memref<8x1024xf32, #tpu.memory_space<hbm>>
    %dma_start3A_88 = tpu.memref_slice %arg8[%dma_start3A_81] : memref<2x!tpu.dma_semaphore, #tpu.memory_space<semaphore_mem>> -> memref<1x!tpu.dma_semaphore, #tpu.memory_space<semaphore_mem>>
    %dma_start3A_89 = tpu.memref_squeeze %dma_start3A_88 : memref<1x!tpu.dma_semaphore, #tpu.memory_space<semaphore_mem>> -> memref<!tpu.dma_semaphore, #tpu.memory_space<semaphore_mem>>
    %dma_start3A_90 = arith.constant 0 : i32
    %dma_start3A_91 = arith.constant 0 : i32
    %dma_start3A_92 = tpu.memref_slice %arg5[%dma_start3A_80, %dma_start3A_90, %dma_start3A_91] : memref<2x8x1024xf32, #tpu.memory_space<vmem>> -> memref<1x8x1024xf32, #tpu.memory_space<vmem>>
    %dma_start3A_93 = tpu.memref_squeeze %dma_start3A_92 : memref<1x8x1024xf32, #tpu.memory_space<vmem>> -> memref<8x1024xf32, #tpu.memory_space<vmem>>
    %dma_start3A_94 = arith.constant 0 : i32
    %dma_start3A_95 = tpu.memref_slice %arg3[%multiple_of3A_79, %dma_start3A_94] : memref<96x1024xf32, #tpu.memory_space<hbm>> -> memref<8x1024xf32, #tpu.memory_space<hbm>>
    tpu.enqueue_dma source(%dma_start3A_95 : memref<8x1024xf32, #tpu.memory_space<hbm>>) target(%dma_start3A_93 : memref<8x1024xf32, #tpu.memory_space<vmem>>) target_semaphore(%dma_start3A_89 : memref<!tpu.dma_semaphore, #tpu.memory_space<semaphore_mem>>)
    %mul3A_96 = arith.constant 24 : i32
    %mul3A_97 = arith.muli %select_n3A_32, %mul3A_96 : i32
    %add3A_98 = arith.constant 8 : i32
    %add3A_99 = arith.addi %mul3A_97, %add3A_98 : i32
    %multiple_of3A_100 = tpu.assume_multiple %add3A_99, 8 : i32
    %dma_start3A_101 = arith.constant 1 : i32
    %dma_start3A_102 = arith.constant 1 : i32
    %dma_start3A_103 = arith.constant 0 : i32
    %dma_start3A_104 = arith.constant 0 : i32
    %dma_start3A_105 = arith.constant 0 : i32
    %dma_start3A_106 = tpu.memref_slice %arg6[%dma_start3A_101, %dma_start3A_103, %dma_start3A_104, %dma_start3A_105] : memref<2x2x8x1024xf32, #tpu.memory_space<vmem>> -> memref<1x2x8x1024xf32, #tpu.memory_space<vmem>>
    %dma_start3A_107 = tpu.memref_squeeze %dma_start3A_106 : memref<1x2x8x1024xf32, #tpu.memory_space<vmem>> -> memref<2x8x1024xf32, #tpu.memory_space<vmem>>
    %dma_start3A_108 = arith.constant 0 : i32
    %dma_start3A_109 = tpu.memref_slice %arg2[%mul3A_18, %multiple_of3A_100, %dma_start3A_108] : memref<64x96x1024xf32, #tpu.memory_space<hbm>> -> memref<2x8x1024xf32, #tpu.memory_space<hbm>>
    %dma_start3A_110 = tpu.memref_slice %arg9[%dma_start3A_102] : memref<2x!tpu.dma_semaphore, #tpu.memory_space<semaphore_mem>> -> memref<1x!tpu.dma_semaphore, #tpu.memory_space<semaphore_mem>>
    %dma_start3A_111 = tpu.memref_squeeze %dma_start3A_110 : memref<1x!tpu.dma_semaphore, #tpu.memory_space<semaphore_mem>> -> memref<!tpu.dma_semaphore, #tpu.memory_space<semaphore_mem>>
    %dma_start3A_112 = arith.constant 0 : i32
    %dma_start3A_113 = arith.constant 0 : i32
    %dma_start3A_114 = arith.constant 0 : i32
    %dma_start3A_115 = tpu.memref_slice %arg6[%dma_start3A_101, %dma_start3A_112, %dma_start3A_113, %dma_start3A_114] : memref<2x2x8x1024xf32, #tpu.memory_space<vmem>> -> memref<1x2x8x1024xf32, #tpu.memory_space<vmem>>
    %dma_start3A_116 = tpu.memref_squeeze %dma_start3A_115 : memref<1x2x8x1024xf32, #tpu.memory_space<vmem>> -> memref<2x8x1024xf32, #tpu.memory_space<vmem>>
    %dma_start3A_117 = arith.constant 0 : i32
    %dma_start3A_118 = tpu.memref_slice %arg2[%mul3A_18, %multiple_of3A_100, %dma_start3A_117] : memref<64x96x1024xf32, #tpu.memory_space<hbm>> -> memref<2x8x1024xf32, #tpu.memory_space<hbm>>
    tpu.enqueue_dma source(%dma_start3A_118 : memref<2x8x1024xf32, #tpu.memory_space<hbm>>) target(%dma_start3A_116 : memref<2x8x1024xf32, #tpu.memory_space<vmem>>) target_semaphore(%dma_start3A_111 : memref<!tpu.dma_semaphore, #tpu.memory_space<semaphore_mem>>)
    %mul3A_119 = arith.constant 24 : i32
    %mul3A_120 = arith.muli %select_n3A_32, %mul3A_119 : i32
    %add3A_121 = arith.constant 0 : i32
    %add3A_122 = arith.addi %mul3A_120, %add3A_121 : i32
    %multiple_of3A_123 = tpu.assume_multiple %add3A_122, 8 : i32
    %dma_wait3A = arith.constant 0 : i32
    %dma_wait3A_124 = arith.constant 0 : i32
    %dma_wait3A_125 = arith.constant 0 : i32
    %dma_wait3A_126 = arith.constant 0 : i32
    %dma_wait3A_127 = arith.constant 0 : i32
    %dma_wait3A_128 = tpu.memref_slice %arg6[%dma_wait3A, %dma_wait3A_125, %dma_wait3A_126, %dma_wait3A_127] : memref<2x2x8x1024xf32, #tpu.memory_space<vmem>> -> memref<1x2x8x1024xf32, #tpu.memory_space<vmem>>
    %dma_wait3A_129 = tpu.memref_squeeze %dma_wait3A_128 : memref<1x2x8x1024xf32, #tpu.memory_space<vmem>> -> memref<2x8x1024xf32, #tpu.memory_space<vmem>>
    %dma_wait3A_130 = arith.constant 0 : i32
    %dma_wait3A_131 = tpu.memref_slice %arg2[%mul3A_18, %multiple_of3A_123, %dma_wait3A_130] : memref<64x96x1024xf32, #tpu.memory_space<hbm>> -> memref<2x8x1024xf32, #tpu.memory_space<hbm>>
    %dma_wait3A_132 = tpu.memref_slice %arg9[%dma_wait3A_124] : memref<2x!tpu.dma_semaphore, #tpu.memory_space<semaphore_mem>> -> memref<1x!tpu.dma_semaphore, #tpu.memory_space<semaphore_mem>>
    %dma_wait3A_133 = tpu.memref_squeeze %dma_wait3A_132 : memref<1x!tpu.dma_semaphore, #tpu.memory_space<semaphore_mem>> -> memref<!tpu.dma_semaphore, #tpu.memory_space<semaphore_mem>>
    %dma_wait3A_134 = arith.constant 0 : i32
    %dma_wait3A_135 = arith.constant 0 : i32
    %dma_wait3A_136 = arith.constant 0 : i32
    %dma_wait3A_137 = tpu.memref_slice %arg6[%dma_wait3A, %dma_wait3A_134, %dma_wait3A_135, %dma_wait3A_136] : memref<2x2x8x1024xf32, #tpu.memory_space<vmem>> -> memref<1x2x8x1024xf32, #tpu.memory_space<vmem>>
    %dma_wait3A_138 = tpu.memref_squeeze %dma_wait3A_137 : memref<1x2x8x1024xf32, #tpu.memory_space<vmem>> -> memref<2x8x1024xf32, #tpu.memory_space<vmem>>
    %dma_wait3A_139 = arith.constant 0 : i32
    %dma_wait3A_140 = tpu.memref_slice %arg2[%mul3A_18, %multiple_of3A_123, %dma_wait3A_139] : memref<64x96x1024xf32, #tpu.memory_space<hbm>> -> memref<2x8x1024xf32, #tpu.memory_space<hbm>>
    tpu.wait_dma2 semaphore(%dma_wait3A_133 : memref<!tpu.dma_semaphore, #tpu.memory_space<semaphore_mem>>) src(%dma_wait3A_140 : memref<2x8x1024xf32, #tpu.memory_space<hbm>>) dst(%dma_wait3A_138 : memref<2x8x1024xf32, #tpu.memory_space<vmem>>)
    %mul3A_141 = arith.constant 24 : i32
    %mul3A_142 = arith.muli %select_n3A_32, %mul3A_141 : i32
    %add3A_143 = arith.constant 0 : i32
    %add3A_144 = arith.addi %mul3A_142, %add3A_143 : i32
    %multiple_of3A_145 = tpu.assume_multiple %add3A_144, 8 : i32
    %dma_wait3A_146 = arith.constant 0 : i32
    %dma_wait3A_147 = arith.constant 0 : i32
    %dma_wait3A_148 = arith.constant 0 : i32
    %dma_wait3A_149 = arith.constant 0 : i32
    %dma_wait3A_150 = tpu.memref_slice %arg5[%dma_wait3A_146, %dma_wait3A_148, %dma_wait3A_149] : memref<2x8x1024xf32, #tpu.memory_space<vmem>> -> memref<1x8x1024xf32, #tpu.memory_space<vmem>>
    %dma_wait3A_151 = tpu.memref_squeeze %dma_wait3A_150 : memref<1x8x1024xf32, #tpu.memory_space<vmem>> -> memref<8x1024xf32, #tpu.memory_space<vmem>>
    %dma_wait3A_152 = arith.constant 0 : i32
    %dma_wait3A_153 = tpu.memref_slice %arg3[%multiple_of3A_145, %dma_wait3A_152] : memref<96x1024xf32, #tpu.memory_space<hbm>> -> memref<8x1024xf32, #tpu.memory_space<hbm>>
    %dma_wait3A_154 = tpu.memref_slice %arg8[%dma_wait3A_147] : memref<2x!tpu.dma_semaphore, #tpu.memory_space<semaphore_mem>> -> memref<1x!tpu.dma_semaphore, #tpu.memory_space<semaphore_mem>>
    %dma_wait3A_155 = tpu.memref_squeeze %dma_wait3A_154 : memref<1x!tpu.dma_semaphore, #tpu.memory_space<semaphore_mem>> -> memref<!tpu.dma_semaphore, #tpu.memory_space<semaphore_mem>>
    %dma_wait3A_156 = arith.constant 0 : i32
    %dma_wait3A_157 = arith.constant 0 : i32
    %dma_wait3A_158 = tpu.memref_slice %arg5[%dma_wait3A_146, %dma_wait3A_156, %dma_wait3A_157] : memref<2x8x1024xf32, #tpu.memory_space<vmem>> -> memref<1x8x1024xf32, #tpu.memory_space<vmem>>
    %dma_wait3A_159 = tpu.memref_squeeze %dma_wait3A_158 : memref<1x8x1024xf32, #tpu.memory_space<vmem>> -> memref<8x1024xf32, #tpu.memory_space<vmem>>
    %dma_wait3A_160 = arith.constant 0 : i32
    %dma_wait3A_161 = tpu.memref_slice %arg3[%multiple_of3A_145, %dma_wait3A_160] : memref<96x1024xf32, #tpu.memory_space<hbm>> -> memref<8x1024xf32, #tpu.memory_space<hbm>>
    tpu.wait_dma2 semaphore(%dma_wait3A_155 : memref<!tpu.dma_semaphore, #tpu.memory_space<semaphore_mem>>) src(%dma_wait3A_161 : memref<8x1024xf32, #tpu.memory_space<hbm>>) dst(%dma_wait3A_159 : memref<8x1024xf32, #tpu.memory_space<vmem>>)
    %scan3A = arith.constant 0 : i32
    %scan3A_162 = arith.constant 0 : i32
    %scan3A_163 = arith.constant 512 : i32
    %scan3A_164 = arith.addi %scan3A_162, %scan3A_163 : i32
    %scan3A_165 = arith.constant 8 : i32
    scf.for %scan3A_449 = %scan3A_162 to %scan3A_164 step %scan3A_165  : i32 {
      %jit3A_450 = arith.constant 64 : i32
      %div3A_451 = arith.divsi %scan3A_449, %jit3A_450 : i32
      %sign3A_452 = arith.constant 0 : i32
      %sign3A_453 = arith.cmpi sgt, %scan3A_449, %sign3A_452 : i32
      %sign3A_454 = arith.extui %sign3A_453 : i1 to i32
      %sign3A_455 = arith.constant 0 : i32
      %sign3A_456 = arith.cmpi slt, %scan3A_449, %sign3A_455 : i32
      %sign3A_457 = arith.extui %sign3A_456 : i1 to i32
      %sign3A_458 = arith.subi %sign3A_454, %sign3A_457 : i32
      %sign3A_459 = arith.constant 0 : i32
      %sign3A_460 = arith.cmpi sgt, %jit3A_450, %sign3A_459 : i32
      %sign3A_461 = arith.extui %sign3A_460 : i1 to i32
      %sign3A_462 = arith.constant 0 : i32
      %sign3A_463 = arith.cmpi slt, %jit3A_450, %sign3A_462 : i32
      %sign3A_464 = arith.extui %sign3A_463 : i1 to i32
      %sign3A_465 = arith.subi %sign3A_461, %sign3A_464 : i32
      %ne3A_466 = arith.cmpi ne, %sign3A_458, %sign3A_465 : i32
      %rem3A_467 = arith.remsi %scan3A_449, %jit3A_450 : i32
      %ne3A_468 = arith.constant 0 : i32
      %ne3A_469 = arith.cmpi ne, %rem3A_467, %ne3A_468 : i32
      %and3A_470 = arith.andi %ne3A_466, %ne3A_469 : i1
      %sub3A_471 = arith.constant 1 : i32
      %sub3A_472 = arith.subi %div3A_451, %sub3A_471 : i32
      %select_n3A_473 = arith.select %and3A_470, %sub3A_472, %div3A_451 : i32
      %jit3A_474 = arith.constant 64 : i32
      %eq3A_475 = arith.constant 0 : i32
      %eq3A_476 = arith.cmpi eq, %jit3A_474, %eq3A_475 : i32
      %jit3A_477 = arith.constant 1 : i32
      %select_n3A_478 = arith.select %eq3A_476, %jit3A_477, %jit3A_474 : i32
      %rem3A_479 = arith.remsi %scan3A_449, %select_n3A_478 : i32
      %ne3A_480 = arith.constant 0 : i32
      %ne3A_481 = arith.cmpi ne, %rem3A_479, %ne3A_480 : i32
      %lt3A_482 = arith.constant 0 : i32
      %lt3A_483 = arith.cmpi slt, %rem3A_479, %lt3A_482 : i32
      %lt3A_484 = arith.constant 0 : i32
      %lt3A_485 = arith.cmpi slt, %select_n3A_478, %lt3A_484 : i32
      %ne3A_486 = arith.xori %lt3A_483, %lt3A_485 : i1
      %and3A_487 = arith.andi %ne3A_486, %ne3A_481 : i1
      %add3A_488 = arith.addi %rem3A_479, %select_n3A_478 : i32
      %select_n3A_489 = arith.select %and3A_487, %add3A_488, %rem3A_479 : i32
      %mul3A_490 = arith.constant 16 : i32
      %mul3A_491 = arith.muli %select_n3A_489, %mul3A_490 : i32
      %get3A = arith.constant 0 : i32
      %get3A_492 = arith.index_cast %get3A : i32 to index
      %get3A_493 = arith.index_cast %select_n3A_473 : i32 to index
      %get3A_494 = arith.index_cast %mul3A_491 : i32 to index
      %get3A_495 = tpu.vector_load %arg5[%get3A_492, %get3A_493, %get3A_494] {strides = array<i32>} : memref<2x8x1024xf32, #tpu.memory_space<vmem>>, vector<1x1x16xf32>,
      %get3A_496 = vector.shape_cast %get3A_495 : vector<1x1x16xf32> to vector<16xf32>
      %get3A_497 = arith.constant 0 : i32
      %get3A_498 = arith.constant 0 : i32
      %get3A_499 = arith.index_cast %get3A_497 : i32 to index
      %get3A_500 = arith.index_cast %get3A_498 : i32 to index
      %get3A_501 = arith.index_cast %select_n3A_473 : i32 to index
      %get3A_502 = arith.index_cast %mul3A_491 : i32 to index
      %get3A_503 = tpu.vector_load %arg6[%get3A_499, %get3A_500, %get3A_501, %get3A_502] {strides = array<i32>} : memref<2x2x8x1024xf32, #tpu.memory_space<vmem>>, vector<1x1x1x16xf32>,
      %get3A_504 = vector.shape_cast %get3A_503 : vector<1x1x1x16xf32> to vector<16xf32>
      %add3A_505 = arith.addf %get3A_504, %get3A_496 : vector<16xf32>
      %swap3A = arith.constant 0 : i32
      %swap3A_506 = arith.constant 0 : i32
      %swap3A_507 = arith.index_cast %swap3A : i32 to index
      %swap3A_508 = arith.index_cast %swap3A_506 : i32 to index
      %swap3A_509 = arith.index_cast %select_n3A_473 : i32 to index
      %swap3A_510 = arith.index_cast %mul3A_491 : i32 to index
      %swap3A_511 = tpu.vector_load %arg7[%swap3A_507, %swap3A_508, %swap3A_509, %swap3A_510] {strides = array<i32>} : memref<2x2x8x1024xf32, #tpu.memory_space<vmem>>, vector<1x1x1x16xf32>,
      %swap3A_512 = vector.shape_cast %swap3A_511 : vector<1x1x1x16xf32> to vector<16xf32>
      %swap3A_513 = vector.shape_cast %add3A_505 : vector<16xf32> to vector<1x1x1x16xf32>
      tpu.vector_store %arg7[%swap3A_507, %swap3A_508, %swap3A_509, %swap3A_510], %swap3A_513 {strides = array<i32>} : memref<2x2x8x1024xf32, #tpu.memory_space<vmem>>, vector<1x1x1x16xf32>,
      %get3A_514 = arith.constant 0 : i32
      %get3A_515 = arith.constant 1 : i32
      %get3A_516 = arith.index_cast %get3A_514 : i32 to index
      %get3A_517 = arith.index_cast %get3A_515 : i32 to index
      %get3A_518 = arith.index_cast %select_n3A_473 : i32 to index
      %get3A_519 = arith.index_cast %mul3A_491 : i32 to index
      %get3A_520 = tpu.vector_load %arg6[%get3A_516, %get3A_517, %get3A_518, %get3A_519] {strides = array<i32>} : memref<2x2x8x1024xf32, #tpu.memory_space<vmem>>, vector<1x1x1x16xf32>,
      %get3A_521 = vector.shape_cast %get3A_520 : vector<1x1x1x16xf32> to vector<16xf32>
      %add3A_522 = arith.addf %get3A_521, %get3A_496 : vector<16xf32>
      %swap3A_523 = arith.constant 0 : i32
      %swap3A_524 = arith.constant 1 : i32
      %swap3A_525 = arith.index_cast %swap3A_523 : i32 to index
      %swap3A_526 = arith.index_cast %swap3A_524 : i32 to index
      %swap3A_527 = arith.index_cast %select_n3A_473 : i32 to index
      %swap3A_528 = arith.index_cast %mul3A_491 : i32 to index
      %swap3A_529 = tpu.vector_load %arg7[%swap3A_525, %swap3A_526, %swap3A_527, %swap3A_528] {strides = array<i32>} : memref<2x2x8x1024xf32, #tpu.memory_space<vmem>>, vector<1x1x1x16xf32>,
      %swap3A_530 = vector.shape_cast %swap3A_529 : vector<1x1x1x16xf32> to vector<16xf32>
      %swap3A_531 = vector.shape_cast %add3A_522 : vector<16xf32> to vector<1x1x1x16xf32>
      tpu.vector_store %arg7[%swap3A_525, %swap3A_526, %swap3A_527, %swap3A_528], %swap3A_531 {strides = array<i32>} : memref<2x2x8x1024xf32, #tpu.memory_space<vmem>>, vector<1x1x1x16xf32>,
      %scan3A_532 = arith.constant 1 : i32
      %scan3A_533 = arith.addi %scan3A_449, %scan3A_532 : i32
      %jit3A_534 = arith.constant 64 : i32
      %div3A_535 = arith.divsi %scan3A_533, %jit3A_534 : i32
      %sign3A_536 = arith.constant 0 : i32
      %sign3A_537 = arith.cmpi sgt, %scan3A_533, %sign3A_536 : i32
      %sign3A_538 = arith.extui %sign3A_537 : i1 to i32
      %sign3A_539 = arith.constant 0 : i32
      %sign3A_540 = arith.cmpi slt, %scan3A_533, %sign3A_539 : i32
      %sign3A_541 = arith.extui %sign3A_540 : i1 to i32
      %sign3A_542 = arith.subi %sign3A_538, %sign3A_541 : i32
      %sign3A_543 = arith.constant 0 : i32
      %sign3A_544 = arith.cmpi sgt, %jit3A_534, %sign3A_543 : i32
      %sign3A_545 = arith.extui %sign3A_544 : i1 to i32
      %sign3A_546 = arith.constant 0 : i32
      %sign3A_547 = arith.cmpi slt, %jit3A_534, %sign3A_546 : i32
      %sign3A_548 = arith.extui %sign3A_547 : i1 to i32
      %sign3A_549 = arith.subi %sign3A_545, %sign3A_548 : i32
      %ne3A_550 = arith.cmpi ne, %sign3A_542, %sign3A_549 : i32
      %rem3A_551 = arith.remsi %scan3A_533, %jit3A_534 : i32
      %ne3A_552 = arith.constant 0 : i32
      %ne3A_553 = arith.cmpi ne, %rem3A_551, %ne3A_552 : i32
      %and3A_554 = arith.andi %ne3A_550, %ne3A_553 : i1
      %sub3A_555 = arith.constant 1 : i32
      %sub3A_556 = arith.subi %div3A_535, %sub3A_555 : i32
      %select_n3A_557 = arith.select %and3A_554, %sub3A_556, %div3A_535 : i32
      %jit3A_558 = arith.constant 64 : i32
      %eq3A_559 = arith.constant 0 : i32
      %eq3A_560 = arith.cmpi eq, %jit3A_558, %eq3A_559 : i32
      %jit3A_561 = arith.constant 1 : i32
      %select_n3A_562 = arith.select %eq3A_560, %jit3A_561, %jit3A_558 : i32
      %rem3A_563 = arith.remsi %scan3A_533, %select_n3A_562 : i32
      %ne3A_564 = arith.constant 0 : i32
      %ne3A_565 = arith.cmpi ne, %rem3A_563, %ne3A_564 : i32
      %lt3A_566 = arith.constant 0 : i32
      %lt3A_567 = arith.cmpi slt, %rem3A_563, %lt3A_566 : i32
      %lt3A_568 = arith.constant 0 : i32
      %lt3A_569 = arith.cmpi slt, %select_n3A_562, %lt3A_568 : i32
      %ne3A_570 = arith.xori %lt3A_567, %lt3A_569 : i1
      %and3A_571 = arith.andi %ne3A_570, %ne3A_565 : i1
      %add3A_572 = arith.addi %rem3A_563, %select_n3A_562 : i32
      %select_n3A_573 = arith.select %and3A_571, %add3A_572, %rem3A_563 : i32
      %mul3A_574 = arith.constant 16 : i32
      %mul3A_575 = arith.muli %select_n3A_573, %mul3A_574 : i32
      %get3A_576 = arith.constant 0 : i32
      %get3A_577 = arith.index_cast %get3A_576 : i32 to index
      %get3A_578 = arith.index_cast %select_n3A_557 : i32 to index
      %get3A_579 = arith.index_cast %mul3A_575 : i32 to index
      %get3A_580 = tpu.vector_load %arg5[%get3A_577, %get3A_578, %get3A_579] {strides = array<i32>} : memref<2x8x1024xf32, #tpu.memory_space<vmem>>, vector<1x1x16xf32>,
      %get3A_581 = vector.shape_cast %get3A_580 : vector<1x1x16xf32> to vector<16xf32>
      %get3A_582 = arith.constant 0 : i32
      %get3A_583 = arith.constant 0 : i32
      %get3A_584 = arith.index_cast %get3A_582 : i32 to index
      %get3A_585 = arith.index_cast %get3A_583 : i32 to index
      %get3A_586 = arith.index_cast %select_n3A_557 : i32 to index
      %get3A_587 = arith.index_cast %mul3A_575 : i32 to index
      %get3A_588 = tpu.vector_load %arg6[%get3A_584, %get3A_585, %get3A_586, %get3A_587] {strides = array<i32>} : memref<2x2x8x1024xf32, #tpu.memory_space<vmem>>, vector<1x1x1x16xf32>,
      %get3A_589 = vector.shape_cast %get3A_588 : vector<1x1x1x16xf32> to vector<16xf32>
      %add3A_590 = arith.addf %get3A_589, %get3A_581 : vector<16xf32>
      %swap3A_591 = arith.constant 0 : i32
      %swap3A_592 = arith.constant 0 : i32
      %swap3A_593 = arith.index_cast %swap3A_591 : i32 to index
      %swap3A_594 = arith.index_cast %swap3A_592 : i32 to index
      %swap3A_595 = arith.index_cast %select_n3A_557 : i32 to index
      %swap3A_596 = arith.index_cast %mul3A_575 : i32 to index
      %swap3A_597 = tpu.vector_load %arg7[%swap3A_593, %swap3A_594, %swap3A_595, %swap3A_596] {strides = array<i32>} : memref<2x2x8x1024xf32, #tpu.memory_space<vmem>>, vector<1x1x1x16xf32>,
      %swap3A_598 = vector.shape_cast %swap3A_597 : vector<1x1x1x16xf32> to vector<16xf32>
      %swap3A_599 = vector.shape_cast %add3A_590 : vector<16xf32> to vector<1x1x1x16xf32>
      tpu.vector_store %arg7[%swap3A_593, %swap3A_594, %swap3A_595, %swap3A_596], %swap3A_599 {strides = array<i32>} : memref<2x2x8x1024xf32, #tpu.memory_space<vmem>>, vector<1x1x1x16xf32>,
      %get3A_600 = arith.constant 0 : i32
      %get3A_601 = arith.constant 1 : i32
      %get3A_602 = arith.index_cast %get3A_600 : i32 to index
      %get3A_603 = arith.index_cast %get3A_601 : i32 to index
      %get3A_604 = arith.index_cast %select_n3A_557 : i32 to index
      %get3A_605 = arith.index_cast %mul3A_575 : i32 to index
      %get3A_606 = tpu.vector_load %arg6[%get3A_602, %get3A_603, %get3A_604, %get3A_605] {strides = array<i32>} : memref<2x2x8x1024xf32, #tpu.memory_space<vmem>>, vector<1x1x1x16xf32>,
      %get3A_607 = vector.shape_cast %get3A_606 : vector<1x1x1x16xf32> to vector<16xf32>
      %add3A_608 = arith.addf %get3A_607, %get3A_581 : vector<16xf32>
      %swap3A_609 = arith.constant 0 : i32
      %swap3A_610 = arith.constant 1 : i32
      %swap3A_611 = arith.index_cast %swap3A_609 : i32 to index
      %swap3A_612 = arith.index_cast %swap3A_610 : i32 to index
      %swap3A_613 = arith.index_cast %select_n3A_557 : i32 to index
      %swap3A_614 = arith.index_cast %mul3A_575 : i32 to index
      %swap3A_615 = tpu.vector_load %arg7[%swap3A_611, %swap3A_612, %swap3A_613, %swap3A_614] {strides = array<i32>} : memref<2x2x8x1024xf32, #tpu.memory_space<vmem>>, vector<1x1x1x16xf32>,
      %swap3A_616 = vector.shape_cast %swap3A_615 : vector<1x1x1x16xf32> to vector<16xf32>
      %swap3A_617 = vector.shape_cast %add3A_608 : vector<16xf32> to vector<1x1x1x16xf32>
      tpu.vector_store %arg7[%swap3A_611, %swap3A_612, %swap3A_613, %swap3A_614], %swap3A_617 {strides = array<i32>} : memref<2x2x8x1024xf32, #tpu.memory_space<vmem>>, vector<1x1x1x16xf32>,
      %scan3A_618 = arith.constant 2 : i32
      %scan3A_619 = arith.addi %scan3A_449, %scan3A_618 : i32
      %jit3A_620 = arith.constant 64 : i32
      %div3A_621 = arith.divsi %scan3A_619, %jit3A_620 : i32
      %sign3A_622 = arith.constant 0 : i32
      %sign3A_623 = arith.cmpi sgt, %scan3A_619, %sign3A_622 : i32
      %sign3A_624 = arith.extui %sign3A_623 : i1 to i32
      %sign3A_625 = arith.constant 0 : i32
      %sign3A_626 = arith.cmpi slt, %scan3A_619, %sign3A_625 : i32
      %sign3A_627 = arith.extui %sign3A_626 : i1 to i32
      %sign3A_628 = arith.subi %sign3A_624, %sign3A_627 : i32
      %sign3A_629 = arith.constant 0 : i32
      %sign3A_630 = arith.cmpi sgt, %jit3A_620, %sign3A_629 : i32
      %sign3A_631 = arith.extui %sign3A_630 : i1 to i32
      %sign3A_632 = arith.constant 0 : i32
      %sign3A_633 = arith.cmpi slt, %jit3A_620, %sign3A_632 : i32
      %sign3A_634 = arith.extui %sign3A_633 : i1 to i32
      %sign3A_635 = arith.subi %sign3A_631, %sign3A_634 : i32
      %ne3A_636 = arith.cmpi ne, %sign3A_628, %sign3A_635 : i32
      %rem3A_637 = arith.remsi %scan3A_619, %jit3A_620 : i32
      %ne3A_638 = arith.constant 0 : i32
      %ne3A_639 = arith.cmpi ne, %rem3A_637, %ne3A_638 : i32
      %and3A_640 = arith.andi %ne3A_636, %ne3A_639 : i1
      %sub3A_641 = arith.constant 1 : i32
      %sub3A_642 = arith.subi %div3A_621, %sub3A_641 : i32
      %select_n3A_643 = arith.select %and3A_640, %sub3A_642, %div3A_621 : i32
      %jit3A_644 = arith.constant 64 : i32
      %eq3A_645 = arith.constant 0 : i32
      %eq3A_646 = arith.cmpi eq, %jit3A_644, %eq3A_645 : i32
      %jit3A_647 = arith.constant 1 : i32
      %select_n3A_648 = arith.select %eq3A_646, %jit3A_647, %jit3A_644 : i32
      %rem3A_649 = arith.remsi %scan3A_619, %select_n3A_648 : i32
      %ne3A_650 = arith.constant 0 : i32
      %ne3A_651 = arith.cmpi ne, %rem3A_649, %ne3A_650 : i32
      %lt3A_652 = arith.constant 0 : i32
      %lt3A_653 = arith.cmpi slt, %rem3A_649, %lt3A_652 : i32
      %lt3A_654 = arith.constant 0 : i32
      %lt3A_655 = arith.cmpi slt, %select_n3A_648, %lt3A_654 : i32
      %ne3A_656 = arith.xori %lt3A_653, %lt3A_655 : i1
      %and3A_657 = arith.andi %ne3A_656, %ne3A_651 : i1
      %add3A_658 = arith.addi %rem3A_649, %select_n3A_648 : i32
      %select_n3A_659 = arith.select %and3A_657, %add3A_658, %rem3A_649 : i32
      %mul3A_660 = arith.constant 16 : i32
      %mul3A_661 = arith.muli %select_n3A_659, %mul3A_660 : i32
      %get3A_662 = arith.constant 0 : i32
      %get3A_663 = arith.index_cast %get3A_662 : i32 to index
      %get3A_664 = arith.index_cast %select_n3A_643 : i32 to index
      %get3A_665 = arith.index_cast %mul3A_661 : i32 to index
      %get3A_666 = tpu.vector_load %arg5[%get3A_663, %get3A_664, %get3A_665] {strides = array<i32>} : memref<2x8x1024xf32, #tpu.memory_space<vmem>>, vector<1x1x16xf32>,
      %get3A_667 = vector.shape_cast %get3A_666 : vector<1x1x16xf32> to vector<16xf32>
      %get3A_668 = arith.constant 0 : i32
      %get3A_669 = arith.constant 0 : i32
      %get3A_670 = arith.index_cast %get3A_668 : i32 to index
      %get3A_671 = arith.index_cast %get3A_669 : i32 to index
      %get3A_672 = arith.index_cast %select_n3A_643 : i32 to index
      %get3A_673 = arith.index_cast %mul3A_661 : i32 to index
      %get3A_674 = tpu.vector_load %arg6[%get3A_670, %get3A_671, %get3A_672, %get3A_673] {strides = array<i32>} : memref<2x2x8x1024xf32, #tpu.memory_space<vmem>>, vector<1x1x1x16xf32>,
      %get3A_675 = vector.shape_cast %get3A_674 : vector<1x1x1x16xf32> to vector<16xf32>
      %add3A_676 = arith.addf %get3A_675, %get3A_667 : vector<16xf32>
      %swap3A_677 = arith.constant 0 : i32
      %swap3A_678 = arith.constant 0 : i32
      %swap3A_679 = arith.index_cast %swap3A_677 : i32 to index
      %swap3A_680 = arith.index_cast %swap3A_678 : i32 to index
      %swap3A_681 = arith.index_cast %select_n3A_643 : i32 to index
      %swap3A_682 = arith.index_cast %mul3A_661 : i32 to index
      %swap3A_683 = tpu.vector_load %arg7[%swap3A_679, %swap3A_680, %swap3A_681, %swap3A_682] {strides = array<i32>} : memref<2x2x8x1024xf32, #tpu.memory_space<vmem>>, vector<1x1x1x16xf32>,
      %swap3A_684 = vector.shape_cast %swap3A_683 : vector<1x1x1x16xf32> to vector<16xf32>
      %swap3A_685 = vector.shape_cast %add3A_676 : vector<16xf32> to vector<1x1x1x16xf32>
      tpu.vector_store %arg7[%swap3A_679, %swap3A_680, %swap3A_681, %swap3A_682], %swap3A_685 {strides = array<i32>} : memref<2x2x8x1024xf32, #tpu.memory_space<vmem>>, vector<1x1x1x16xf32>,
      %get3A_686 = arith.constant 0 : i32
      %get3A_687 = arith.constant 1 : i32
      %get3A_688 = arith.index_cast %get3A_686 : i32 to index
      %get3A_689 = arith.index_cast %get3A_687 : i32 to index
      %get3A_690 = arith.index_cast %select_n3A_643 : i32 to index
      %get3A_691 = arith.index_cast %mul3A_661 : i32 to index
      %get3A_692 = tpu.vector_load %arg6[%get3A_688, %get3A_689, %get3A_690, %get3A_691] {strides = array<i32>} : memref<2x2x8x1024xf32, #tpu.memory_space<vmem>>, vector<1x1x1x16xf32>,
      %get3A_693 = vector.shape_cast %get3A_692 : vector<1x1x1x16xf32> to vector<16xf32>
      %add3A_694 = arith.addf %get3A_693, %get3A_667 : vector<16xf32>
      %swap3A_695 = arith.constant 0 : i32
      %swap3A_696 = arith.constant 1 : i32
      %swap3A_697 = arith.index_cast %swap3A_695 : i32 to index
      %swap3A_698 = arith.index_cast %swap3A_696 : i32 to index
      %swap3A_699 = arith.index_cast %select_n3A_643 : i32 to index
      %swap3A_700 = arith.index_cast %mul3A_661 : i32 to index
      %swap3A_701 = tpu.vector_load %arg7[%swap3A_697, %swap3A_698, %swap3A_699, %swap3A_700] {strides = array<i32>} : memref<2x2x8x1024xf32, #tpu.memory_space<vmem>>, vector<1x1x1x16xf32>,
      %swap3A_702 = vector.shape_cast %swap3A_701 : vector<1x1x1x16xf32> to vector<16xf32>
      %swap3A_703 = vector.shape_cast %add3A_694 : vector<16xf32> to vector<1x1x1x16xf32>
      tpu.vector_store %arg7[%swap3A_697, %swap3A_698, %swap3A_699, %swap3A_700], %swap3A_703 {strides = array<i32>} : memref<2x2x8x1024xf32, #tpu.memory_space<vmem>>, vector<1x1x1x16xf32>,
      %scan3A_704 = arith.constant 3 : i32
      %scan3A_705 = arith.addi %scan3A_449, %scan3A_704 : i32
      %jit3A_706 = arith.constant 64 : i32
      %div3A_707 = arith.divsi %scan3A_705, %jit3A_706 : i32
      %sign3A_708 = arith.constant 0 : i32
      %sign3A_709 = arith.cmpi sgt, %scan3A_705, %sign3A_708 : i32
      %sign3A_710 = arith.extui %sign3A_709 : i1 to i32
      %sign3A_711 = arith.constant 0 : i32
      %sign3A_712 = arith.cmpi slt, %scan3A_705, %sign3A_711 : i32
      %sign3A_713 = arith.extui %sign3A_712 : i1 to i32
      %sign3A_714 = arith.subi %sign3A_710, %sign3A_713 : i32
      %sign3A_715 = arith.constant 0 : i32
      %sign3A_716 = arith.cmpi sgt, %jit3A_706, %sign3A_715 : i32
      %sign3A_717 = arith.extui %sign3A_716 : i1 to i32
      %sign3A_718 = arith.constant 0 : i32
      %sign3A_719 = arith.cmpi slt, %jit3A_706, %sign3A_718 : i32
      %sign3A_720 = arith.extui %sign3A_719 : i1 to i32
      %sign3A_721 = arith.subi %sign3A_717, %sign3A_720 : i32
      %ne3A_722 = arith.cmpi ne, %sign3A_714, %sign3A_721 : i32
      %rem3A_723 = arith.remsi %scan3A_705, %jit3A_706 : i32
      %ne3A_724 = arith.constant 0 : i32
      %ne3A_725 = arith.cmpi ne, %rem3A_723, %ne3A_724 : i32
      %and3A_726 = arith.andi %ne3A_722, %ne3A_725 : i1
      %sub3A_727 = arith.constant 1 : i32
      %sub3A_728 = arith.subi %div3A_707, %sub3A_727 : i32
      %select_n3A_729 = arith.select %and3A_726, %sub3A_728, %div3A_707 : i32
      %jit3A_730 = arith.constant 64 : i32
      %eq3A_731 = arith.constant 0 : i32
      %eq3A_732 = arith.cmpi eq, %jit3A_730, %eq3A_731 : i32
      %jit3A_733 = arith.constant 1 : i32
      %select_n3A_734 = arith.select %eq3A_732, %jit3A_733, %jit3A_730 : i32
      %rem3A_735 = arith.remsi %scan3A_705, %select_n3A_734 : i32
      %ne3A_736 = arith.constant 0 : i32
      %ne3A_737 = arith.cmpi ne, %rem3A_735, %ne3A_736 : i32
      %lt3A_738 = arith.constant 0 : i32
      %lt3A_739 = arith.cmpi slt, %rem3A_735, %lt3A_738 : i32
      %lt3A_740 = arith.constant 0 : i32
      %lt3A_741 = arith.cmpi slt, %select_n3A_734, %lt3A_740 : i32
      %ne3A_742 = arith.xori %lt3A_739, %lt3A_741 : i1
      %and3A_743 = arith.andi %ne3A_742, %ne3A_737 : i1
      %add3A_744 = arith.addi %rem3A_735, %select_n3A_734 : i32
      %select_n3A_745 = arith.select %and3A_743, %add3A_744, %rem3A_735 : i32
      %mul3A_746 = arith.constant 16 : i32
      %mul3A_747 = arith.muli %select_n3A_745, %mul3A_746 : i32
      %get3A_748 = arith.constant 0 : i32
      %get3A_749 = arith.index_cast %get3A_748 : i32 to index
      %get3A_750 = arith.index_cast %select_n3A_729 : i32 to index
      %get3A_751 = arith.index_cast %mul3A_747 : i32 to index
      %get3A_752 = tpu.vector_load %arg5[%get3A_749, %get3A_750, %get3A_751] {strides = array<i32>} : memref<2x8x1024xf32, #tpu.memory_space<vmem>>, vector<1x1x16xf32>,
      %get3A_753 = vector.shape_cast %get3A_752 : vector<1x1x16xf32> to vector<16xf32>
      %get3A_754 = arith.constant 0 : i32
      %get3A_755 = arith.constant 0 : i32
      %get3A_756 = arith.index_cast %get3A_754 : i32 to index
      %get3A_757 = arith.index_cast %get3A_755 : i32 to index
      %get3A_758 = arith.index_cast %select_n3A_729 : i32 to index
      %get3A_759 = arith.index_cast %mul3A_747 : i32 to index
      %get3A_760 = tpu.vector_load %arg6[%get3A_756, %get3A_757, %get3A_758, %get3A_759] {strides = array<i32>} : memref<2x2x8x1024xf32, #tpu.memory_space<vmem>>, vector<1x1x1x16xf32>,
      %get3A_761 = vector.shape_cast %get3A_760 : vector<1x1x1x16xf32> to vector<16xf32>
      %add3A_762 = arith.addf %get3A_761, %get3A_753 : vector<16xf32>
      %swap3A_763 = arith.constant 0 : i32
      %swap3A_764 = arith.constant 0 : i32
      %swap3A_765 = arith.index_cast %swap3A_763 : i32 to index
      %swap3A_766 = arith.index_cast %swap3A_764 : i32 to index
      %swap3A_767 = arith.index_cast %select_n3A_729 : i32 to index
      %swap3A_768 = arith.index_cast %mul3A_747 : i32 to index
      %swap3A_769 = tpu.vector_load %arg7[%swap3A_765, %swap3A_766, %swap3A_767, %swap3A_768] {strides = array<i32>} : memref<2x2x8x1024xf32, #tpu.memory_space<vmem>>, vector<1x1x1x16xf32>,
      %swap3A_770 = vector.shape_cast %swap3A_769 : vector<1x1x1x16xf32> to vector<16xf32>
      %swap3A_771 = vector.shape_cast %add3A_762 : vector<16xf32> to vector<1x1x1x16xf32>
      tpu.vector_store %arg7[%swap3A_765, %swap3A_766, %swap3A_767, %swap3A_768], %swap3A_771 {strides = array<i32>} : memref<2x2x8x1024xf32, #tpu.memory_space<vmem>>, vector<1x1x1x16xf32>,
      %get3A_772 = arith.constant 0 : i32
      %get3A_773 = arith.constant 1 : i32
      %get3A_774 = arith.index_cast %get3A_772 : i32 to index
      %get3A_775 = arith.index_cast %get3A_773 : i32 to index
      %get3A_776 = arith.index_cast %select_n3A_729 : i32 to index
      %get3A_777 = arith.index_cast %mul3A_747 : i32 to index
      %get3A_778 = tpu.vector_load %arg6[%get3A_774, %get3A_775, %get3A_776, %get3A_777] {strides = array<i32>} : memref<2x2x8x1024xf32, #tpu.memory_space<vmem>>, vector<1x1x1x16xf32>,
      %get3A_779 = vector.shape_cast %get3A_778 : vector<1x1x1x16xf32> to vector<16xf32>
      %add3A_780 = arith.addf %get3A_779, %get3A_753 : vector<16xf32>
      %swap3A_781 = arith.constant 0 : i32
      %swap3A_782 = arith.constant 1 : i32
      %swap3A_783 = arith.index_cast %swap3A_781 : i32 to index
      %swap3A_784 = arith.index_cast %swap3A_782 : i32 to index
      %swap3A_785 = arith.index_cast %select_n3A_729 : i32 to index
      %swap3A_786 = arith.index_cast %mul3A_747 : i32 to index
      %swap3A_787 = tpu.vector_load %arg7[%swap3A_783, %swap3A_784, %swap3A_785, %swap3A_786] {strides = array<i32>} : memref<2x2x8x1024xf32, #tpu.memory_space<vmem>>, vector<1x1x1x16xf32>,
      %swap3A_788 = vector.shape_cast %swap3A_787 : vector<1x1x1x16xf32> to vector<16xf32>
      %swap3A_789 = vector.shape_cast %add3A_780 : vector<16xf32> to vector<1x1x1x16xf32>
      tpu.vector_store %arg7[%swap3A_783, %swap3A_784, %swap3A_785, %swap3A_786], %swap3A_789 {strides = array<i32>} : memref<2x2x8x1024xf32, #tpu.memory_space<vmem>>, vector<1x1x1x16xf32>,
      %scan3A_790 = arith.constant 4 : i32
      %scan3A_791 = arith.addi %scan3A_449, %scan3A_790 : i32
      %jit3A_792 = arith.constant 64 : i32
      %div3A_793 = arith.divsi %scan3A_791, %jit3A_792 : i32
      %sign3A_794 = arith.constant 0 : i32
      %sign3A_795 = arith.cmpi sgt, %scan3A_791, %sign3A_794 : i32
      %sign3A_796 = arith.extui %sign3A_795 : i1 to i32
      %sign3A_797 = arith.constant 0 : i32
      %sign3A_798 = arith.cmpi slt, %scan3A_791, %sign3A_797 : i32
      %sign3A_799 = arith.extui %sign3A_798 : i1 to i32
      %sign3A_800 = arith.subi %sign3A_796, %sign3A_799 : i32
      %sign3A_801 = arith.constant 0 : i32
      %sign3A_802 = arith.cmpi sgt, %jit3A_792, %sign3A_801 : i32
      %sign3A_803 = arith.extui %sign3A_802 : i1 to i32
      %sign3A_804 = arith.constant 0 : i32
      %sign3A_805 = arith.cmpi slt, %jit3A_792, %sign3A_804 : i32
      %sign3A_806 = arith.extui %sign3A_805 : i1 to i32
      %sign3A_807 = arith.subi %sign3A_803, %sign3A_806 : i32
      %ne3A_808 = arith.cmpi ne, %sign3A_800, %sign3A_807 : i32
      %rem3A_809 = arith.remsi %scan3A_791, %jit3A_792 : i32
      %ne3A_810 = arith.constant 0 : i32
      %ne3A_811 = arith.cmpi ne, %rem3A_809, %ne3A_810 : i32
      %and3A_812 = arith.andi %ne3A_808, %ne3A_811 : i1
      %sub3A_813 = arith.constant 1 : i32
      %sub3A_814 = arith.subi %div3A_793, %sub3A_813 : i32
      %select_n3A_815 = arith.select %and3A_812, %sub3A_814, %div3A_793 : i32
      %jit3A_816 = arith.constant 64 : i32
      %eq3A_817 = arith.constant 0 : i32
      %eq3A_818 = arith.cmpi eq, %jit3A_816, %eq3A_817 : i32
      %jit3A_819 = arith.constant 1 : i32
      %select_n3A_820 = arith.select %eq3A_818, %jit3A_819, %jit3A_816 : i32
      %rem3A_821 = arith.remsi %scan3A_791, %select_n3A_820 : i32
      %ne3A_822 = arith.constant 0 : i32
      %ne3A_823 = arith.cmpi ne, %rem3A_821, %ne3A_822 : i32
      %lt3A_824 = arith.constant 0 : i32
      %lt3A_825 = arith.cmpi slt, %rem3A_821, %lt3A_824 : i32
      %lt3A_826 = arith.constant 0 : i32
      %lt3A_827 = arith.cmpi slt, %select_n3A_820, %lt3A_826 : i32
      %ne3A_828 = arith.xori %lt3A_825, %lt3A_827 : i1
      %and3A_829 = arith.andi %ne3A_828, %ne3A_823 : i1
      %add3A_830 = arith.addi %rem3A_821, %select_n3A_820 : i32
      %select_n3A_831 = arith.select %and3A_829, %add3A_830, %rem3A_821 : i32
      %mul3A_832 = arith.constant 16 : i32
      %mul3A_833 = arith.muli %select_n3A_831, %mul3A_832 : i32
      %get3A_834 = arith.constant 0 : i32
      %get3A_835 = arith.index_cast %get3A_834 : i32 to index
      %get3A_836 = arith.index_cast %select_n3A_815 : i32 to index
      %get3A_837 = arith.index_cast %mul3A_833 : i32 to index
      %get3A_838 = tpu.vector_load %arg5[%get3A_835, %get3A_836, %get3A_837] {strides = array<i32>} : memref<2x8x1024xf32, #tpu.memory_space<vmem>>, vector<1x1x16xf32>,
      %get3A_839 = vector.shape_cast %get3A_838 : vector<1x1x16xf32> to vector<16xf32>
      %get3A_840 = arith.constant 0 : i32
      %get3A_841 = arith.constant 0 : i32
      %get3A_842 = arith.index_cast %get3A_840 : i32 to index
      %get3A_843 = arith.index_cast %get3A_841 : i32 to index
      %get3A_844 = arith.index_cast %select_n3A_815 : i32 to index
      %get3A_845 = arith.index_cast %mul3A_833 : i32 to index
      %get3A_846 = tpu.vector_load %arg6[%get3A_842, %get3A_843, %get3A_844, %get3A_845] {strides = array<i32>} : memref<2x2x8x1024xf32, #tpu.memory_space<vmem>>, vector<1x1x1x16xf32>,
      %get3A_847 = vector.shape_cast %get3A_846 : vector<1x1x1x16xf32> to vector<16xf32>
      %add3A_848 = arith.addf %get3A_847, %get3A_839 : vector<16xf32>
      %swap3A_849 = arith.constant 0 : i32
      %swap3A_850 = arith.constant 0 : i32
      %swap3A_851 = arith.index_cast %swap3A_849 : i32 to index
      %swap3A_852 = arith.index_cast %swap3A_850 : i32 to index
      %swap3A_853 = arith.index_cast %select_n3A_815 : i32 to index
      %swap3A_854 = arith.index_cast %mul3A_833 : i32 to index
      %swap3A_855 = tpu.vector_load %arg7[%swap3A_851, %swap3A_852, %swap3A_853, %swap3A_854] {strides = array<i32>} : memref<2x2x8x1024xf32, #tpu.memory_space<vmem>>, vector<1x1x1x16xf32>,
      %swap3A_856 = vector.shape_cast %swap3A_855 : vector<1x1x1x16xf32> to vector<16xf32>
      %swap3A_857 = vector.shape_cast %add3A_848 : vector<16xf32> to vector<1x1x1x16xf32>
      tpu.vector_store %arg7[%swap3A_851, %swap3A_852, %swap3A_853, %swap3A_854], %swap3A_857 {strides = array<i32>} : memref<2x2x8x1024xf32, #tpu.memory_space<vmem>>, vector<1x1x1x16xf32>,
      %get3A_858 = arith.constant 0 : i32
      %get3A_859 = arith.constant 1 : i32
      %get3A_860 = arith.index_cast %get3A_858 : i32 to index
      %get3A_861 = arith.index_cast %get3A_859 : i32 to index
      %get3A_862 = arith.index_cast %select_n3A_815 : i32 to index
      %get3A_863 = arith.index_cast %mul3A_833 : i32 to index
      %get3A_864 = tpu.vector_load %arg6[%get3A_860, %get3A_861, %get3A_862, %get3A_863] {strides = array<i32>} : memref<2x2x8x1024xf32, #tpu.memory_space<vmem>>, vector<1x1x1x16xf32>,
      %get3A_865 = vector.shape_cast %get3A_864 : vector<1x1x1x16xf32> to vector<16xf32>
      %add3A_866 = arith.addf %get3A_865, %get3A_839 : vector<16xf32>
      %swap3A_867 = arith.constant 0 : i32
      %swap3A_868 = arith.constant 1 : i32
      %swap3A_869 = arith.index_cast %swap3A_867 : i32 to index
      %swap3A_870 = arith.index_cast %swap3A_868 : i32 to index
      %swap3A_871 = arith.index_cast %select_n3A_815 : i32 to index
      %swap3A_872 = arith.index_cast %mul3A_833 : i32 to index
      %swap3A_873 = tpu.vector_load %arg7[%swap3A_869, %swap3A_870, %swap3A_871, %swap3A_872] {strides = array<i32>} : memref<2x2x8x1024xf32, #tpu.memory_space<vmem>>, vector<1x1x1x16xf32>,
      %swap3A_874 = vector.shape_cast %swap3A_873 : vector<1x1x1x16xf32> to vector<16xf32>
      %swap3A_875 = vector.shape_cast %add3A_866 : vector<16xf32> to vector<1x1x1x16xf32>
      tpu.vector_store %arg7[%swap3A_869, %swap3A_870, %swap3A_871, %swap3A_872], %swap3A_875 {strides = array<i32>} : memref<2x2x8x1024xf32, #tpu.memory_space<vmem>>, vector<1x1x1x16xf32>,
      %scan3A_876 = arith.constant 5 : i32
      %scan3A_877 = arith.addi %scan3A_449, %scan3A_876 : i32
      %jit3A_878 = arith.constant 64 : i32
      %div3A_879 = arith.divsi %scan3A_877, %jit3A_878 : i32
      %sign3A_880 = arith.constant 0 : i32
      %sign3A_881 = arith.cmpi sgt, %scan3A_877, %sign3A_880 : i32
      %sign3A_882 = arith.extui %sign3A_881 : i1 to i32
      %sign3A_883 = arith.constant 0 : i32
      %sign3A_884 = arith.cmpi slt, %scan3A_877, %sign3A_883 : i32
      %sign3A_885 = arith.extui %sign3A_884 : i1 to i32
      %sign3A_886 = arith.subi %sign3A_882, %sign3A_885 : i32
      %sign3A_887 = arith.constant 0 : i32
      %sign3A_888 = arith.cmpi sgt, %jit3A_878, %sign3A_887 : i32
      %sign3A_889 = arith.extui %sign3A_888 : i1 to i32
      %sign3A_890 = arith.constant 0 : i32
      %sign3A_891 = arith.cmpi slt, %jit3A_878, %sign3A_890 : i32
      %sign3A_892 = arith.extui %sign3A_891 : i1 to i32
      %sign3A_893 = arith.subi %sign3A_889, %sign3A_892 : i32
      %ne3A_894 = arith.cmpi ne, %sign3A_886, %sign3A_893 : i32
      %rem3A_895 = arith.remsi %scan3A_877, %jit3A_878 : i32
      %ne3A_896 = arith.constant 0 : i32
      %ne3A_897 = arith.cmpi ne, %rem3A_895, %ne3A_896 : i32
      %and3A_898 = arith.andi %ne3A_894, %ne3A_897 : i1
      %sub3A_899 = arith.constant 1 : i32
      %sub3A_900 = arith.subi %div3A_879, %sub3A_899 : i32
      %select_n3A_901 = arith.select %and3A_898, %sub3A_900, %div3A_879 : i32
      %jit3A_902 = arith.constant 64 : i32
      %eq3A_903 = arith.constant 0 : i32
      %eq3A_904 = arith.cmpi eq, %jit3A_902, %eq3A_903 : i32
      %jit3A_905 = arith.constant 1 : i32
      %select_n3A_906 = arith.select %eq3A_904, %jit3A_905, %jit3A_902 : i32
      %rem3A_907 = arith.remsi %scan3A_877, %select_n3A_906 : i32
      %ne3A_908 = arith.constant 0 : i32
      %ne3A_909 = arith.cmpi ne, %rem3A_907, %ne3A_908 : i32
      %lt3A_910 = arith.constant 0 : i32
      %lt3A_911 = arith.cmpi slt, %rem3A_907, %lt3A_910 : i32
      %lt3A_912 = arith.constant 0 : i32
      %lt3A_913 = arith.cmpi slt, %select_n3A_906, %lt3A_912 : i32
      %ne3A_914 = arith.xori %lt3A_911, %lt3A_913 : i1
      %and3A_915 = arith.andi %ne3A_914, %ne3A_909 : i1
      %add3A_916 = arith.addi %rem3A_907, %select_n3A_906 : i32
      %select_n3A_917 = arith.select %and3A_915, %add3A_916, %rem3A_907 : i32
      %mul3A_918 = arith.constant 16 : i32
      %mul3A_919 = arith.muli %select_n3A_917, %mul3A_918 : i32
      %get3A_920 = arith.constant 0 : i32
      %get3A_921 = arith.index_cast %get3A_920 : i32 to index
      %get3A_922 = arith.index_cast %select_n3A_901 : i32 to index
      %get3A_923 = arith.index_cast %mul3A_919 : i32 to index
      %get3A_924 = tpu.vector_load %arg5[%get3A_921, %get3A_922, %get3A_923] {strides = array<i32>} : memref<2x8x1024xf32, #tpu.memory_space<vmem>>, vector<1x1x16xf32>,
      %get3A_925 = vector.shape_cast %get3A_924 : vector<1x1x16xf32> to vector<16xf32>
      %get3A_926 = arith.constant 0 : i32
      %get3A_927 = arith.constant 0 : i32
      %get3A_928 = arith.index_cast %get3A_926 : i32 to index
      %get3A_929 = arith.index_cast %get3A_927 : i32 to index
      %get3A_930 = arith.index_cast %select_n3A_901 : i32 to index
      %get3A_931 = arith.index_cast %mul3A_919 : i32 to index
      %get3A_932 = tpu.vector_load %arg6[%get3A_928, %get3A_929, %get3A_930, %get3A_931] {strides = array<i32>} : memref<2x2x8x1024xf32, #tpu.memory_space<vmem>>, vector<1x1x1x16xf32>,
      %get3A_933 = vector.shape_cast %get3A_932 : vector<1x1x1x16xf32> to vector<16xf32>
      %add3A_934 = arith.addf %get3A_933, %get3A_925 : vector<16xf32>
      %swap3A_935 = arith.constant 0 : i32
      %swap3A_936 = arith.constant 0 : i32
      %swap3A_937 = arith.index_cast %swap3A_935 : i32 to index
      %swap3A_938 = arith.index_cast %swap3A_936 : i32 to index
      %swap3A_939 = arith.index_cast %select_n3A_901 : i32 to index
      %swap3A_940 = arith.index_cast %mul3A_919 : i32 to index
      %swap3A_941 = tpu.vector_load %arg7[%swap3A_937, %swap3A_938, %swap3A_939, %swap3A_940] {strides = array<i32>} : memref<2x2x8x1024xf32, #tpu.memory_space<vmem>>, vector<1x1x1x16xf32>,
      %swap3A_942 = vector.shape_cast %swap3A_941 : vector<1x1x1x16xf32> to vector<16xf32>
      %swap3A_943 = vector.shape_cast %add3A_934 : vector<16xf32> to vector<1x1x1x16xf32>
      tpu.vector_store %arg7[%swap3A_937, %swap3A_938, %swap3A_939, %swap3A_940], %swap3A_943 {strides = array<i32>} : memref<2x2x8x1024xf32, #tpu.memory_space<vmem>>, vector<1x1x1x16xf32>,
      %get3A_944 = arith.constant 0 : i32
      %get3A_945 = arith.constant 1 : i32
      %get3A_946 = arith.index_cast %get3A_944 : i32 to index
      %get3A_947 = arith.index_cast %get3A_945 : i32 to index
      %get3A_948 = arith.index_cast %select_n3A_901 : i32 to index
      %get3A_949 = arith.index_cast %mul3A_919 : i32 to index
      %get3A_950 = tpu.vector_load %arg6[%get3A_946, %get3A_947, %get3A_948, %get3A_949] {strides = array<i32>} : memref<2x2x8x1024xf32, #tpu.memory_space<vmem>>, vector<1x1x1x16xf32>,
      %get3A_951 = vector.shape_cast %get3A_950 : vector<1x1x1x16xf32> to vector<16xf32>
      %add3A_952 = arith.addf %get3A_951, %get3A_925 : vector<16xf32>
      %swap3A_953 = arith.constant 0 : i32
      %swap3A_954 = arith.constant 1 : i32
      %swap3A_955 = arith.index_cast %swap3A_953 : i32 to index
      %swap3A_956 = arith.index_cast %swap3A_954 : i32 to index
      %swap3A_957 = arith.index_cast %select_n3A_901 : i32 to index
      %swap3A_958 = arith.index_cast %mul3A_919 : i32 to index
      %swap3A_959 = tpu.vector_load %arg7[%swap3A_955, %swap3A_956, %swap3A_957, %swap3A_958] {strides = array<i32>} : memref<2x2x8x1024xf32, #tpu.memory_space<vmem>>, vector<1x1x1x16xf32>,
      %swap3A_960 = vector.shape_cast %swap3A_959 : vector<1x1x1x16xf32> to vector<16xf32>
      %swap3A_961 = vector.shape_cast %add3A_952 : vector<16xf32> to vector<1x1x1x16xf32>
      tpu.vector_store %arg7[%swap3A_955, %swap3A_956, %swap3A_957, %swap3A_958], %swap3A_961 {strides = array<i32>} : memref<2x2x8x1024xf32, #tpu.memory_space<vmem>>, vector<1x1x1x16xf32>,
      %scan3A_962 = arith.constant 6 : i32
      %scan3A_963 = arith.addi %scan3A_449, %scan3A_962 : i32
      %jit3A_964 = arith.constant 64 : i32
      %div3A_965 = arith.divsi %scan3A_963, %jit3A_964 : i32
      %sign3A_966 = arith.constant 0 : i32
      %sign3A_967 = arith.cmpi sgt, %scan3A_963, %sign3A_966 : i32
      %sign3A_968 = arith.extui %sign3A_967 : i1 to i32
      %sign3A_969 = arith.constant 0 : i32
      %sign3A_970 = arith.cmpi slt, %scan3A_963, %sign3A_969 : i32
      %sign3A_971 = arith.extui %sign3A_970 : i1 to i32
      %sign3A_972 = arith.subi %sign3A_968, %sign3A_971 : i32
      %sign3A_973 = arith.constant 0 : i32
      %sign3A_974 = arith.cmpi sgt, %jit3A_964, %sign3A_973 : i32
      %sign3A_975 = arith.extui %sign3A_974 : i1 to i32
      %sign3A_976 = arith.constant 0 : i32
      %sign3A_977 = arith.cmpi slt, %jit3A_964, %sign3A_976 : i32
      %sign3A_978 = arith.extui %sign3A_977 : i1 to i32
      %sign3A_979 = arith.subi %sign3A_975, %sign3A_978 : i32
      %ne3A_980 = arith.cmpi ne, %sign3A_972, %sign3A_979 : i32
      %rem3A_981 = arith.remsi %scan3A_963, %jit3A_964 : i32
      %ne3A_982 = arith.constant 0 : i32
      %ne3A_983 = arith.cmpi ne, %rem3A_981, %ne3A_982 : i32
      %and3A_984 = arith.andi %ne3A_980, %ne3A_983 : i1
      %sub3A_985 = arith.constant 1 : i32
      %sub3A_986 = arith.subi %div3A_965, %sub3A_985 : i32
      %select_n3A_987 = arith.select %and3A_984, %sub3A_986, %div3A_965 : i32
      %jit3A_988 = arith.constant 64 : i32
      %eq3A_989 = arith.constant 0 : i32
      %eq3A_990 = arith.cmpi eq, %jit3A_988, %eq3A_989 : i32
      %jit3A_991 = arith.constant 1 : i32
      %select_n3A_992 = arith.select %eq3A_990, %jit3A_991, %jit3A_988 : i32
      %rem3A_993 = arith.remsi %scan3A_963, %select_n3A_992 : i32
      %ne3A_994 = arith.constant 0 : i32
      %ne3A_995 = arith.cmpi ne, %rem3A_993, %ne3A_994 : i32
      %lt3A_996 = arith.constant 0 : i32
      %lt3A_997 = arith.cmpi slt, %rem3A_993, %lt3A_996 : i32
      %lt3A_998 = arith.constant 0 : i32
      %lt3A_999 = arith.cmpi slt, %select_n3A_992, %lt3A_998 : i32
      %ne3A_1000 = arith.xori %lt3A_997, %lt3A_999 : i1
      %and3A_1001 = arith.andi %ne3A_1000, %ne3A_995 : i1
      %add3A_1002 = arith.addi %rem3A_993, %select_n3A_992 : i32
      %select_n3A_1003 = arith.select %and3A_1001, %add3A_1002, %rem3A_993 : i32
      %mul3A_1004 = arith.constant 16 : i32
      %mul3A_1005 = arith.muli %select_n3A_1003, %mul3A_1004 : i32
      %get3A_1006 = arith.constant 0 : i32
      %get3A_1007 = arith.index_cast %get3A_1006 : i32 to index
      %get3A_1008 = arith.index_cast %select_n3A_987 : i32 to index
      %get3A_1009 = arith.index_cast %mul3A_1005 : i32 to index
      %get3A_1010 = tpu.vector_load %arg5[%get3A_1007, %get3A_1008, %get3A_1009] {strides = array<i32>} : memref<2x8x1024xf32, #tpu.memory_space<vmem>>, vector<1x1x16xf32>,
      %get3A_1011 = vector.shape_cast %get3A_1010 : vector<1x1x16xf32> to vector<16xf32>
      %get3A_1012 = arith.constant 0 : i32
      %get3A_1013 = arith.constant 0 : i32
      %get3A_1014 = arith.index_cast %get3A_1012 : i32 to index
      %get3A_1015 = arith.index_cast %get3A_1013 : i32 to index
      %get3A_1016 = arith.index_cast %select_n3A_987 : i32 to index
      %get3A_1017 = arith.index_cast %mul3A_1005 : i32 to index
      %get3A_1018 = tpu.vector_load %arg6[%get3A_1014, %get3A_1015, %get3A_1016, %get3A_1017] {strides = array<i32>} : memref<2x2x8x1024xf32, #tpu.memory_space<vmem>>, vector<1x1x1x16xf32>,
      %get3A_1019 = vector.shape_cast %get3A_1018 : vector<1x1x1x16xf32> to vector<16xf32>
      %add3A_1020 = arith.addf %get3A_1019, %get3A_1011 : vector<16xf32>
      %swap3A_1021 = arith.constant 0 : i32
      %swap3A_1022 = arith.constant 0 : i32
      %swap3A_1023 = arith.index_cast %swap3A_1021 : i32 to index
      %swap3A_1024 = arith.index_cast %swap3A_1022 : i32 to index
      %swap3A_1025 = arith.index_cast %select_n3A_987 : i32 to index
      %swap3A_1026 = arith.index_cast %mul3A_1005 : i32 to index
      %swap3A_1027 = tpu.vector_load %arg7[%swap3A_1023, %swap3A_1024, %swap3A_1025, %swap3A_1026] {strides = array<i32>} : memref<2x2x8x1024xf32, #tpu.memory_space<vmem>>, vector<1x1x1x16xf32>,
      %swap3A_1028 = vector.shape_cast %swap3A_1027 : vector<1x1x1x16xf32> to vector<16xf32>
      %swap3A_1029 = vector.shape_cast %add3A_1020 : vector<16xf32> to vector<1x1x1x16xf32>
      tpu.vector_store %arg7[%swap3A_1023, %swap3A_1024, %swap3A_1025, %swap3A_1026], %swap3A_1029 {strides = array<i32>} : memref<2x2x8x1024xf32, #tpu.memory_space<vmem>>, vector<1x1x1x16xf32>,
      %get3A_1030 = arith.constant 0 : i32
      %get3A_1031 = arith.constant 1 : i32
      %get3A_1032 = arith.index_cast %get3A_1030 : i32 to index
      %get3A_1033 = arith.index_cast %get3A_1031 : i32 to index
      %get3A_1034 = arith.index_cast %select_n3A_987 : i32 to index
      %get3A_1035 = arith.index_cast %mul3A_1005 : i32 to index
      %get3A_1036 = tpu.vector_load %arg6[%get3A_1032, %get3A_1033, %get3A_1034, %get3A_1035] {strides = array<i32>} : memref<2x2x8x1024xf32, #tpu.memory_space<vmem>>, vector<1x1x1x16xf32>,
      %get3A_1037 = vector.shape_cast %get3A_1036 : vector<1x1x1x16xf32> to vector<16xf32>
      %add3A_1038 = arith.addf %get3A_1037, %get3A_1011 : vector<16xf32>
      %swap3A_1039 = arith.constant 0 : i32
      %swap3A_1040 = arith.constant 1 : i32
      %swap3A_1041 = arith.index_cast %swap3A_1039 : i32 to index
      %swap3A_1042 = arith.index_cast %swap3A_1040 : i32 to index
      %swap3A_1043 = arith.index_cast %select_n3A_987 : i32 to index
      %swap3A_1044 = arith.index_cast %mul3A_1005 : i32 to index
      %swap3A_1045 = tpu.vector_load %arg7[%swap3A_1041, %swap3A_1042, %swap3A_1043, %swap3A_1044] {strides = array<i32>} : memref<2x2x8x1024xf32, #tpu.memory_space<vmem>>, vector<1x1x1x16xf32>,
      %swap3A_1046 = vector.shape_cast %swap3A_1045 : vector<1x1x1x16xf32> to vector<16xf32>
      %swap3A_1047 = vector.shape_cast %add3A_1038 : vector<16xf32> to vector<1x1x1x16xf32>
      tpu.vector_store %arg7[%swap3A_1041, %swap3A_1042, %swap3A_1043, %swap3A_1044], %swap3A_1047 {strides = array<i32>} : memref<2x2x8x1024xf32, #tpu.memory_space<vmem>>, vector<1x1x1x16xf32>,
      %scan3A_1048 = arith.constant 7 : i32
      %scan3A_1049 = arith.addi %scan3A_449, %scan3A_1048 : i32
      %jit3A_1050 = arith.constant 64 : i32
      %div3A_1051 = arith.divsi %scan3A_1049, %jit3A_1050 : i32
      %sign3A_1052 = arith.constant 0 : i32
      %sign3A_1053 = arith.cmpi sgt, %scan3A_1049, %sign3A_1052 : i32
      %sign3A_1054 = arith.extui %sign3A_1053 : i1 to i32
      %sign3A_1055 = arith.constant 0 : i32
      %sign3A_1056 = arith.cmpi slt, %scan3A_1049, %sign3A_1055 : i32
      %sign3A_1057 = arith.extui %sign3A_1056 : i1 to i32
      %sign3A_1058 = arith.subi %sign3A_1054, %sign3A_1057 : i32
      %sign3A_1059 = arith.constant 0 : i32
      %sign3A_1060 = arith.cmpi sgt, %jit3A_1050, %sign3A_1059 : i32
      %sign3A_1061 = arith.extui %sign3A_1060 : i1 to i32
      %sign3A_1062 = arith.constant 0 : i32
      %sign3A_1063 = arith.cmpi slt, %jit3A_1050, %sign3A_1062 : i32
      %sign3A_1064 = arith.extui %sign3A_1063 : i1 to i32
      %sign3A_1065 = arith.subi %sign3A_1061, %sign3A_1064 : i32
      %ne3A_1066 = arith.cmpi ne, %sign3A_1058, %sign3A_1065 : i32
      %rem3A_1067 = arith.remsi %scan3A_1049, %jit3A_1050 : i32
      %ne3A_1068 = arith.constant 0 : i32
      %ne3A_1069 = arith.cmpi ne, %rem3A_1067, %ne3A_1068 : i32
      %and3A_1070 = arith.andi %ne3A_1066, %ne3A_1069 : i1
      %sub3A_1071 = arith.constant 1 : i32
      %sub3A_1072 = arith.subi %div3A_1051, %sub3A_1071 : i32
      %select_n3A_1073 = arith.select %and3A_1070, %sub3A_1072, %div3A_1051 : i32
      %jit3A_1074 = arith.constant 64 : i32
      %eq3A_1075 = arith.constant 0 : i32
      %eq3A_1076 = arith.cmpi eq, %jit3A_1074, %eq3A_1075 : i32
      %jit3A_1077 = arith.constant 1 : i32
      %select_n3A_1078 = arith.select %eq3A_1076, %jit3A_1077, %jit3A_1074 : i32
      %rem3A_1079 = arith.remsi %scan3A_1049, %select_n3A_1078 : i32
      %ne3A_1080 = arith.constant 0 : i32
      %ne3A_1081 = arith.cmpi ne, %rem3A_1079, %ne3A_1080 : i32
      %lt3A_1082 = arith.constant 0 : i32
      %lt3A_1083 = arith.cmpi slt, %rem3A_1079, %lt3A_1082 : i32
      %lt3A_1084 = arith.constant 0 : i32
      %lt3A_1085 = arith.cmpi slt, %select_n3A_1078, %lt3A_1084 : i32
      %ne3A_1086 = arith.xori %lt3A_1083, %lt3A_1085 : i1
      %and3A_1087 = arith.andi %ne3A_1086, %ne3A_1081 : i1
      %add3A_1088 = arith.addi %rem3A_1079, %select_n3A_1078 : i32
      %select_n3A_1089 = arith.select %and3A_1087, %add3A_1088, %rem3A_1079 : i32
      %mul3A_1090 = arith.constant 16 : i32
      %mul3A_1091 = arith.muli %select_n3A_1089, %mul3A_1090 : i32
      %get3A_1092 = arith.constant 0 : i32
      %get3A_1093 = arith.index_cast %get3A_1092 : i32 to index
      %get3A_1094 = arith.index_cast %select_n3A_1073 : i32 to index
      %get3A_1095 = arith.index_cast %mul3A_1091 : i32 to index
      %get3A_1096 = tpu.vector_load %arg5[%get3A_1093, %get3A_1094, %get3A_1095] {strides = array<i32>} : memref<2x8x1024xf32, #tpu.memory_space<vmem>>, vector<1x1x16xf32>,
      %get3A_1097 = vector.shape_cast %get3A_1096 : vector<1x1x16xf32> to vector<16xf32>
      %get3A_1098 = arith.constant 0 : i32
      %get3A_1099 = arith.constant 0 : i32
      %get3A_1100 = arith.index_cast %get3A_1098 : i32 to index
      %get3A_1101 = arith.index_cast %get3A_1099 : i32 to index
      %get3A_1102 = arith.index_cast %select_n3A_1073 : i32 to index
      %get3A_1103 = arith.index_cast %mul3A_1091 : i32 to index
      %get3A_1104 = tpu.vector_load %arg6[%get3A_1100, %get3A_1101, %get3A_1102, %get3A_1103] {strides = array<i32>} : memref<2x2x8x1024xf32, #tpu.memory_space<vmem>>, vector<1x1x1x16xf32>,
      %get3A_1105 = vector.shape_cast %get3A_1104 : vector<1x1x1x16xf32> to vector<16xf32>
      %add3A_1106 = arith.addf %get3A_1105, %get3A_1097 : vector<16xf32>
      %swap3A_1107 = arith.constant 0 : i32
      %swap3A_1108 = arith.constant 0 : i32
      %swap3A_1109 = arith.index_cast %swap3A_1107 : i32 to index
      %swap3A_1110 = arith.index_cast %swap3A_1108 : i32 to index
      %swap3A_1111 = arith.index_cast %select_n3A_1073 : i32 to index
      %swap3A_1112 = arith.index_cast %mul3A_1091 : i32 to index
      %swap3A_1113 = tpu.vector_load %arg7[%swap3A_1109, %swap3A_1110, %swap3A_1111, %swap3A_1112] {strides = array<i32>} : memref<2x2x8x1024xf32, #tpu.memory_space<vmem>>, vector<1x1x1x16xf32>,
      %swap3A_1114 = vector.shape_cast %swap3A_1113 : vector<1x1x1x16xf32> to vector<16xf32>
      %swap3A_1115 = vector.shape_cast %add3A_1106 : vector<16xf32> to vector<1x1x1x16xf32>
      tpu.vector_store %arg7[%swap3A_1109, %swap3A_1110, %swap3A_1111, %swap3A_1112], %swap3A_1115 {strides = array<i32>} : memref<2x2x8x1024xf32, #tpu.memory_space<vmem>>, vector<1x1x1x16xf32>,
      %get3A_1116 = arith.constant 0 : i32
      %get3A_1117 = arith.constant 1 : i32
      %get3A_1118 = arith.index_cast %get3A_1116 : i32 to index
      %get3A_1119 = arith.index_cast %get3A_1117 : i32 to index
      %get3A_1120 = arith.index_cast %select_n3A_1073 : i32 to index
      %get3A_1121 = arith.index_cast %mul3A_1091 : i32 to index
      %get3A_1122 = tpu.vector_load %arg6[%get3A_1118, %get3A_1119, %get3A_1120, %get3A_1121] {strides = array<i32>} : memref<2x2x8x1024xf32, #tpu.memory_space<vmem>>, vector<1x1x1x16xf32>,
      %get3A_1123 = vector.shape_cast %get3A_1122 : vector<1x1x1x16xf32> to vector<16xf32>
      %add3A_1124 = arith.addf %get3A_1123, %get3A_1097 : vector<16xf32>
      %swap3A_1125 = arith.constant 0 : i32
      %swap3A_1126 = arith.constant 1 : i32
      %swap3A_1127 = arith.index_cast %swap3A_1125 : i32 to index
      %swap3A_1128 = arith.index_cast %swap3A_1126 : i32 to index
      %swap3A_1129 = arith.index_cast %select_n3A_1073 : i32 to index
      %swap3A_1130 = arith.index_cast %mul3A_1091 : i32 to index
      %swap3A_1131 = tpu.vector_load %arg7[%swap3A_1127, %swap3A_1128, %swap3A_1129, %swap3A_1130] {strides = array<i32>} : memref<2x2x8x1024xf32, #tpu.memory_space<vmem>>, vector<1x1x1x16xf32>,
      %swap3A_1132 = vector.shape_cast %swap3A_1131 : vector<1x1x1x16xf32> to vector<16xf32>
      %swap3A_1133 = vector.shape_cast %add3A_1124 : vector<16xf32> to vector<1x1x1x16xf32>
      tpu.vector_store %arg7[%swap3A_1127, %swap3A_1128, %swap3A_1129, %swap3A_1130], %swap3A_1133 {strides = array<i32>} : memref<2x2x8x1024xf32, #tpu.memory_space<vmem>>, vector<1x1x1x16xf32>,
    }
    %scan3A_166 = arith.constant 512 : i32
    %mul3A_167 = arith.constant 24 : i32
    %mul3A_168 = arith.muli %select_n3A_32, %mul3A_167 : i32
    %add3A_169 = arith.constant 0 : i32
    %add3A_170 = arith.addi %mul3A_168, %add3A_169 : i32
    %multiple_of3A_171 = tpu.assume_multiple %add3A_170, 8 : i32
    %dma_start3A_172 = arith.constant 0 : i32
    %dma_start3A_173 = arith.constant 0 : i32
    %dma_start3A_174 = arith.constant 0 : i32
    %dma_start3A_175 = arith.constant 0 : i32
    %dma_start3A_176 = arith.constant 0 : i32
    %dma_start3A_177 = tpu.memref_slice %arg7[%dma_start3A_172, %dma_start3A_174, %dma_start3A_175, %dma_start3A_176] : memref<2x2x8x1024xf32, #tpu.memory_space<vmem>> -> memref<1x2x8x1024xf32, #tpu.memory_space<vmem>>
    %dma_start3A_178 = tpu.memref_squeeze %dma_start3A_177 : memref<1x2x8x1024xf32, #tpu.memory_space<vmem>> -> memref<2x8x1024xf32, #tpu.memory_space<vmem>>
    %dma_start3A_179 = arith.constant 0 : i32
    %dma_start3A_180 = tpu.memref_slice %arg4[%mul3A_18, %multiple_of3A_171, %dma_start3A_179] : memref<16x96x1024xf32, #tpu.memory_space<hbm>> -> memref<2x8x1024xf32, #tpu.memory_space<hbm>>
    %dma_start3A_181 = tpu.memref_slice %arg10[%dma_start3A_173] : memref<2x!tpu.dma_semaphore, #tpu.memory_space<semaphore_mem>> -> memref<1x!tpu.dma_semaphore, #tpu.memory_space<semaphore_mem>>
    %dma_start3A_182 = tpu.memref_squeeze %dma_start3A_181 : memref<1x!tpu.dma_semaphore, #tpu.memory_space<semaphore_mem>> -> memref<!tpu.dma_semaphore, #tpu.memory_space<semaphore_mem>>
    %dma_start3A_183 = arith.constant 0 : i32
    %dma_start3A_184 = tpu.memref_slice %arg4[%mul3A_18, %multiple_of3A_171, %dma_start3A_183] : memref<16x96x1024xf32, #tpu.memory_space<hbm>> -> memref<2x8x1024xf32, #tpu.memory_space<hbm>>
    %dma_start3A_185 = arith.constant 0 : i32
    %dma_start3A_186 = arith.constant 0 : i32
    %dma_start3A_187 = arith.constant 0 : i32
    %dma_start3A_188 = tpu.memref_slice %arg7[%dma_start3A_172, %dma_start3A_185, %dma_start3A_186, %dma_start3A_187] : memref<2x2x8x1024xf32, #tpu.memory_space<vmem>> -> memref<1x2x8x1024xf32, #tpu.memory_space<vmem>>
    %dma_start3A_189 = tpu.memref_squeeze %dma_start3A_188 : memref<1x2x8x1024xf32, #tpu.memory_space<vmem>> -> memref<2x8x1024xf32, #tpu.memory_space<vmem>>
    tpu.enqueue_dma source(%dma_start3A_189 : memref<2x8x1024xf32, #tpu.memory_space<vmem>>) target(%dma_start3A_184 : memref<2x8x1024xf32, #tpu.memory_space<hbm>>) target_semaphore(%dma_start3A_182 : memref<!tpu.dma_semaphore, #tpu.memory_space<semaphore_mem>>)
    %mul3A_190 = arith.constant 24 : i32
    %mul3A_191 = arith.muli %select_n3A_32, %mul3A_190 : i32
    %add3A_192 = arith.constant 16 : i32
    %add3A_193 = arith.addi %mul3A_191, %add3A_192 : i32
    %multiple_of3A_194 = tpu.assume_multiple %add3A_193, 8 : i32
    %dma_start3A_195 = arith.constant 0 : i32
    %dma_start3A_196 = arith.constant 0 : i32
    %dma_start3A_197 = arith.constant 0 : i32
    %dma_start3A_198 = arith.constant 0 : i32
    %dma_start3A_199 = arith.constant 0 : i32
    %dma_start3A_200 = tpu.memref_slice %arg6[%dma_start3A_195, %dma_start3A_197, %dma_start3A_198, %dma_start3A_199] : memref<2x2x8x1024xf32, #tpu.memory_space<vmem>> -> memref<1x2x8x1024xf32, #tpu.memory_space<vmem>>
    %dma_start3A_201 = tpu.memref_squeeze %dma_start3A_200 : memref<1x2x8x1024xf32, #tpu.memory_space<vmem>> -> memref<2x8x1024xf32, #tpu.memory_space<vmem>>
    %dma_start3A_202 = arith.constant 0 : i32
    %dma_start3A_203 = tpu.memref_slice %arg2[%mul3A_18, %multiple_of3A_194, %dma_start3A_202] : memref<64x96x1024xf32, #tpu.memory_space<hbm>> -> memref<2x8x1024xf32, #tpu.memory_space<hbm>>
    %dma_start3A_204 = tpu.memref_slice %arg9[%dma_start3A_196] : memref<2x!tpu.dma_semaphore, #tpu.memory_space<semaphore_mem>> -> memref<1x!tpu.dma_semaphore, #tpu.memory_space<semaphore_mem>>
    %dma_start3A_205 = tpu.memref_squeeze %dma_start3A_204 : memref<1x!tpu.dma_semaphore, #tpu.memory_space<semaphore_mem>> -> memref<!tpu.dma_semaphore, #tpu.memory_space<semaphore_mem>>
    %dma_start3A_206 = arith.constant 0 : i32
    %dma_start3A_207 = arith.constant 0 : i32
    %dma_start3A_208 = arith.constant 0 : i32
    %dma_start3A_209 = tpu.memref_slice %arg6[%dma_start3A_195, %dma_start3A_206, %dma_start3A_207, %dma_start3A_208] : memref<2x2x8x1024xf32, #tpu.memory_space<vmem>> -> memref<1x2x8x1024xf32, #tpu.memory_space<vmem>>
    %dma_start3A_210 = tpu.memref_squeeze %dma_start3A_209 : memref<1x2x8x1024xf32, #tpu.memory_space<vmem>> -> memref<2x8x1024xf32, #tpu.memory_space<vmem>>
    %dma_start3A_211 = arith.constant 0 : i32
    %dma_start3A_212 = tpu.memref_slice %arg2[%mul3A_18, %multiple_of3A_194, %dma_start3A_211] : memref<64x96x1024xf32, #tpu.memory_space<hbm>> -> memref<2x8x1024xf32, #tpu.memory_space<hbm>>
    tpu.enqueue_dma source(%dma_start3A_212 : memref<2x8x1024xf32, #tpu.memory_space<hbm>>) target(%dma_start3A_210 : memref<2x8x1024xf32, #tpu.memory_space<vmem>>) target_semaphore(%dma_start3A_205 : memref<!tpu.dma_semaphore, #tpu.memory_space<semaphore_mem>>)
    %mul3A_213 = arith.constant 24 : i32
    %mul3A_214 = arith.muli %select_n3A_32, %mul3A_213 : i32
    %add3A_215 = arith.constant 16 : i32
    %add3A_216 = arith.addi %mul3A_214, %add3A_215 : i32
    %multiple_of3A_217 = tpu.assume_multiple %add3A_216, 8 : i32
    %dma_start3A_218 = arith.constant 0 : i32
    %dma_start3A_219 = arith.constant 0 : i32
    %dma_start3A_220 = arith.constant 0 : i32
    %dma_start3A_221 = arith.constant 0 : i32
    %dma_start3A_222 = tpu.memref_slice %arg5[%dma_start3A_218, %dma_start3A_220, %dma_start3A_221] : memref<2x8x1024xf32, #tpu.memory_space<vmem>> -> memref<1x8x1024xf32, #tpu.memory_space<vmem>>
    %dma_start3A_223 = tpu.memref_squeeze %dma_start3A_222 : memref<1x8x1024xf32, #tpu.memory_space<vmem>> -> memref<8x1024xf32, #tpu.memory_space<vmem>>
    %dma_start3A_224 = arith.constant 0 : i32
    %dma_start3A_225 = tpu.memref_slice %arg3[%multiple_of3A_217, %dma_start3A_224] : memref<96x1024xf32, #tpu.memory_space<hbm>> -> memref<8x1024xf32, #tpu.memory_space<hbm>>
    %dma_start3A_226 = tpu.memref_slice %arg8[%dma_start3A_219] : memref<2x!tpu.dma_semaphore, #tpu.memory_space<semaphore_mem>> -> memref<1x!tpu.dma_semaphore, #tpu.memory_space<semaphore_mem>>
    %dma_start3A_227 = tpu.memref_squeeze %dma_start3A_226 : memref<1x!tpu.dma_semaphore, #tpu.memory_space<semaphore_mem>> -> memref<!tpu.dma_semaphore, #tpu.memory_space<semaphore_mem>>
    %dma_start3A_228 = arith.constant 0 : i32
    %dma_start3A_229 = arith.constant 0 : i32
    %dma_start3A_230 = tpu.memref_slice %arg5[%dma_start3A_218, %dma_start3A_228, %dma_start3A_229] : memref<2x8x1024xf32, #tpu.memory_space<vmem>> -> memref<1x8x1024xf32, #tpu.memory_space<vmem>>
    %dma_start3A_231 = tpu.memref_squeeze %dma_start3A_230 : memref<1x8x1024xf32, #tpu.memory_space<vmem>> -> memref<8x1024xf32, #tpu.memory_space<vmem>>
    %dma_start3A_232 = arith.constant 0 : i32
    %dma_start3A_233 = tpu.memref_slice %arg3[%multiple_of3A_217, %dma_start3A_232] : memref<96x1024xf32, #tpu.memory_space<hbm>> -> memref<8x1024xf32, #tpu.memory_space<hbm>>
    tpu.enqueue_dma source(%dma_start3A_233 : memref<8x1024xf32, #tpu.memory_space<hbm>>) target(%dma_start3A_231 : memref<8x1024xf32, #tpu.memory_space<vmem>>) target_semaphore(%dma_start3A_227 : memref<!tpu.dma_semaphore, #tpu.memory_space<semaphore_mem>>)
    %mul3A_234 = arith.constant 24 : i32
    %mul3A_235 = arith.muli %select_n3A_32, %mul3A_234 : i32
    %add3A_236 = arith.constant 8 : i32
    %add3A_237 = arith.addi %mul3A_235, %add3A_236 : i32
    %multiple_of3A_238 = tpu.assume_multiple %add3A_237, 8 : i32
    %dma_wait3A_239 = arith.constant 1 : i32
    %dma_wait3A_240 = arith.constant 1 : i32
    %dma_wait3A_241 = arith.constant 0 : i32
    %dma_wait3A_242 = arith.constant 0 : i32
    %dma_wait3A_243 = arith.constant 0 : i32
    %dma_wait3A_244 = tpu.memref_slice %arg6[%dma_wait3A_239, %dma_wait3A_241, %dma_wait3A_242, %dma_wait3A_243] : memref<2x2x8x1024xf32, #tpu.memory_space<vmem>> -> memref<1x2x8x1024xf32, #tpu.memory_space<vmem>>
    %dma_wait3A_245 = tpu.memref_squeeze %dma_wait3A_244 : memref<1x2x8x1024xf32, #tpu.memory_space<vmem>> -> memref<2x8x1024xf32, #tpu.memory_space<vmem>>
    %dma_wait3A_246 = arith.constant 0 : i32
    %dma_wait3A_247 = tpu.memref_slice %arg2[%mul3A_18, %multiple_of3A_238, %dma_wait3A_246] : memref<64x96x1024xf32, #tpu.memory_space<hbm>> -> memref<2x8x1024xf32, #tpu.memory_space<hbm>>
    %dma_wait3A_248 = tpu.memref_slice %arg9[%dma_wait3A_240] : memref<2x!tpu.dma_semaphore, #tpu.memory_space<semaphore_mem>> -> memref<1x!tpu.dma_semaphore, #tpu.memory_space<semaphore_mem>>
    %dma_wait3A_249 = tpu.memref_squeeze %dma_wait3A_248 : memref<1x!tpu.dma_semaphore, #tpu.memory_space<semaphore_mem>> -> memref<!tpu.dma_semaphore, #tpu.memory_space<semaphore_mem>>
    %dma_wait3A_250 = arith.constant 0 : i32
    %dma_wait3A_251 = arith.constant 0 : i32
    %dma_wait3A_252 = arith.constant 0 : i32
    %dma_wait3A_253 = tpu.memref_slice %arg6[%dma_wait3A_239, %dma_wait3A_250, %dma_wait3A_251, %dma_wait3A_252] : memref<2x2x8x1024xf32, #tpu.memory_space<vmem>> -> memref<1x2x8x1024xf32, #tpu.memory_space<vmem>>
    %dma_wait3A_254 = tpu.memref_squeeze %dma_wait3A_253 : memref<1x2x8x1024xf32, #tpu.memory_space<vmem>> -> memref<2x8x1024xf32, #tpu.memory_space<vmem>>
    %dma_wait3A_255 = arith.constant 0 : i32
    %dma_wait3A_256 = tpu.memref_slice %arg2[%mul3A_18, %multiple_of3A_238, %dma_wait3A_255] : memref<64x96x1024xf32, #tpu.memory_space<hbm>> -> memref<2x8x1024xf32, #tpu.memory_space<hbm>>
    tpu.wait_dma2 semaphore(%dma_wait3A_249 : memref<!tpu.dma_semaphore, #tpu.memory_space<semaphore_mem>>) src(%dma_wait3A_256 : memref<2x8x1024xf32, #tpu.memory_space<hbm>>) dst(%dma_wait3A_254 : memref<2x8x1024xf32, #tpu.memory_space<vmem>>)
    %mul3A_257 = arith.constant 24 : i32
    %mul3A_258 = arith.muli %select_n3A_32, %mul3A_257 : i32
    %add3A_259 = arith.constant 8 : i32
    %add3A_260 = arith.addi %mul3A_258, %add3A_259 : i32
    %multiple_of3A_261 = tpu.assume_multiple %add3A_260, 8 : i32
    %dma_wait3A_262 = arith.constant 1 : i32
    %dma_wait3A_263 = arith.constant 1 : i32
    %dma_wait3A_264 = arith.constant 0 : i32
    %dma_wait3A_265 = arith.constant 0 : i32
    %dma_wait3A_266 = tpu.memref_slice %arg5[%dma_wait3A_262, %dma_wait3A_264, %dma_wait3A_265] : memref<2x8x1024xf32, #tpu.memory_space<vmem>> -> memref<1x8x1024xf32, #tpu.memory_space<vmem>>
    %dma_wait3A_267 = tpu.memref_squeeze %dma_wait3A_266 : memref<1x8x1024xf32, #tpu.memory_space<vmem>> -> memref<8x1024xf32, #tpu.memory_space<vmem>>
    %dma_wait3A_268 = arith.constant 0 : i32
    %dma_wait3A_269 = tpu.memref_slice %arg3[%multiple_of3A_261, %dma_wait3A_268] : memref<96x1024xf32, #tpu.memory_space<hbm>> -> memref<8x1024xf32, #tpu.memory_space<hbm>>
    %dma_wait3A_270 = tpu.memref_slice %arg8[%dma_wait3A_263] : memref<2x!tpu.dma_semaphore, #tpu.memory_space<semaphore_mem>> -> memref<1x!tpu.dma_semaphore, #tpu.memory_space<semaphore_mem>>
    %dma_wait3A_271 = tpu.memref_squeeze %dma_wait3A_270 : memref<1x!tpu.dma_semaphore, #tpu.memory_space<semaphore_mem>> -> memref<!tpu.dma_semaphore, #tpu.memory_space<semaphore_mem>>
    %dma_wait3A_272 = arith.constant 0 : i32
    %dma_wait3A_273 = arith.constant 0 : i32
    %dma_wait3A_274 = tpu.memref_slice %arg5[%dma_wait3A_262, %dma_wait3A_272, %dma_wait3A_273] : memref<2x8x1024xf32, #tpu.memory_space<vmem>> -> memref<1x8x1024xf32, #tpu.memory_space<vmem>>
    %dma_wait3A_275 = tpu.memref_squeeze %dma_wait3A_274 : memref<1x8x1024xf32, #tpu.memory_space<vmem>> -> memref<8x1024xf32, #tpu.memory_space<vmem>>
    %dma_wait3A_276 = arith.constant 0 : i32
    %dma_wait3A_277 = tpu.memref_slice %arg3[%multiple_of3A_261, %dma_wait3A_276] : memref<96x1024xf32, #tpu.memory_space<hbm>> -> memref<8x1024xf32, #tpu.memory_space<hbm>>
    tpu.wait_dma2 semaphore(%dma_wait3A_271 : memref<!tpu.dma_semaphore, #tpu.memory_space<semaphore_mem>>) src(%dma_wait3A_277 : memref<8x1024xf32, #tpu.memory_space<hbm>>) dst(%dma_wait3A_275 : memref<8x1024xf32, #tpu.memory_space<vmem>>)
    %scan3A_278 = arith.constant 0 : i32
    %scan3A_279 = arith.constant 0 : i32
    %scan3A_280 = arith.constant 512 : i32
    %scan3A_281 = arith.addi %scan3A_279, %scan3A_280 : i32
    %scan3A_282 = arith.constant 8 : i32
    scf.for %scan3A_449 = %scan3A_279 to %scan3A_281 step %scan3A_282  : i32 {
      %jit3A_450 = arith.constant 64 : i32
      %div3A_451 = arith.divsi %scan3A_449, %jit3A_450 : i32
      %sign3A_452 = arith.constant 0 : i32
      %sign3A_453 = arith.cmpi sgt, %scan3A_449, %sign3A_452 : i32
      %sign3A_454 = arith.extui %sign3A_453 : i1 to i32
      %sign3A_455 = arith.constant 0 : i32
      %sign3A_456 = arith.cmpi slt, %scan3A_449, %sign3A_455 : i32
      %sign3A_457 = arith.extui %sign3A_456 : i1 to i32
      %sign3A_458 = arith.subi %sign3A_454, %sign3A_457 : i32
      %sign3A_459 = arith.constant 0 : i32
      %sign3A_460 = arith.cmpi sgt, %jit3A_450, %sign3A_459 : i32
      %sign3A_461 = arith.extui %sign3A_460 : i1 to i32
      %sign3A_462 = arith.constant 0 : i32
      %sign3A_463 = arith.cmpi slt, %jit3A_450, %sign3A_462 : i32
      %sign3A_464 = arith.extui %sign3A_463 : i1 to i32
      %sign3A_465 = arith.subi %sign3A_461, %sign3A_464 : i32
      %ne3A_466 = arith.cmpi ne, %sign3A_458, %sign3A_465 : i32
      %rem3A_467 = arith.remsi %scan3A_449, %jit3A_450 : i32
      %ne3A_468 = arith.constant 0 : i32
      %ne3A_469 = arith.cmpi ne, %rem3A_467, %ne3A_468 : i32
      %and3A_470 = arith.andi %ne3A_466, %ne3A_469 : i1
      %sub3A_471 = arith.constant 1 : i32
      %sub3A_472 = arith.subi %div3A_451, %sub3A_471 : i32
      %select_n3A_473 = arith.select %and3A_470, %sub3A_472, %div3A_451 : i32
      %jit3A_474 = arith.constant 64 : i32
      %eq3A_475 = arith.constant 0 : i32
      %eq3A_476 = arith.cmpi eq, %jit3A_474, %eq3A_475 : i32
      %jit3A_477 = arith.constant 1 : i32
      %select_n3A_478 = arith.select %eq3A_476, %jit3A_477, %jit3A_474 : i32
      %rem3A_479 = arith.remsi %scan3A_449, %select_n3A_478 : i32
      %ne3A_480 = arith.constant 0 : i32
      %ne3A_481 = arith.cmpi ne, %rem3A_479, %ne3A_480 : i32
      %lt3A_482 = arith.constant 0 : i32
      %lt3A_483 = arith.cmpi slt, %rem3A_479, %lt3A_482 : i32
      %lt3A_484 = arith.constant 0 : i32
      %lt3A_485 = arith.cmpi slt, %select_n3A_478, %lt3A_484 : i32
      %ne3A_486 = arith.xori %lt3A_483, %lt3A_485 : i1
      %and3A_487 = arith.andi %ne3A_486, %ne3A_481 : i1
      %add3A_488 = arith.addi %rem3A_479, %select_n3A_478 : i32
      %select_n3A_489 = arith.select %and3A_487, %add3A_488, %rem3A_479 : i32
      %mul3A_490 = arith.constant 16 : i32
      %mul3A_491 = arith.muli %select_n3A_489, %mul3A_490 : i32
      %get3A = arith.constant 1 : i32
      %get3A_492 = arith.index_cast %get3A : i32 to index
      %get3A_493 = arith.index_cast %select_n3A_473 : i32 to index
      %get3A_494 = arith.index_cast %mul3A_491 : i32 to index
      %get3A_495 = tpu.vector_load %arg5[%get3A_492, %get3A_493, %get3A_494] {strides = array<i32>} : memref<2x8x1024xf32, #tpu.memory_space<vmem>>, vector<1x1x16xf32>,
      %get3A_496 = vector.shape_cast %get3A_495 : vector<1x1x16xf32> to vector<16xf32>
      %get3A_497 = arith.constant 1 : i32
      %get3A_498 = arith.constant 0 : i32
      %get3A_499 = arith.index_cast %get3A_497 : i32 to index
      %get3A_500 = arith.index_cast %get3A_498 : i32 to index
      %get3A_501 = arith.index_cast %select_n3A_473 : i32 to index
      %get3A_502 = arith.index_cast %mul3A_491 : i32 to index
      %get3A_503 = tpu.vector_load %arg6[%get3A_499, %get3A_500, %get3A_501, %get3A_502] {strides = array<i32>} : memref<2x2x8x1024xf32, #tpu.memory_space<vmem>>, vector<1x1x1x16xf32>,
      %get3A_504 = vector.shape_cast %get3A_503 : vector<1x1x1x16xf32> to vector<16xf32>
      %add3A_505 = arith.addf %get3A_504, %get3A_496 : vector<16xf32>
      %swap3A = arith.constant 1 : i32
      %swap3A_506 = arith.constant 0 : i32
      %swap3A_507 = arith.index_cast %swap3A : i32 to index
      %swap3A_508 = arith.index_cast %swap3A_506 : i32 to index
      %swap3A_509 = arith.index_cast %select_n3A_473 : i32 to index
      %swap3A_510 = arith.index_cast %mul3A_491 : i32 to index
      %swap3A_511 = tpu.vector_load %arg7[%swap3A_507, %swap3A_508, %swap3A_509, %swap3A_510] {strides = array<i32>} : memref<2x2x8x1024xf32, #tpu.memory_space<vmem>>, vector<1x1x1x16xf32>,
      %swap3A_512 = vector.shape_cast %swap3A_511 : vector<1x1x1x16xf32> to vector<16xf32>
      %swap3A_513 = vector.shape_cast %add3A_505 : vector<16xf32> to vector<1x1x1x16xf32>
      tpu.vector_store %arg7[%swap3A_507, %swap3A_508, %swap3A_509, %swap3A_510], %swap3A_513 {strides = array<i32>} : memref<2x2x8x1024xf32, #tpu.memory_space<vmem>>, vector<1x1x1x16xf32>,
      %get3A_514 = arith.constant 1 : i32
      %get3A_515 = arith.constant 1 : i32
      %get3A_516 = arith.index_cast %get3A_514 : i32 to index
      %get3A_517 = arith.index_cast %get3A_515 : i32 to index
      %get3A_518 = arith.index_cast %select_n3A_473 : i32 to index
      %get3A_519 = arith.index_cast %mul3A_491 : i32 to index
      %get3A_520 = tpu.vector_load %arg6[%get3A_516, %get3A_517, %get3A_518, %get3A_519] {strides = array<i32>} : memref<2x2x8x1024xf32, #tpu.memory_space<vmem>>, vector<1x1x1x16xf32>,
      %get3A_521 = vector.shape_cast %get3A_520 : vector<1x1x1x16xf32> to vector<16xf32>
      %add3A_522 = arith.addf %get3A_521, %get3A_496 : vector<16xf32>
      %swap3A_523 = arith.constant 1 : i32
      %swap3A_524 = arith.constant 1 : i32
      %swap3A_525 = arith.index_cast %swap3A_523 : i32 to index
      %swap3A_526 = arith.index_cast %swap3A_524 : i32 to index
      %swap3A_527 = arith.index_cast %select_n3A_473 : i32 to index
      %swap3A_528 = arith.index_cast %mul3A_491 : i32 to index
      %swap3A_529 = tpu.vector_load %arg7[%swap3A_525, %swap3A_526, %swap3A_527, %swap3A_528] {strides = array<i32>} : memref<2x2x8x1024xf32, #tpu.memory_space<vmem>>, vector<1x1x1x16xf32>,
      %swap3A_530 = vector.shape_cast %swap3A_529 : vector<1x1x1x16xf32> to vector<16xf32>
      %swap3A_531 = vector.shape_cast %add3A_522 : vector<16xf32> to vector<1x1x1x16xf32>
      tpu.vector_store %arg7[%swap3A_525, %swap3A_526, %swap3A_527, %swap3A_528], %swap3A_531 {strides = array<i32>} : memref<2x2x8x1024xf32, #tpu.memory_space<vmem>>, vector<1x1x1x16xf32>,
      %scan3A_532 = arith.constant 1 : i32
      %scan3A_533 = arith.addi %scan3A_449, %scan3A_532 : i32
      %jit3A_534 = arith.constant 64 : i32
      %div3A_535 = arith.divsi %scan3A_533, %jit3A_534 : i32
      %sign3A_536 = arith.constant 0 : i32
      %sign3A_537 = arith.cmpi sgt, %scan3A_533, %sign3A_536 : i32
      %sign3A_538 = arith.extui %sign3A_537 : i1 to i32
      %sign3A_539 = arith.constant 0 : i32
      %sign3A_540 = arith.cmpi slt, %scan3A_533, %sign3A_539 : i32
      %sign3A_541 = arith.extui %sign3A_540 : i1 to i32
      %sign3A_542 = arith.subi %sign3A_538, %sign3A_541 : i32
      %sign3A_543 = arith.constant 0 : i32
      %sign3A_544 = arith.cmpi sgt, %jit3A_534, %sign3A_543 : i32
      %sign3A_545 = arith.extui %sign3A_544 : i1 to i32
      %sign3A_546 = arith.constant 0 : i32
      %sign3A_547 = arith.cmpi slt, %jit3A_534, %sign3A_546 : i32
      %sign3A_548 = arith.extui %sign3A_547 : i1 to i32
      %sign3A_549 = arith.subi %sign3A_545, %sign3A_548 : i32
      %ne3A_550 = arith.cmpi ne, %sign3A_542, %sign3A_549 : i32
      %rem3A_551 = arith.remsi %scan3A_533, %jit3A_534 : i32
      %ne3A_552 = arith.constant 0 : i32
      %ne3A_553 = arith.cmpi ne, %rem3A_551, %ne3A_552 : i32
      %and3A_554 = arith.andi %ne3A_550, %ne3A_553 : i1
      %sub3A_555 = arith.constant 1 : i32
      %sub3A_556 = arith.subi %div3A_535, %sub3A_555 : i32
      %select_n3A_557 = arith.select %and3A_554, %sub3A_556, %div3A_535 : i32
      %jit3A_558 = arith.constant 64 : i32
      %eq3A_559 = arith.constant 0 : i32
      %eq3A_560 = arith.cmpi eq, %jit3A_558, %eq3A_559 : i32
      %jit3A_561 = arith.constant 1 : i32
      %select_n3A_562 = arith.select %eq3A_560, %jit3A_561, %jit3A_558 : i32
      %rem3A_563 = arith.remsi %scan3A_533, %select_n3A_562 : i32
      %ne3A_564 = arith.constant 0 : i32
      %ne3A_565 = arith.cmpi ne, %rem3A_563, %ne3A_564 : i32
      %lt3A_566 = arith.constant 0 : i32
      %lt3A_567 = arith.cmpi slt, %rem3A_563, %lt3A_566 : i32
      %lt3A_568 = arith.constant 0 : i32
      %lt3A_569 = arith.cmpi slt, %select_n3A_562, %lt3A_568 : i32
      %ne3A_570 = arith.xori %lt3A_567, %lt3A_569 : i1
      %and3A_571 = arith.andi %ne3A_570, %ne3A_565 : i1
      %add3A_572 = arith.addi %rem3A_563, %select_n3A_562 : i32
      %select_n3A_573 = arith.select %and3A_571, %add3A_572, %rem3A_563 : i32
      %mul3A_574 = arith.constant 16 : i32
      %mul3A_575 = arith.muli %select_n3A_573, %mul3A_574 : i32
      %get3A_576 = arith.constant 1 : i32
      %get3A_577 = arith.index_cast %get3A_576 : i32 to index
      %get3A_578 = arith.index_cast %select_n3A_557 : i32 to index
      %get3A_579 = arith.index_cast %mul3A_575 : i32 to index
      %get3A_580 = tpu.vector_load %arg5[%get3A_577, %get3A_578, %get3A_579] {strides = array<i32>} : memref<2x8x1024xf32, #tpu.memory_space<vmem>>, vector<1x1x16xf32>,
      %get3A_581 = vector.shape_cast %get3A_580 : vector<1x1x16xf32> to vector<16xf32>
      %get3A_582 = arith.constant 1 : i32
      %get3A_583 = arith.constant 0 : i32
      %get3A_584 = arith.index_cast %get3A_582 : i32 to index
      %get3A_585 = arith.index_cast %get3A_583 : i32 to index
      %get3A_586 = arith.index_cast %select_n3A_557 : i32 to index
      %get3A_587 = arith.index_cast %mul3A_575 : i32 to index
      %get3A_588 = tpu.vector_load %arg6[%get3A_584, %get3A_585, %get3A_586, %get3A_587] {strides = array<i32>} : memref<2x2x8x1024xf32, #tpu.memory_space<vmem>>, vector<1x1x1x16xf32>,
      %get3A_589 = vector.shape_cast %get3A_588 : vector<1x1x1x16xf32> to vector<16xf32>
      %add3A_590 = arith.addf %get3A_589, %get3A_581 : vector<16xf32>
      %swap3A_591 = arith.constant 1 : i32
      %swap3A_592 = arith.constant 0 : i32
      %swap3A_593 = arith.index_cast %swap3A_591 : i32 to index
      %swap3A_594 = arith.index_cast %swap3A_592 : i32 to index
      %swap3A_595 = arith.index_cast %select_n3A_557 : i32 to index
      %swap3A_596 = arith.index_cast %mul3A_575 : i32 to index
      %swap3A_597 = tpu.vector_load %arg7[%swap3A_593, %swap3A_594, %swap3A_595, %swap3A_596] {strides = array<i32>} : memref<2x2x8x1024xf32, #tpu.memory_space<vmem>>, vector<1x1x1x16xf32>,
      %swap3A_598 = vector.shape_cast %swap3A_597 : vector<1x1x1x16xf32> to vector<16xf32>
      %swap3A_599 = vector.shape_cast %add3A_590 : vector<16xf32> to vector<1x1x1x16xf32>
      tpu.vector_store %arg7[%swap3A_593, %swap3A_594, %swap3A_595, %swap3A_596], %swap3A_599 {strides = array<i32>} : memref<2x2x8x1024xf32, #tpu.memory_space<vmem>>, vector<1x1x1x16xf32>,
      %get3A_600 = arith.constant 1 : i32
      %get3A_601 = arith.constant 1 : i32
      %get3A_602 = arith.index_cast %get3A_600 : i32 to index
      %get3A_603 = arith.index_cast %get3A_601 : i32 to index
      %get3A_604 = arith.index_cast %select_n3A_557 : i32 to index
      %get3A_605 = arith.index_cast %mul3A_575 : i32 to index
      %get3A_606 = tpu.vector_load %arg6[%get3A_602, %get3A_603, %get3A_604, %get3A_605] {strides = array<i32>} : memref<2x2x8x1024xf32, #tpu.memory_space<vmem>>, vector<1x1x1x16xf32>,
      %get3A_607 = vector.shape_cast %get3A_606 : vector<1x1x1x16xf32> to vector<16xf32>
      %add3A_608 = arith.addf %get3A_607, %get3A_581 : vector<16xf32>
      %swap3A_609 = arith.constant 1 : i32
      %swap3A_610 = arith.constant 1 : i32
      %swap3A_611 = arith.index_cast %swap3A_609 : i32 to index
      %swap3A_612 = arith.index_cast %swap3A_610 : i32 to index
      %swap3A_613 = arith.index_cast %select_n3A_557 : i32 to index
      %swap3A_614 = arith.index_cast %mul3A_575 : i32 to index
      %swap3A_615 = tpu.vector_load %arg7[%swap3A_611, %swap3A_612, %swap3A_613, %swap3A_614] {strides = array<i32>} : memref<2x2x8x1024xf32, #tpu.memory_space<vmem>>, vector<1x1x1x16xf32>,
      %swap3A_616 = vector.shape_cast %swap3A_615 : vector<1x1x1x16xf32> to vector<16xf32>
      %swap3A_617 = vector.shape_cast %add3A_608 : vector<16xf32> to vector<1x1x1x16xf32>
      tpu.vector_store %arg7[%swap3A_611, %swap3A_612, %swap3A_613, %swap3A_614], %swap3A_617 {strides = array<i32>} : memref<2x2x8x1024xf32, #tpu.memory_space<vmem>>, vector<1x1x1x16xf32>,
      %scan3A_618 = arith.constant 2 : i32
      %scan3A_619 = arith.addi %scan3A_449, %scan3A_618 : i32
      %jit3A_620 = arith.constant 64 : i32
      %div3A_621 = arith.divsi %scan3A_619, %jit3A_620 : i32
      %sign3A_622 = arith.constant 0 : i32
      %sign3A_623 = arith.cmpi sgt, %scan3A_619, %sign3A_622 : i32
      %sign3A_624 = arith.extui %sign3A_623 : i1 to i32
      %sign3A_625 = arith.constant 0 : i32
      %sign3A_626 = arith.cmpi slt, %scan3A_619, %sign3A_625 : i32
      %sign3A_627 = arith.extui %sign3A_626 : i1 to i32
      %sign3A_628 = arith.subi %sign3A_624, %sign3A_627 : i32
      %sign3A_629 = arith.constant 0 : i32
      %sign3A_630 = arith.cmpi sgt, %jit3A_620, %sign3A_629 : i32
      %sign3A_631 = arith.extui %sign3A_630 : i1 to i32
      %sign3A_632 = arith.constant 0 : i32
      %sign3A_633 = arith.cmpi slt, %jit3A_620, %sign3A_632 : i32
      %sign3A_634 = arith.extui %sign3A_633 : i1 to i32
      %sign3A_635 = arith.subi %sign3A_631, %sign3A_634 : i32
      %ne3A_636 = arith.cmpi ne, %sign3A_628, %sign3A_635 : i32
      %rem3A_637 = arith.remsi %scan3A_619, %jit3A_620 : i32
      %ne3A_638 = arith.constant 0 : i32
      %ne3A_639 = arith.cmpi ne, %rem3A_637, %ne3A_638 : i32
      %and3A_640 = arith.andi %ne3A_636, %ne3A_639 : i1
      %sub3A_641 = arith.constant 1 : i32
      %sub3A_642 = arith.subi %div3A_621, %sub3A_641 : i32
      %select_n3A_643 = arith.select %and3A_640, %sub3A_642, %div3A_621 : i32
      %jit3A_644 = arith.constant 64 : i32
      %eq3A_645 = arith.constant 0 : i32
      %eq3A_646 = arith.cmpi eq, %jit3A_644, %eq3A_645 : i32
      %jit3A_647 = arith.constant 1 : i32
      %select_n3A_648 = arith.select %eq3A_646, %jit3A_647, %jit3A_644 : i32
      %rem3A_649 = arith.remsi %scan3A_619, %select_n3A_648 : i32
      %ne3A_650 = arith.constant 0 : i32
      %ne3A_651 = arith.cmpi ne, %rem3A_649, %ne3A_650 : i32
      %lt3A_652 = arith.constant 0 : i32
      %lt3A_653 = arith.cmpi slt, %rem3A_649, %lt3A_652 : i32
      %lt3A_654 = arith.constant 0 : i32
      %lt3A_655 = arith.cmpi slt, %select_n3A_648, %lt3A_654 : i32
      %ne3A_656 = arith.xori %lt3A_653, %lt3A_655 : i1
      %and3A_657 = arith.andi %ne3A_656, %ne3A_651 : i1
      %add3A_658 = arith.addi %rem3A_649, %select_n3A_648 : i32
      %select_n3A_659 = arith.select %and3A_657, %add3A_658, %rem3A_649 : i32
      %mul3A_660 = arith.constant 16 : i32
      %mul3A_661 = arith.muli %select_n3A_659, %mul3A_660 : i32
      %get3A_662 = arith.constant 1 : i32
      %get3A_663 = arith.index_cast %get3A_662 : i32 to index
      %get3A_664 = arith.index_cast %select_n3A_643 : i32 to index
      %get3A_665 = arith.index_cast %mul3A_661 : i32 to index
      %get3A_666 = tpu.vector_load %arg5[%get3A_663, %get3A_664, %get3A_665] {strides = array<i32>} : memref<2x8x1024xf32, #tpu.memory_space<vmem>>, vector<1x1x16xf32>,
      %get3A_667 = vector.shape_cast %get3A_666 : vector<1x1x16xf32> to vector<16xf32>
      %get3A_668 = arith.constant 1 : i32
      %get3A_669 = arith.constant 0 : i32
      %get3A_670 = arith.index_cast %get3A_668 : i32 to index
      %get3A_671 = arith.index_cast %get3A_669 : i32 to index
      %get3A_672 = arith.index_cast %select_n3A_643 : i32 to index
      %get3A_673 = arith.index_cast %mul3A_661 : i32 to index
      %get3A_674 = tpu.vector_load %arg6[%get3A_670, %get3A_671, %get3A_672, %get3A_673] {strides = array<i32>} : memref<2x2x8x1024xf32, #tpu.memory_space<vmem>>, vector<1x1x1x16xf32>,
      %get3A_675 = vector.shape_cast %get3A_674 : vector<1x1x1x16xf32> to vector<16xf32>
      %add3A_676 = arith.addf %get3A_675, %get3A_667 : vector<16xf32>
      %swap3A_677 = arith.constant 1 : i32
      %swap3A_678 = arith.constant 0 : i32
      %swap3A_679 = arith.index_cast %swap3A_677 : i32 to index
      %swap3A_680 = arith.index_cast %swap3A_678 : i32 to index
      %swap3A_681 = arith.index_cast %select_n3A_643 : i32 to index
      %swap3A_682 = arith.index_cast %mul3A_661 : i32 to index
      %swap3A_683 = tpu.vector_load %arg7[%swap3A_679, %swap3A_680, %swap3A_681, %swap3A_682] {strides = array<i32>} : memref<2x2x8x1024xf32, #tpu.memory_space<vmem>>, vector<1x1x1x16xf32>,
      %swap3A_684 = vector.shape_cast %swap3A_683 : vector<1x1x1x16xf32> to vector<16xf32>
      %swap3A_685 = vector.shape_cast %add3A_676 : vector<16xf32> to vector<1x1x1x16xf32>
      tpu.vector_store %arg7[%swap3A_679, %swap3A_680, %swap3A_681, %swap3A_682], %swap3A_685 {strides = array<i32>} : memref<2x2x8x1024xf32, #tpu.memory_space<vmem>>, vector<1x1x1x16xf32>,
      %get3A_686 = arith.constant 1 : i32
      %get3A_687 = arith.constant 1 : i32
      %get3A_688 = arith.index_cast %get3A_686 : i32 to index
      %get3A_689 = arith.index_cast %get3A_687 : i32 to index
      %get3A_690 = arith.index_cast %select_n3A_643 : i32 to index
      %get3A_691 = arith.index_cast %mul3A_661 : i32 to index
      %get3A_692 = tpu.vector_load %arg6[%get3A_688, %get3A_689, %get3A_690, %get3A_691] {strides = array<i32>} : memref<2x2x8x1024xf32, #tpu.memory_space<vmem>>, vector<1x1x1x16xf32>,
      %get3A_693 = vector.shape_cast %get3A_692 : vector<1x1x1x16xf32> to vector<16xf32>
      %add3A_694 = arith.addf %get3A_693, %get3A_667 : vector<16xf32>
      %swap3A_695 = arith.constant 1 : i32
      %swap3A_696 = arith.constant 1 : i32
      %swap3A_697 = arith.index_cast %swap3A_695 : i32 to index
      %swap3A_698 = arith.index_cast %swap3A_696 : i32 to index
      %swap3A_699 = arith.index_cast %select_n3A_643 : i32 to index
      %swap3A_700 = arith.index_cast %mul3A_661 : i32 to index
      %swap3A_701 = tpu.vector_load %arg7[%swap3A_697, %swap3A_698, %swap3A_699, %swap3A_700] {strides = array<i32>} : memref<2x2x8x1024xf32, #tpu.memory_space<vmem>>, vector<1x1x1x16xf32>,
      %swap3A_702 = vector.shape_cast %swap3A_701 : vector<1x1x1x16xf32> to vector<16xf32>
      %swap3A_703 = vector.shape_cast %add3A_694 : vector<16xf32> to vector<1x1x1x16xf32>
      tpu.vector_store %arg7[%swap3A_697, %swap3A_698, %swap3A_699, %swap3A_700], %swap3A_703 {strides = array<i32>} : memref<2x2x8x1024xf32, #tpu.memory_space<vmem>>, vector<1x1x1x16xf32>,
      %scan3A_704 = arith.constant 3 : i32
      %scan3A_705 = arith.addi %scan3A_449, %scan3A_704 : i32
      %jit3A_706 = arith.constant 64 : i32
      %div3A_707 = arith.divsi %scan3A_705, %jit3A_706 : i32
      %sign3A_708 = arith.constant 0 : i32
      %sign3A_709 = arith.cmpi sgt, %scan3A_705, %sign3A_708 : i32
      %sign3A_710 = arith.extui %sign3A_709 : i1 to i32
      %sign3A_711 = arith.constant 0 : i32
      %sign3A_712 = arith.cmpi slt, %scan3A_705, %sign3A_711 : i32
      %sign3A_713 = arith.extui %sign3A_712 : i1 to i32
      %sign3A_714 = arith.subi %sign3A_710, %sign3A_713 : i32
      %sign3A_715 = arith.constant 0 : i32
      %sign3A_716 = arith.cmpi sgt, %jit3A_706, %sign3A_715 : i32
      %sign3A_717 = arith.extui %sign3A_716 : i1 to i32
      %sign3A_718 = arith.constant 0 : i32
      %sign3A_719 = arith.cmpi slt, %jit3A_706, %sign3A_718 : i32
      %sign3A_720 = arith.extui %sign3A_719 : i1 to i32
      %sign3A_721 = arith.subi %sign3A_717, %sign3A_720 : i32
      %ne3A_722 = arith.cmpi ne, %sign3A_714, %sign3A_721 : i32
      %rem3A_723 = arith.remsi %scan3A_705, %jit3A_706 : i32
      %ne3A_724 = arith.constant 0 : i32
      %ne3A_725 = arith.cmpi ne, %rem3A_723, %ne3A_724 : i32
      %and3A_726 = arith.andi %ne3A_722, %ne3A_725 : i1
      %sub3A_727 = arith.constant 1 : i32
      %sub3A_728 = arith.subi %div3A_707, %sub3A_727 : i32
      %select_n3A_729 = arith.select %and3A_726, %sub3A_728, %div3A_707 : i32
      %jit3A_730 = arith.constant 64 : i32
      %eq3A_731 = arith.constant 0 : i32
      %eq3A_732 = arith.cmpi eq, %jit3A_730, %eq3A_731 : i32
      %jit3A_733 = arith.constant 1 : i32
      %select_n3A_734 = arith.select %eq3A_732, %jit3A_733, %jit3A_730 : i32
      %rem3A_735 = arith.remsi %scan3A_705, %select_n3A_734 : i32
      %ne3A_736 = arith.constant 0 : i32
      %ne3A_737 = arith.cmpi ne, %rem3A_735, %ne3A_736 : i32
      %lt3A_738 = arith.constant 0 : i32
      %lt3A_739 = arith.cmpi slt, %rem3A_735, %lt3A_738 : i32
      %lt3A_740 = arith.constant 0 : i32
      %lt3A_741 = arith.cmpi slt, %select_n3A_734, %lt3A_740 : i32
      %ne3A_742 = arith.xori %lt3A_739, %lt3A_741 : i1
      %and3A_743 = arith.andi %ne3A_742, %ne3A_737 : i1
      %add3A_744 = arith.addi %rem3A_735, %select_n3A_734 : i32
      %select_n3A_745 = arith.select %and3A_743, %add3A_744, %rem3A_735 : i32
      %mul3A_746 = arith.constant 16 : i32
      %mul3A_747 = arith.muli %select_n3A_745, %mul3A_746 : i32
      %get3A_748 = arith.constant 1 : i32
      %get3A_749 = arith.index_cast %get3A_748 : i32 to index
      %get3A_750 = arith.index_cast %select_n3A_729 : i32 to index
      %get3A_751 = arith.index_cast %mul3A_747 : i32 to index
      %get3A_752 = tpu.vector_load %arg5[%get3A_749, %get3A_750, %get3A_751] {strides = array<i32>} : memref<2x8x1024xf32, #tpu.memory_space<vmem>>, vector<1x1x16xf32>,
      %get3A_753 = vector.shape_cast %get3A_752 : vector<1x1x16xf32> to vector<16xf32>
      %get3A_754 = arith.constant 1 : i32
      %get3A_755 = arith.constant 0 : i32
      %get3A_756 = arith.index_cast %get3A_754 : i32 to index
      %get3A_757 = arith.index_cast %get3A_755 : i32 to index
      %get3A_758 = arith.index_cast %select_n3A_729 : i32 to index
      %get3A_759 = arith.index_cast %mul3A_747 : i32 to index
      %get3A_760 = tpu.vector_load %arg6[%get3A_756, %get3A_757, %get3A_758, %get3A_759] {strides = array<i32>} : memref<2x2x8x1024xf32, #tpu.memory_space<vmem>>, vector<1x1x1x16xf32>,
      %get3A_761 = vector.shape_cast %get3A_760 : vector<1x1x1x16xf32> to vector<16xf32>
      %add3A_762 = arith.addf %get3A_761, %get3A_753 : vector<16xf32>
      %swap3A_763 = arith.constant 1 : i32
      %swap3A_764 = arith.constant 0 : i32
      %swap3A_765 = arith.index_cast %swap3A_763 : i32 to index
      %swap3A_766 = arith.index_cast %swap3A_764 : i32 to index
      %swap3A_767 = arith.index_cast %select_n3A_729 : i32 to index
      %swap3A_768 = arith.index_cast %mul3A_747 : i32 to index
      %swap3A_769 = tpu.vector_load %arg7[%swap3A_765, %swap3A_766, %swap3A_767, %swap3A_768] {strides = array<i32>} : memref<2x2x8x1024xf32, #tpu.memory_space<vmem>>, vector<1x1x1x16xf32>,
      %swap3A_770 = vector.shape_cast %swap3A_769 : vector<1x1x1x16xf32> to vector<16xf32>
      %swap3A_771 = vector.shape_cast %add3A_762 : vector<16xf32> to vector<1x1x1x16xf32>
      tpu.vector_store %arg7[%swap3A_765, %swap3A_766, %swap3A_767, %swap3A_768], %swap3A_771 {strides = array<i32>} : memref<2x2x8x1024xf32, #tpu.memory_space<vmem>>, vector<1x1x1x16xf32>,
      %get3A_772 = arith.constant 1 : i32
      %get3A_773 = arith.constant 1 : i32
      %get3A_774 = arith.index_cast %get3A_772 : i32 to index
      %get3A_775 = arith.index_cast %get3A_773 : i32 to index
      %get3A_776 = arith.index_cast %select_n3A_729 : i32 to index
      %get3A_777 = arith.index_cast %mul3A_747 : i32 to index
      %get3A_778 = tpu.vector_load %arg6[%get3A_774, %get3A_775, %get3A_776, %get3A_777] {strides = array<i32>} : memref<2x2x8x1024xf32, #tpu.memory_space<vmem>>, vector<1x1x1x16xf32>,
      %get3A_779 = vector.shape_cast %get3A_778 : vector<1x1x1x16xf32> to vector<16xf32>
      %add3A_780 = arith.addf %get3A_779, %get3A_753 : vector<16xf32>
      %swap3A_781 = arith.constant 1 : i32
      %swap3A_782 = arith.constant 1 : i32
      %swap3A_783 = arith.index_cast %swap3A_781 : i32 to index
      %swap3A_784 = arith.index_cast %swap3A_782 : i32 to index
      %swap3A_785 = arith.index_cast %select_n3A_729 : i32 to index
      %swap3A_786 = arith.index_cast %mul3A_747 : i32 to index
      %swap3A_787 = tpu.vector_load %arg7[%swap3A_783, %swap3A_784, %swap3A_785, %swap3A_786] {strides = array<i32>} : memref<2x2x8x1024xf32, #tpu.memory_space<vmem>>, vector<1x1x1x16xf32>,
      %swap3A_788 = vector.shape_cast %swap3A_787 : vector<1x1x1x16xf32> to vector<16xf32>
      %swap3A_789 = vector.shape_cast %add3A_780 : vector<16xf32> to vector<1x1x1x16xf32>
      tpu.vector_store %arg7[%swap3A_783, %swap3A_784, %swap3A_785, %swap3A_786], %swap3A_789 {strides = array<i32>} : memref<2x2x8x1024xf32, #tpu.memory_space<vmem>>, vector<1x1x1x16xf32>,
      %scan3A_790 = arith.constant 4 : i32
      %scan3A_791 = arith.addi %scan3A_449, %scan3A_790 : i32
      %jit3A_792 = arith.constant 64 : i32
      %div3A_793 = arith.divsi %scan3A_791, %jit3A_792 : i32
      %sign3A_794 = arith.constant 0 : i32
      %sign3A_795 = arith.cmpi sgt, %scan3A_791, %sign3A_794 : i32
      %sign3A_796 = arith.extui %sign3A_795 : i1 to i32
      %sign3A_797 = arith.constant 0 : i32
      %sign3A_798 = arith.cmpi slt, %scan3A_791, %sign3A_797 : i32
      %sign3A_799 = arith.extui %sign3A_798 : i1 to i32
      %sign3A_800 = arith.subi %sign3A_796, %sign3A_799 : i32
      %sign3A_801 = arith.constant 0 : i32
      %sign3A_802 = arith.cmpi sgt, %jit3A_792, %sign3A_801 : i32
      %sign3A_803 = arith.extui %sign3A_802 : i1 to i32
      %sign3A_804 = arith.constant 0 : i32
      %sign3A_805 = arith.cmpi slt, %jit3A_792, %sign3A_804 : i32
      %sign3A_806 = arith.extui %sign3A_805 : i1 to i32
      %sign3A_807 = arith.subi %sign3A_803, %sign3A_806 : i32
      %ne3A_808 = arith.cmpi ne, %sign3A_800, %sign3A_807 : i32
      %rem3A_809 = arith.remsi %scan3A_791, %jit3A_792 : i32
      %ne3A_810 = arith.constant 0 : i32
      %ne3A_811 = arith.cmpi ne, %rem3A_809, %ne3A_810 : i32
      %and3A_812 = arith.andi %ne3A_808, %ne3A_811 : i1
      %sub3A_813 = arith.constant 1 : i32
      %sub3A_814 = arith.subi %div3A_793, %sub3A_813 : i32
      %select_n3A_815 = arith.select %and3A_812, %sub3A_814, %div3A_793 : i32
      %jit3A_816 = arith.constant 64 : i32
      %eq3A_817 = arith.constant 0 : i32
      %eq3A_818 = arith.cmpi eq, %jit3A_816, %eq3A_817 : i32
      %jit3A_819 = arith.constant 1 : i32
      %select_n3A_820 = arith.select %eq3A_818, %jit3A_819, %jit3A_816 : i32
      %rem3A_821 = arith.remsi %scan3A_791, %select_n3A_820 : i32
      %ne3A_822 = arith.constant 0 : i32
      %ne3A_823 = arith.cmpi ne, %rem3A_821, %ne3A_822 : i32
      %lt3A_824 = arith.constant 0 : i32
      %lt3A_825 = arith.cmpi slt, %rem3A_821, %lt3A_824 : i32
      %lt3A_826 = arith.constant 0 : i32
      %lt3A_827 = arith.cmpi slt, %select_n3A_820, %lt3A_826 : i32
      %ne3A_828 = arith.xori %lt3A_825, %lt3A_827 : i1
      %and3A_829 = arith.andi %ne3A_828, %ne3A_823 : i1
      %add3A_830 = arith.addi %rem3A_821, %select_n3A_820 : i32
      %select_n3A_831 = arith.select %and3A_829, %add3A_830, %rem3A_821 : i32
      %mul3A_832 = arith.constant 16 : i32
      %mul3A_833 = arith.muli %select_n3A_831, %mul3A_832 : i32
      %get3A_834 = arith.constant 1 : i32
      %get3A_835 = arith.index_cast %get3A_834 : i32 to index
      %get3A_836 = arith.index_cast %select_n3A_815 : i32 to index
      %get3A_837 = arith.index_cast %mul3A_833 : i32 to index
      %get3A_838 = tpu.vector_load %arg5[%get3A_835, %get3A_836, %get3A_837] {strides = array<i32>} : memref<2x8x1024xf32, #tpu.memory_space<vmem>>, vector<1x1x16xf32>,
      %get3A_839 = vector.shape_cast %get3A_838 : vector<1x1x16xf32> to vector<16xf32>
      %get3A_840 = arith.constant 1 : i32
      %get3A_841 = arith.constant 0 : i32
      %get3A_842 = arith.index_cast %get3A_840 : i32 to index
      %get3A_843 = arith.index_cast %get3A_841 : i32 to index
      %get3A_844 = arith.index_cast %select_n3A_815 : i32 to index
      %get3A_845 = arith.index_cast %mul3A_833 : i32 to index
      %get3A_846 = tpu.vector_load %arg6[%get3A_842, %get3A_843, %get3A_844, %get3A_845] {strides = array<i32>} : memref<2x2x8x1024xf32, #tpu.memory_space<vmem>>, vector<1x1x1x16xf32>,
      %get3A_847 = vector.shape_cast %get3A_846 : vector<1x1x1x16xf32> to vector<16xf32>
      %add3A_848 = arith.addf %get3A_847, %get3A_839 : vector<16xf32>
      %swap3A_849 = arith.constant 1 : i32
      %swap3A_850 = arith.constant 0 : i32
      %swap3A_851 = arith.index_cast %swap3A_849 : i32 to index
      %swap3A_852 = arith.index_cast %swap3A_850 : i32 to index
      %swap3A_853 = arith.index_cast %select_n3A_815 : i32 to index
      %swap3A_854 = arith.index_cast %mul3A_833 : i32 to index
      %swap3A_855 = tpu.vector_load %arg7[%swap3A_851, %swap3A_852, %swap3A_853, %swap3A_854] {strides = array<i32>} : memref<2x2x8x1024xf32, #tpu.memory_space<vmem>>, vector<1x1x1x16xf32>,
      %swap3A_856 = vector.shape_cast %swap3A_855 : vector<1x1x1x16xf32> to vector<16xf32>
      %swap3A_857 = vector.shape_cast %add3A_848 : vector<16xf32> to vector<1x1x1x16xf32>
      tpu.vector_store %arg7[%swap3A_851, %swap3A_852, %swap3A_853, %swap3A_854], %swap3A_857 {strides = array<i32>} : memref<2x2x8x1024xf32, #tpu.memory_space<vmem>>, vector<1x1x1x16xf32>,
      %get3A_858 = arith.constant 1 : i32
      %get3A_859 = arith.constant 1 : i32
      %get3A_860 = arith.index_cast %get3A_858 : i32 to index
      %get3A_861 = arith.index_cast %get3A_859 : i32 to index
      %get3A_862 = arith.index_cast %select_n3A_815 : i32 to index
      %get3A_863 = arith.index_cast %mul3A_833 : i32 to index
      %get3A_864 = tpu.vector_load %arg6[%get3A_860, %get3A_861, %get3A_862, %get3A_863] {strides = array<i32>} : memref<2x2x8x1024xf32, #tpu.memory_space<vmem>>, vector<1x1x1x16xf32>,
      %get3A_865 = vector.shape_cast %get3A_864 : vector<1x1x1x16xf32> to vector<16xf32>
      %add3A_866 = arith.addf %get3A_865, %get3A_839 : vector<16xf32>
      %swap3A_867 = arith.constant 1 : i32
      %swap3A_868 = arith.constant 1 : i32
      %swap3A_869 = arith.index_cast %swap3A_867 : i32 to index
      %swap3A_870 = arith.index_cast %swap3A_868 : i32 to index
      %swap3A_871 = arith.index_cast %select_n3A_815 : i32 to index
      %swap3A_872 = arith.index_cast %mul3A_833 : i32 to index
      %swap3A_873 = tpu.vector_load %arg7[%swap3A_869, %swap3A_870, %swap3A_871, %swap3A_872] {strides = array<i32>} : memref<2x2x8x1024xf32, #tpu.memory_space<vmem>>, vector<1x1x1x16xf32>,
      %swap3A_874 = vector.shape_cast %swap3A_873 : vector<1x1x1x16xf32> to vector<16xf32>
      %swap3A_875 = vector.shape_cast %add3A_866 : vector<16xf32> to vector<1x1x1x16xf32>
      tpu.vector_store %arg7[%swap3A_869, %swap3A_870, %swap3A_871, %swap3A_872], %swap3A_875 {strides = array<i32>} : memref<2x2x8x1024xf32, #tpu.memory_space<vmem>>, vector<1x1x1x16xf32>,
      %scan3A_876 = arith.constant 5 : i32
      %scan3A_877 = arith.addi %scan3A_449, %scan3A_876 : i32
      %jit3A_878 = arith.constant 64 : i32
      %div3A_879 = arith.divsi %scan3A_877, %jit3A_878 : i32
      %sign3A_880 = arith.constant 0 : i32
      %sign3A_881 = arith.cmpi sgt, %scan3A_877, %sign3A_880 : i32
      %sign3A_882 = arith.extui %sign3A_881 : i1 to i32
      %sign3A_883 = arith.constant 0 : i32
      %sign3A_884 = arith.cmpi slt, %scan3A_877, %sign3A_883 : i32
      %sign3A_885 = arith.extui %sign3A_884 : i1 to i32
      %sign3A_886 = arith.subi %sign3A_882, %sign3A_885 : i32
      %sign3A_887 = arith.constant 0 : i32
      %sign3A_888 = arith.cmpi sgt, %jit3A_878, %sign3A_887 : i32
      %sign3A_889 = arith.extui %sign3A_888 : i1 to i32
      %sign3A_890 = arith.constant 0 : i32
      %sign3A_891 = arith.cmpi slt, %jit3A_878, %sign3A_890 : i32
      %sign3A_892 = arith.extui %sign3A_891 : i1 to i32
      %sign3A_893 = arith.subi %sign3A_889, %sign3A_892 : i32
      %ne3A_894 = arith.cmpi ne, %sign3A_886, %sign3A_893 : i32
      %rem3A_895 = arith.remsi %scan3A_877, %jit3A_878 : i32
      %ne3A_896 = arith.constant 0 : i32
      %ne3A_897 = arith.cmpi ne, %rem3A_895, %ne3A_896 : i32
      %and3A_898 = arith.andi %ne3A_894, %ne3A_897 : i1
      %sub3A_899 = arith.constant 1 : i32
      %sub3A_900 = arith.subi %div3A_879, %sub3A_899 : i32
      %select_n3A_901 = arith.select %and3A_898, %sub3A_900, %div3A_879 : i32
      %jit3A_902 = arith.constant 64 : i32
      %eq3A_903 = arith.constant 0 : i32
      %eq3A_904 = arith.cmpi eq, %jit3A_902, %eq3A_903 : i32
      %jit3A_905 = arith.constant 1 : i32
      %select_n3A_906 = arith.select %eq3A_904, %jit3A_905, %jit3A_902 : i32
      %rem3A_907 = arith.remsi %scan3A_877, %select_n3A_906 : i32
      %ne3A_908 = arith.constant 0 : i32
      %ne3A_909 = arith.cmpi ne, %rem3A_907, %ne3A_908 : i32
      %lt3A_910 = arith.constant 0 : i32
      %lt3A_911 = arith.cmpi slt, %rem3A_907, %lt3A_910 : i32
      %lt3A_912 = arith.constant 0 : i32
      %lt3A_913 = arith.cmpi slt, %select_n3A_906, %lt3A_912 : i32
      %ne3A_914 = arith.xori %lt3A_911, %lt3A_913 : i1
      %and3A_915 = arith.andi %ne3A_914, %ne3A_909 : i1
      %add3A_916 = arith.addi %rem3A_907, %select_n3A_906 : i32
      %select_n3A_917 = arith.select %and3A_915, %add3A_916, %rem3A_907 : i32
      %mul3A_918 = arith.constant 16 : i32
      %mul3A_919 = arith.muli %select_n3A_917, %mul3A_918 : i32
      %get3A_920 = arith.constant 1 : i32
      %get3A_921 = arith.index_cast %get3A_920 : i32 to index
      %get3A_922 = arith.index_cast %select_n3A_901 : i32 to index
      %get3A_923 = arith.index_cast %mul3A_919 : i32 to index
      %get3A_924 = tpu.vector_load %arg5[%get3A_921, %get3A_922, %get3A_923] {strides = array<i32>} : memref<2x8x1024xf32, #tpu.memory_space<vmem>>, vector<1x1x16xf32>,
      %get3A_925 = vector.shape_cast %get3A_924 : vector<1x1x16xf32> to vector<16xf32>
      %get3A_926 = arith.constant 1 : i32
      %get3A_927 = arith.constant 0 : i32
      %get3A_928 = arith.index_cast %get3A_926 : i32 to index
      %get3A_929 = arith.index_cast %get3A_927 : i32 to index
      %get3A_930 = arith.index_cast %select_n3A_901 : i32 to index
      %get3A_931 = arith.index_cast %mul3A_919 : i32 to index
      %get3A_932 = tpu.vector_load %arg6[%get3A_928, %get3A_929, %get3A_930, %get3A_931] {strides = array<i32>} : memref<2x2x8x1024xf32, #tpu.memory_space<vmem>>, vector<1x1x1x16xf32>,
      %get3A_933 = vector.shape_cast %get3A_932 : vector<1x1x1x16xf32> to vector<16xf32>
      %add3A_934 = arith.addf %get3A_933, %get3A_925 : vector<16xf32>
      %swap3A_935 = arith.constant 1 : i32
      %swap3A_936 = arith.constant 0 : i32
      %swap3A_937 = arith.index_cast %swap3A_935 : i32 to index
      %swap3A_938 = arith.index_cast %swap3A_936 : i32 to index
      %swap3A_939 = arith.index_cast %select_n3A_901 : i32 to index
      %swap3A_940 = arith.index_cast %mul3A_919 : i32 to index
      %swap3A_941 = tpu.vector_load %arg7[%swap3A_937, %swap3A_938, %swap3A_939, %swap3A_940] {strides = array<i32>} : memref<2x2x8x1024xf32, #tpu.memory_space<vmem>>, vector<1x1x1x16xf32>,
      %swap3A_942 = vector.shape_cast %swap3A_941 : vector<1x1x1x16xf32> to vector<16xf32>
      %swap3A_943 = vector.shape_cast %add3A_934 : vector<16xf32> to vector<1x1x1x16xf32>
      tpu.vector_store %arg7[%swap3A_937, %swap3A_938, %swap3A_939, %swap3A_940], %swap3A_943 {strides = array<i32>} : memref<2x2x8x1024xf32, #tpu.memory_space<vmem>>, vector<1x1x1x16xf32>,
      %get3A_944 = arith.constant 1 : i32
      %get3A_945 = arith.constant 1 : i32
      %get3A_946 = arith.index_cast %get3A_944 : i32 to index
      %get3A_947 = arith.index_cast %get3A_945 : i32 to index
      %get3A_948 = arith.index_cast %select_n3A_901 : i32 to index
      %get3A_949 = arith.index_cast %mul3A_919 : i32 to index
      %get3A_950 = tpu.vector_load %arg6[%get3A_946, %get3A_947, %get3A_948, %get3A_949] {strides = array<i32>} : memref<2x2x8x1024xf32, #tpu.memory_space<vmem>>, vector<1x1x1x16xf32>,
      %get3A_951 = vector.shape_cast %get3A_950 : vector<1x1x1x16xf32> to vector<16xf32>
      %add3A_952 = arith.addf %get3A_951, %get3A_925 : vector<16xf32>
      %swap3A_953 = arith.constant 1 : i32
      %swap3A_954 = arith.constant 1 : i32
      %swap3A_955 = arith.index_cast %swap3A_953 : i32 to index
      %swap3A_956 = arith.index_cast %swap3A_954 : i32 to index
      %swap3A_957 = arith.index_cast %select_n3A_901 : i32 to index
      %swap3A_958 = arith.index_cast %mul3A_919 : i32 to index
      %swap3A_959 = tpu.vector_load %arg7[%swap3A_955, %swap3A_956, %swap3A_957, %swap3A_958] {strides = array<i32>} : memref<2x2x8x1024xf32, #tpu.memory_space<vmem>>, vector<1x1x1x16xf32>,
      %swap3A_960 = vector.shape_cast %swap3A_959 : vector<1x1x1x16xf32> to vector<16xf32>
      %swap3A_961 = vector.shape_cast %add3A_952 : vector<16xf32> to vector<1x1x1x16xf32>
      tpu.vector_store %arg7[%swap3A_955, %swap3A_956, %swap3A_957, %swap3A_958], %swap3A_961 {strides = array<i32>} : memref<2x2x8x1024xf32, #tpu.memory_space<vmem>>, vector<1x1x1x16xf32>,
      %scan3A_962 = arith.constant 6 : i32
      %scan3A_963 = arith.addi %scan3A_449, %scan3A_962 : i32
      %jit3A_964 = arith.constant 64 : i32
      %div3A_965 = arith.divsi %scan3A_963, %jit3A_964 : i32
      %sign3A_966 = arith.constant 0 : i32
      %sign3A_967 = arith.cmpi sgt, %scan3A_963, %sign3A_966 : i32
      %sign3A_968 = arith.extui %sign3A_967 : i1 to i32
      %sign3A_969 = arith.constant 0 : i32
      %sign3A_970 = arith.cmpi slt, %scan3A_963, %sign3A_969 : i32
      %sign3A_971 = arith.extui %sign3A_970 : i1 to i32
      %sign3A_972 = arith.subi %sign3A_968, %sign3A_971 : i32
      %sign3A_973 = arith.constant 0 : i32
      %sign3A_974 = arith.cmpi sgt, %jit3A_964, %sign3A_973 : i32
      %sign3A_975 = arith.extui %sign3A_974 : i1 to i32
      %sign3A_976 = arith.constant 0 : i32
      %sign3A_977 = arith.cmpi slt, %jit3A_964, %sign3A_976 : i32
      %sign3A_978 = arith.extui %sign3A_977 : i1 to i32
      %sign3A_979 = arith.subi %sign3A_975, %sign3A_978 : i32
      %ne3A_980 = arith.cmpi ne, %sign3A_972, %sign3A_979 : i32
      %rem3A_981 = arith.remsi %scan3A_963, %jit3A_964 : i32
      %ne3A_982 = arith.constant 0 : i32
      %ne3A_983 = arith.cmpi ne, %rem3A_981, %ne3A_982 : i32
      %and3A_984 = arith.andi %ne3A_980, %ne3A_983 : i1
      %sub3A_985 = arith.constant 1 : i32
      %sub3A_986 = arith.subi %div3A_965, %sub3A_985 : i32
      %select_n3A_987 = arith.select %and3A_984, %sub3A_986, %div3A_965 : i32
      %jit3A_988 = arith.constant 64 : i32
      %eq3A_989 = arith.constant 0 : i32
      %eq3A_990 = arith.cmpi eq, %jit3A_988, %eq3A_989 : i32
      %jit3A_991 = arith.constant 1 : i32
      %select_n3A_992 = arith.select %eq3A_990, %jit3A_991, %jit3A_988 : i32
      %rem3A_993 = arith.remsi %scan3A_963, %select_n3A_992 : i32
      %ne3A_994 = arith.constant 0 : i32
      %ne3A_995 = arith.cmpi ne, %rem3A_993, %ne3A_994 : i32
      %lt3A_996 = arith.constant 0 : i32
      %lt3A_997 = arith.cmpi slt, %rem3A_993, %lt3A_996 : i32
      %lt3A_998 = arith.constant 0 : i32
      %lt3A_999 = arith.cmpi slt, %select_n3A_992, %lt3A_998 : i32
      %ne3A_1000 = arith.xori %lt3A_997, %lt3A_999 : i1
      %and3A_1001 = arith.andi %ne3A_1000, %ne3A_995 : i1
      %add3A_1002 = arith.addi %rem3A_993, %select_n3A_992 : i32
      %select_n3A_1003 = arith.select %and3A_1001, %add3A_1002, %rem3A_993 : i32
      %mul3A_1004 = arith.constant 16 : i32
      %mul3A_1005 = arith.muli %select_n3A_1003, %mul3A_1004 : i32
      %get3A_1006 = arith.constant 1 : i32
      %get3A_1007 = arith.index_cast %get3A_1006 : i32 to index
      %get3A_1008 = arith.index_cast %select_n3A_987 : i32 to index
      %get3A_1009 = arith.index_cast %mul3A_1005 : i32 to index
      %get3A_1010 = tpu.vector_load %arg5[%get3A_1007, %get3A_1008, %get3A_1009] {strides = array<i32>} : memref<2x8x1024xf32, #tpu.memory_space<vmem>>, vector<1x1x16xf32>,
      %get3A_1011 = vector.shape_cast %get3A_1010 : vector<1x1x16xf32> to vector<16xf32>
      %get3A_1012 = arith.constant 1 : i32
      %get3A_1013 = arith.constant 0 : i32
      %get3A_1014 = arith.index_cast %get3A_1012 : i32 to index
      %get3A_1015 = arith.index_cast %get3A_1013 : i32 to index
      %get3A_1016 = arith.index_cast %select_n3A_987 : i32 to index
      %get3A_1017 = arith.index_cast %mul3A_1005 : i32 to index
      %get3A_1018 = tpu.vector_load %arg6[%get3A_1014, %get3A_1015, %get3A_1016, %get3A_1017] {strides = array<i32>} : memref<2x2x8x1024xf32, #tpu.memory_space<vmem>>, vector<1x1x1x16xf32>,
      %get3A_1019 = vector.shape_cast %get3A_1018 : vector<1x1x1x16xf32> to vector<16xf32>
      %add3A_1020 = arith.addf %get3A_1019, %get3A_1011 : vector<16xf32>
      %swap3A_1021 = arith.constant 1 : i32
      %swap3A_1022 = arith.constant 0 : i32
      %swap3A_1023 = arith.index_cast %swap3A_1021 : i32 to index
      %swap3A_1024 = arith.index_cast %swap3A_1022 : i32 to index
      %swap3A_1025 = arith.index_cast %select_n3A_987 : i32 to index
      %swap3A_1026 = arith.index_cast %mul3A_1005 : i32 to index
      %swap3A_1027 = tpu.vector_load %arg7[%swap3A_1023, %swap3A_1024, %swap3A_1025, %swap3A_1026] {strides = array<i32>} : memref<2x2x8x1024xf32, #tpu.memory_space<vmem>>, vector<1x1x1x16xf32>,
      %swap3A_1028 = vector.shape_cast %swap3A_1027 : vector<1x1x1x16xf32> to vector<16xf32>
      %swap3A_1029 = vector.shape_cast %add3A_1020 : vector<16xf32> to vector<1x1x1x16xf32>
      tpu.vector_store %arg7[%swap3A_1023, %swap3A_1024, %swap3A_1025, %swap3A_1026], %swap3A_1029 {strides = array<i32>} : memref<2x2x8x1024xf32, #tpu.memory_space<vmem>>, vector<1x1x1x16xf32>,
      %get3A_1030 = arith.constant 1 : i32
      %get3A_1031 = arith.constant 1 : i32
      %get3A_1032 = arith.index_cast %get3A_1030 : i32 to index
      %get3A_1033 = arith.index_cast %get3A_1031 : i32 to index
      %get3A_1034 = arith.index_cast %select_n3A_987 : i32 to index
      %get3A_1035 = arith.index_cast %mul3A_1005 : i32 to index
      %get3A_1036 = tpu.vector_load %arg6[%get3A_1032, %get3A_1033, %get3A_1034, %get3A_1035] {strides = array<i32>} : memref<2x2x8x1024xf32, #tpu.memory_space<vmem>>, vector<1x1x1x16xf32>,
      %get3A_1037 = vector.shape_cast %get3A_1036 : vector<1x1x1x16xf32> to vector<16xf32>
      %add3A_1038 = arith.addf %get3A_1037, %get3A_1011 : vector<16xf32>
      %swap3A_1039 = arith.constant 1 : i32
      %swap3A_1040 = arith.constant 1 : i32
      %swap3A_1041 = arith.index_cast %swap3A_1039 : i32 to index
      %swap3A_1042 = arith.index_cast %swap3A_1040 : i32 to index
      %swap3A_1043 = arith.index_cast %select_n3A_987 : i32 to index
      %swap3A_1044 = arith.index_cast %mul3A_1005 : i32 to index
      %swap3A_1045 = tpu.vector_load %arg7[%swap3A_1041, %swap3A_1042, %swap3A_1043, %swap3A_1044] {strides = array<i32>} : memref<2x2x8x1024xf32, #tpu.memory_space<vmem>>, vector<1x1x1x16xf32>,
      %swap3A_1046 = vector.shape_cast %swap3A_1045 : vector<1x1x1x16xf32> to vector<16xf32>
      %swap3A_1047 = vector.shape_cast %add3A_1038 : vector<16xf32> to vector<1x1x1x16xf32>
      tpu.vector_store %arg7[%swap3A_1041, %swap3A_1042, %swap3A_1043, %swap3A_1044], %swap3A_1047 {strides = array<i32>} : memref<2x2x8x1024xf32, #tpu.memory_space<vmem>>, vector<1x1x1x16xf32>,
      %scan3A_1048 = arith.constant 7 : i32
      %scan3A_1049 = arith.addi %scan3A_449, %scan3A_1048 : i32
      %jit3A_1050 = arith.constant 64 : i32
      %div3A_1051 = arith.divsi %scan3A_1049, %jit3A_1050 : i32
      %sign3A_1052 = arith.constant 0 : i32
      %sign3A_1053 = arith.cmpi sgt, %scan3A_1049, %sign3A_1052 : i32
      %sign3A_1054 = arith.extui %sign3A_1053 : i1 to i32
      %sign3A_1055 = arith.constant 0 : i32
      %sign3A_1056 = arith.cmpi slt, %scan3A_1049, %sign3A_1055 : i32
      %sign3A_1057 = arith.extui %sign3A_1056 : i1 to i32
      %sign3A_1058 = arith.subi %sign3A_1054, %sign3A_1057 : i32
      %sign3A_1059 = arith.constant 0 : i32
      %sign3A_1060 = arith.cmpi sgt, %jit3A_1050, %sign3A_1059 : i32
      %sign3A_1061 = arith.extui %sign3A_1060 : i1 to i32
      %sign3A_1062 = arith.constant 0 : i32
      %sign3A_1063 = arith.cmpi slt, %jit3A_1050, %sign3A_1062 : i32
      %sign3A_1064 = arith.extui %sign3A_1063 : i1 to i32
      %sign3A_1065 = arith.subi %sign3A_1061, %sign3A_1064 : i32
      %ne3A_1066 = arith.cmpi ne, %sign3A_1058, %sign3A_1065 : i32
      %rem3A_1067 = arith.remsi %scan3A_1049, %jit3A_1050 : i32
      %ne3A_1068 = arith.constant 0 : i32
      %ne3A_1069 = arith.cmpi ne, %rem3A_1067, %ne3A_1068 : i32
      %and3A_1070 = arith.andi %ne3A_1066, %ne3A_1069 : i1
      %sub3A_1071 = arith.constant 1 : i32
      %sub3A_1072 = arith.subi %div3A_1051, %sub3A_1071 : i32
      %select_n3A_1073 = arith.select %and3A_1070, %sub3A_1072, %div3A_1051 : i32
      %jit3A_1074 = arith.constant 64 : i32
      %eq3A_1075 = arith.constant 0 : i32
      %eq3A_1076 = arith.cmpi eq, %jit3A_1074, %eq3A_1075 : i32
      %jit3A_1077 = arith.constant 1 : i32
      %select_n3A_1078 = arith.select %eq3A_1076, %jit3A_1077, %jit3A_1074 : i32
      %rem3A_1079 = arith.remsi %scan3A_1049, %select_n3A_1078 : i32
      %ne3A_1080 = arith.constant 0 : i32
      %ne3A_1081 = arith.cmpi ne, %rem3A_1079, %ne3A_1080 : i32
      %lt3A_1082 = arith.constant 0 : i32
      %lt3A_1083 = arith.cmpi slt, %rem3A_1079, %lt3A_1082 : i32
      %lt3A_1084 = arith.constant 0 : i32
      %lt3A_1085 = arith.cmpi slt, %select_n3A_1078, %lt3A_1084 : i32
      %ne3A_1086 = arith.xori %lt3A_1083, %lt3A_1085 : i1
      %and3A_1087 = arith.andi %ne3A_1086, %ne3A_1081 : i1
      %add3A_1088 = arith.addi %rem3A_1079, %select_n3A_1078 : i32
      %select_n3A_1089 = arith.select %and3A_1087, %add3A_1088, %rem3A_1079 : i32
      %mul3A_1090 = arith.constant 16 : i32
      %mul3A_1091 = arith.muli %select_n3A_1089, %mul3A_1090 : i32
      %get3A_1092 = arith.constant 1 : i32
      %get3A_1093 = arith.index_cast %get3A_1092 : i32 to index
      %get3A_1094 = arith.index_cast %select_n3A_1073 : i32 to index
      %get3A_1095 = arith.index_cast %mul3A_1091 : i32 to index
      %get3A_1096 = tpu.vector_load %arg5[%get3A_1093, %get3A_1094, %get3A_1095] {strides = array<i32>} : memref<2x8x1024xf32, #tpu.memory_space<vmem>>, vector<1x1x16xf32>,
      %get3A_1097 = vector.shape_cast %get3A_1096 : vector<1x1x16xf32> to vector<16xf32>
      %get3A_1098 = arith.constant 1 : i32
      %get3A_1099 = arith.constant 0 : i32
      %get3A_1100 = arith.index_cast %get3A_1098 : i32 to index
      %get3A_1101 = arith.index_cast %get3A_1099 : i32 to index
      %get3A_1102 = arith.index_cast %select_n3A_1073 : i32 to index
      %get3A_1103 = arith.index_cast %mul3A_1091 : i32 to index
      %get3A_1104 = tpu.vector_load %arg6[%get3A_1100, %get3A_1101, %get3A_1102, %get3A_1103] {strides = array<i32>} : memref<2x2x8x1024xf32, #tpu.memory_space<vmem>>, vector<1x1x1x16xf32>,
      %get3A_1105 = vector.shape_cast %get3A_1104 : vector<1x1x1x16xf32> to vector<16xf32>
      %add3A_1106 = arith.addf %get3A_1105, %get3A_1097 : vector<16xf32>
      %swap3A_1107 = arith.constant 1 : i32
      %swap3A_1108 = arith.constant 0 : i32
      %swap3A_1109 = arith.index_cast %swap3A_1107 : i32 to index
      %swap3A_1110 = arith.index_cast %swap3A_1108 : i32 to index
      %swap3A_1111 = arith.index_cast %select_n3A_1073 : i32 to index
      %swap3A_1112 = arith.index_cast %mul3A_1091 : i32 to index
      %swap3A_1113 = tpu.vector_load %arg7[%swap3A_1109, %swap3A_1110, %swap3A_1111, %swap3A_1112] {strides = array<i32>} : memref<2x2x8x1024xf32, #tpu.memory_space<vmem>>, vector<1x1x1x16xf32>,
      %swap3A_1114 = vector.shape_cast %swap3A_1113 : vector<1x1x1x16xf32> to vector<16xf32>
      %swap3A_1115 = vector.shape_cast %add3A_1106 : vector<16xf32> to vector<1x1x1x16xf32>
      tpu.vector_store %arg7[%swap3A_1109, %swap3A_1110, %swap3A_1111, %swap3A_1112], %swap3A_1115 {strides = array<i32>} : memref<2x2x8x1024xf32, #tpu.memory_space<vmem>>, vector<1x1x1x16xf32>,
      %get3A_1116 = arith.constant 1 : i32
      %get3A_1117 = arith.constant 1 : i32
      %get3A_1118 = arith.index_cast %get3A_1116 : i32 to index
      %get3A_1119 = arith.index_cast %get3A_1117 : i32 to index
      %get3A_1120 = arith.index_cast %select_n3A_1073 : i32 to index
      %get3A_1121 = arith.index_cast %mul3A_1091 : i32 to index
      %get3A_1122 = tpu.vector_load %arg6[%get3A_1118, %get3A_1119, %get3A_1120, %get3A_1121] {strides = array<i32>} : memref<2x2x8x1024xf32, #tpu.memory_space<vmem>>, vector<1x1x1x16xf32>,
      %get3A_1123 = vector.shape_cast %get3A_1122 : vector<1x1x1x16xf32> to vector<16xf32>
      %add3A_1124 = arith.addf %get3A_1123, %get3A_1097 : vector<16xf32>
      %swap3A_1125 = arith.constant 1 : i32
      %swap3A_1126 = arith.constant 1 : i32
      %swap3A_1127 = arith.index_cast %swap3A_1125 : i32 to index
      %swap3A_1128 = arith.index_cast %swap3A_1126 : i32 to index
      %swap3A_1129 = arith.index_cast %select_n3A_1073 : i32 to index
      %swap3A_1130 = arith.index_cast %mul3A_1091 : i32 to index
      %swap3A_1131 = tpu.vector_load %arg7[%swap3A_1127, %swap3A_1128, %swap3A_1129, %swap3A_1130] {strides = array<i32>} : memref<2x2x8x1024xf32, #tpu.memory_space<vmem>>, vector<1x1x1x16xf32>,
      %swap3A_1132 = vector.shape_cast %swap3A_1131 : vector<1x1x1x16xf32> to vector<16xf32>
      %swap3A_1133 = vector.shape_cast %add3A_1124 : vector<16xf32> to vector<1x1x1x16xf32>
      tpu.vector_store %arg7[%swap3A_1127, %swap3A_1128, %swap3A_1129, %swap3A_1130], %swap3A_1133 {strides = array<i32>} : memref<2x2x8x1024xf32, #tpu.memory_space<vmem>>, vector<1x1x1x16xf32>,
    }
    %scan3A_283 = arith.constant 512 : i32
    %mul3A_284 = arith.constant 24 : i32
    %mul3A_285 = arith.muli %select_n3A_32, %mul3A_284 : i32
    %add3A_286 = arith.constant 8 : i32
    %add3A_287 = arith.addi %mul3A_285, %add3A_286 : i32
    %multiple_of3A_288 = tpu.assume_multiple %add3A_287, 8 : i32
    %dma_start3A_289 = arith.constant 1 : i32
    %dma_start3A_290 = arith.constant 1 : i32
    %dma_start3A_291 = arith.constant 0 : i32
    %dma_start3A_292 = arith.constant 0 : i32
    %dma_start3A_293 = arith.constant 0 : i32
    %dma_start3A_294 = tpu.memref_slice %arg7[%dma_start3A_289, %dma_start3A_291, %dma_start3A_292, %dma_start3A_293] : memref<2x2x8x1024xf32, #tpu.memory_space<vmem>> -> memref<1x2x8x1024xf32, #tpu.memory_space<vmem>>
    %dma_start3A_295 = tpu.memref_squeeze %dma_start3A_294 : memref<1x2x8x1024xf32, #tpu.memory_space<vmem>> -> memref<2x8x1024xf32, #tpu.memory_space<vmem>>
    %dma_start3A_296 = arith.constant 0 : i32
    %dma_start3A_297 = tpu.memref_slice %arg4[%mul3A_18, %multiple_of3A_288, %dma_start3A_296] : memref<16x96x1024xf32, #tpu.memory_space<hbm>> -> memref<2x8x1024xf32, #tpu.memory_space<hbm>>
    %dma_start3A_298 = tpu.memref_slice %arg10[%dma_start3A_290] : memref<2x!tpu.dma_semaphore, #tpu.memory_space<semaphore_mem>> -> memref<1x!tpu.dma_semaphore, #tpu.memory_space<semaphore_mem>>
    %dma_start3A_299 = tpu.memref_squeeze %dma_start3A_298 : memref<1x!tpu.dma_semaphore, #tpu.memory_space<semaphore_mem>> -> memref<!tpu.dma_semaphore, #tpu.memory_space<semaphore_mem>>
    %dma_start3A_300 = arith.constant 0 : i32
    %dma_start3A_301 = tpu.memref_slice %arg4[%mul3A_18, %multiple_of3A_288, %dma_start3A_300] : memref<16x96x1024xf32, #tpu.memory_space<hbm>> -> memref<2x8x1024xf32, #tpu.memory_space<hbm>>
    %dma_start3A_302 = arith.constant 0 : i32
    %dma_start3A_303 = arith.constant 0 : i32
    %dma_start3A_304 = arith.constant 0 : i32
    %dma_start3A_305 = tpu.memref_slice %arg7[%dma_start3A_289, %dma_start3A_302, %dma_start3A_303, %dma_start3A_304] : memref<2x2x8x1024xf32, #tpu.memory_space<vmem>> -> memref<1x2x8x1024xf32, #tpu.memory_space<vmem>>
    %dma_start3A_306 = tpu.memref_squeeze %dma_start3A_305 : memref<1x2x8x1024xf32, #tpu.memory_space<vmem>> -> memref<2x8x1024xf32, #tpu.memory_space<vmem>>
    tpu.enqueue_dma source(%dma_start3A_306 : memref<2x8x1024xf32, #tpu.memory_space<vmem>>) target(%dma_start3A_301 : memref<2x8x1024xf32, #tpu.memory_space<hbm>>) target_semaphore(%dma_start3A_299 : memref<!tpu.dma_semaphore, #tpu.memory_space<semaphore_mem>>)
    %mul3A_307 = arith.constant 24 : i32
    %mul3A_308 = arith.muli %select_n3A_32, %mul3A_307 : i32
    %add3A_309 = arith.constant 16 : i32
    %add3A_310 = arith.addi %mul3A_308, %add3A_309 : i32
    %multiple_of3A_311 = tpu.assume_multiple %add3A_310, 8 : i32
    %dma_wait3A_312 = arith.constant 0 : i32
    %dma_wait3A_313 = arith.constant 0 : i32
    %dma_wait3A_314 = arith.constant 0 : i32
    %dma_wait3A_315 = arith.constant 0 : i32
    %dma_wait3A_316 = arith.constant 0 : i32
    %dma_wait3A_317 = tpu.memref_slice %arg6[%dma_wait3A_312, %dma_wait3A_314, %dma_wait3A_315, %dma_wait3A_316] : memref<2x2x8x1024xf32, #tpu.memory_space<vmem>> -> memref<1x2x8x1024xf32, #tpu.memory_space<vmem>>
    %dma_wait3A_318 = tpu.memref_squeeze %dma_wait3A_317 : memref<1x2x8x1024xf32, #tpu.memory_space<vmem>> -> memref<2x8x1024xf32, #tpu.memory_space<vmem>>
    %dma_wait3A_319 = arith.constant 0 : i32
    %dma_wait3A_320 = tpu.memref_slice %arg2[%mul3A_18, %multiple_of3A_311, %dma_wait3A_319] : memref<64x96x1024xf32, #tpu.memory_space<hbm>> -> memref<2x8x1024xf32, #tpu.memory_space<hbm>>
    %dma_wait3A_321 = tpu.memref_slice %arg9[%dma_wait3A_313] : memref<2x!tpu.dma_semaphore, #tpu.memory_space<semaphore_mem>> -> memref<1x!tpu.dma_semaphore, #tpu.memory_space<semaphore_mem>>
    %dma_wait3A_322 = tpu.memref_squeeze %dma_wait3A_321 : memref<1x!tpu.dma_semaphore, #tpu.memory_space<semaphore_mem>> -> memref<!tpu.dma_semaphore, #tpu.memory_space<semaphore_mem>>
    %dma_wait3A_323 = arith.constant 0 : i32
    %dma_wait3A_324 = arith.constant 0 : i32
    %dma_wait3A_325 = arith.constant 0 : i32
    %dma_wait3A_326 = tpu.memref_slice %arg6[%dma_wait3A_312, %dma_wait3A_323, %dma_wait3A_324, %dma_wait3A_325] : memref<2x2x8x1024xf32, #tpu.memory_space<vmem>> -> memref<1x2x8x1024xf32, #tpu.memory_space<vmem>>
    %dma_wait3A_327 = tpu.memref_squeeze %dma_wait3A_326 : memref<1x2x8x1024xf32, #tpu.memory_space<vmem>> -> memref<2x8x1024xf32, #tpu.memory_space<vmem>>
    %dma_wait3A_328 = arith.constant 0 : i32
    %dma_wait3A_329 = tpu.memref_slice %arg2[%mul3A_18, %multiple_of3A_311, %dma_wait3A_328] : memref<64x96x1024xf32, #tpu.memory_space<hbm>> -> memref<2x8x1024xf32, #tpu.memory_space<hbm>>
    tpu.wait_dma2 semaphore(%dma_wait3A_322 : memref<!tpu.dma_semaphore, #tpu.memory_space<semaphore_mem>>) src(%dma_wait3A_329 : memref<2x8x1024xf32, #tpu.memory_space<hbm>>) dst(%dma_wait3A_327 : memref<2x8x1024xf32, #tpu.memory_space<vmem>>)
    %mul3A_330 = arith.constant 24 : i32
    %mul3A_331 = arith.muli %select_n3A_32, %mul3A_330 : i32
    %add3A_332 = arith.constant 16 : i32
    %add3A_333 = arith.addi %mul3A_331, %add3A_332 : i32
    %multiple_of3A_334 = tpu.assume_multiple %add3A_333, 8 : i32
    %dma_wait3A_335 = arith.constant 0 : i32
    %dma_wait3A_336 = arith.constant 0 : i32
    %dma_wait3A_337 = arith.constant 0 : i32
    %dma_wait3A_338 = arith.constant 0 : i32
    %dma_wait3A_339 = tpu.memref_slice %arg5[%dma_wait3A_335, %dma_wait3A_337, %dma_wait3A_338] : memref<2x8x1024xf32, #tpu.memory_space<vmem>> -> memref<1x8x1024xf32, #tpu.memory_space<vmem>>
    %dma_wait3A_340 = tpu.memref_squeeze %dma_wait3A_339 : memref<1x8x1024xf32, #tpu.memory_space<vmem>> -> memref<8x1024xf32, #tpu.memory_space<vmem>>
    %dma_wait3A_341 = arith.constant 0 : i32
    %dma_wait3A_342 = tpu.memref_slice %arg3[%multiple_of3A_334, %dma_wait3A_341] : memref<96x1024xf32, #tpu.memory_space<hbm>> -> memref<8x1024xf32, #tpu.memory_space<hbm>>
    %dma_wait3A_343 = tpu.memref_slice %arg8[%dma_wait3A_336] : memref<2x!tpu.dma_semaphore, #tpu.memory_space<semaphore_mem>> -> memref<1x!tpu.dma_semaphore, #tpu.memory_space<semaphore_mem>>
    %dma_wait3A_344 = tpu.memref_squeeze %dma_wait3A_343 : memref<1x!tpu.dma_semaphore, #tpu.memory_space<semaphore_mem>> -> memref<!tpu.dma_semaphore, #tpu.memory_space<semaphore_mem>>
    %dma_wait3A_345 = arith.constant 0 : i32
    %dma_wait3A_346 = arith.constant 0 : i32
    %dma_wait3A_347 = tpu.memref_slice %arg5[%dma_wait3A_335, %dma_wait3A_345, %dma_wait3A_346] : memref<2x8x1024xf32, #tpu.memory_space<vmem>> -> memref<1x8x1024xf32, #tpu.memory_space<vmem>>
    %dma_wait3A_348 = tpu.memref_squeeze %dma_wait3A_347 : memref<1x8x1024xf32, #tpu.memory_space<vmem>> -> memref<8x1024xf32, #tpu.memory_space<vmem>>
    %dma_wait3A_349 = arith.constant 0 : i32
    %dma_wait3A_350 = tpu.memref_slice %arg3[%multiple_of3A_334, %dma_wait3A_349] : memref<96x1024xf32, #tpu.memory_space<hbm>> -> memref<8x1024xf32, #tpu.memory_space<hbm>>
    tpu.wait_dma2 semaphore(%dma_wait3A_344 : memref<!tpu.dma_semaphore, #tpu.memory_space<semaphore_mem>>) src(%dma_wait3A_350 : memref<8x1024xf32, #tpu.memory_space<hbm>>) dst(%dma_wait3A_348 : memref<8x1024xf32, #tpu.memory_space<vmem>>)
    %mul3A_351 = arith.constant 24 : i32
    %mul3A_352 = arith.muli %select_n3A_32, %mul3A_351 : i32
    %add3A_353 = arith.constant 0 : i32
    %add3A_354 = arith.addi %mul3A_352, %add3A_353 : i32
    %multiple_of3A_355 = tpu.assume_multiple %add3A_354, 8 : i32
    %dma_wait3A_356 = arith.constant 0 : i32
    %dma_wait3A_357 = arith.constant 0 : i32
    %dma_wait3A_358 = arith.constant 0 : i32
    %dma_wait3A_359 = arith.constant 0 : i32
    %dma_wait3A_360 = arith.constant 0 : i32
    %dma_wait3A_361 = tpu.memref_slice %arg7[%dma_wait3A_356, %dma_wait3A_358, %dma_wait3A_359, %dma_wait3A_360] : memref<2x2x8x1024xf32, #tpu.memory_space<vmem>> -> memref<1x2x8x1024xf32, #tpu.memory_space<vmem>>
    %dma_wait3A_362 = tpu.memref_squeeze %dma_wait3A_361 : memref<1x2x8x1024xf32, #tpu.memory_space<vmem>> -> memref<2x8x1024xf32, #tpu.memory_space<vmem>>
    %dma_wait3A_363 = arith.constant 0 : i32
    %dma_wait3A_364 = tpu.memref_slice %arg4[%mul3A_18, %multiple_of3A_355, %dma_wait3A_363] : memref<16x96x1024xf32, #tpu.memory_space<hbm>> -> memref<2x8x1024xf32, #tpu.memory_space<hbm>>
    %dma_wait3A_365 = tpu.memref_slice %arg10[%dma_wait3A_357] : memref<2x!tpu.dma_semaphore, #tpu.memory_space<semaphore_mem>> -> memref<1x!tpu.dma_semaphore, #tpu.memory_space<semaphore_mem>>
    %dma_wait3A_366 = tpu.memref_squeeze %dma_wait3A_365 : memref<1x!tpu.dma_semaphore, #tpu.memory_space<semaphore_mem>> -> memref<!tpu.dma_semaphore, #tpu.memory_space<semaphore_mem>>
    %dma_wait3A_367 = arith.constant 0 : i32
    %dma_wait3A_368 = tpu.memref_slice %arg4[%mul3A_18, %multiple_of3A_355, %dma_wait3A_367] : memref<16x96x1024xf32, #tpu.memory_space<hbm>> -> memref<2x8x1024xf32, #tpu.memory_space<hbm>>
    %dma_wait3A_369 = arith.constant 0 : i32
    %dma_wait3A_370 = arith.constant 0 : i32
    %dma_wait3A_371 = arith.constant 0 : i32
    %dma_wait3A_372 = tpu.memref_slice %arg7[%dma_wait3A_356, %dma_wait3A_369, %dma_wait3A_370, %dma_wait3A_371] : memref<2x2x8x1024xf32, #tpu.memory_space<vmem>> -> memref<1x2x8x1024xf32, #tpu.memory_space<vmem>>
    %dma_wait3A_373 = tpu.memref_squeeze %dma_wait3A_372 : memref<1x2x8x1024xf32, #tpu.memory_space<vmem>> -> memref<2x8x1024xf32, #tpu.memory_space<vmem>>
    tpu.wait_dma2 semaphore(%dma_wait3A_366 : memref<!tpu.dma_semaphore, #tpu.memory_space<semaphore_mem>>) src(%dma_wait3A_373 : memref<2x8x1024xf32, #tpu.memory_space<vmem>>) dst(%dma_wait3A_368 : memref<2x8x1024xf32, #tpu.memory_space<hbm>>)
    %scan3A_374 = arith.constant 0 : i32
    %scan3A_375 = arith.constant 0 : i32
    %scan3A_376 = arith.constant 512 : i32
    %scan3A_377 = arith.addi %scan3A_375, %scan3A_376 : i32
    %scan3A_378 = arith.constant 8 : i32
    scf.for %scan3A_449 = %scan3A_375 to %scan3A_377 step %scan3A_378  : i32 {
      %jit3A_450 = arith.constant 64 : i32
      %div3A_451 = arith.divsi %scan3A_449, %jit3A_450 : i32
      %sign3A_452 = arith.constant 0 : i32
      %sign3A_453 = arith.cmpi sgt, %scan3A_449, %sign3A_452 : i32
      %sign3A_454 = arith.extui %sign3A_453 : i1 to i32
      %sign3A_455 = arith.constant 0 : i32
      %sign3A_456 = arith.cmpi slt, %scan3A_449, %sign3A_455 : i32
      %sign3A_457 = arith.extui %sign3A_456 : i1 to i32
      %sign3A_458 = arith.subi %sign3A_454, %sign3A_457 : i32
      %sign3A_459 = arith.constant 0 : i32
      %sign3A_460 = arith.cmpi sgt, %jit3A_450, %sign3A_459 : i32
      %sign3A_461 = arith.extui %sign3A_460 : i1 to i32
      %sign3A_462 = arith.constant 0 : i32
      %sign3A_463 = arith.cmpi slt, %jit3A_450, %sign3A_462 : i32
      %sign3A_464 = arith.extui %sign3A_463 : i1 to i32
      %sign3A_465 = arith.subi %sign3A_461, %sign3A_464 : i32
      %ne3A_466 = arith.cmpi ne, %sign3A_458, %sign3A_465 : i32
      %rem3A_467 = arith.remsi %scan3A_449, %jit3A_450 : i32
      %ne3A_468 = arith.constant 0 : i32
      %ne3A_469 = arith.cmpi ne, %rem3A_467, %ne3A_468 : i32
      %and3A_470 = arith.andi %ne3A_466, %ne3A_469 : i1
      %sub3A_471 = arith.constant 1 : i32
      %sub3A_472 = arith.subi %div3A_451, %sub3A_471 : i32
      %select_n3A_473 = arith.select %and3A_470, %sub3A_472, %div3A_451 : i32
      %jit3A_474 = arith.constant 64 : i32
      %eq3A_475 = arith.constant 0 : i32
      %eq3A_476 = arith.cmpi eq, %jit3A_474, %eq3A_475 : i32
      %jit3A_477 = arith.constant 1 : i32
      %select_n3A_478 = arith.select %eq3A_476, %jit3A_477, %jit3A_474 : i32
      %rem3A_479 = arith.remsi %scan3A_449, %select_n3A_478 : i32
      %ne3A_480 = arith.constant 0 : i32
      %ne3A_481 = arith.cmpi ne, %rem3A_479, %ne3A_480 : i32
      %lt3A_482 = arith.constant 0 : i32
      %lt3A_483 = arith.cmpi slt, %rem3A_479, %lt3A_482 : i32
      %lt3A_484 = arith.constant 0 : i32
      %lt3A_485 = arith.cmpi slt, %select_n3A_478, %lt3A_484 : i32
      %ne3A_486 = arith.xori %lt3A_483, %lt3A_485 : i1
      %and3A_487 = arith.andi %ne3A_486, %ne3A_481 : i1
      %add3A_488 = arith.addi %rem3A_479, %select_n3A_478 : i32
      %select_n3A_489 = arith.select %and3A_487, %add3A_488, %rem3A_479 : i32
      %mul3A_490 = arith.constant 16 : i32
      %mul3A_491 = arith.muli %select_n3A_489, %mul3A_490 : i32
      %get3A = arith.constant 0 : i32
      %get3A_492 = arith.index_cast %get3A : i32 to index
      %get3A_493 = arith.index_cast %select_n3A_473 : i32 to index
      %get3A_494 = arith.index_cast %mul3A_491 : i32 to index
      %get3A_495 = tpu.vector_load %arg5[%get3A_492, %get3A_493, %get3A_494] {strides = array<i32>} : memref<2x8x1024xf32, #tpu.memory_space<vmem>>, vector<1x1x16xf32>,
      %get3A_496 = vector.shape_cast %get3A_495 : vector<1x1x16xf32> to vector<16xf32>
      %get3A_497 = arith.constant 0 : i32
      %get3A_498 = arith.constant 0 : i32
      %get3A_499 = arith.index_cast %get3A_497 : i32 to index
      %get3A_500 = arith.index_cast %get3A_498 : i32 to index
      %get3A_501 = arith.index_cast %select_n3A_473 : i32 to index
      %get3A_502 = arith.index_cast %mul3A_491 : i32 to index
      %get3A_503 = tpu.vector_load %arg6[%get3A_499, %get3A_500, %get3A_501, %get3A_502] {strides = array<i32>} : memref<2x2x8x1024xf32, #tpu.memory_space<vmem>>, vector<1x1x1x16xf32>,
      %get3A_504 = vector.shape_cast %get3A_503 : vector<1x1x1x16xf32> to vector<16xf32>
      %add3A_505 = arith.addf %get3A_504, %get3A_496 : vector<16xf32>
      %swap3A = arith.constant 0 : i32
      %swap3A_506 = arith.constant 0 : i32
      %swap3A_507 = arith.index_cast %swap3A : i32 to index
      %swap3A_508 = arith.index_cast %swap3A_506 : i32 to index
      %swap3A_509 = arith.index_cast %select_n3A_473 : i32 to index
      %swap3A_510 = arith.index_cast %mul3A_491 : i32 to index
      %swap3A_511 = tpu.vector_load %arg7[%swap3A_507, %swap3A_508, %swap3A_509, %swap3A_510] {strides = array<i32>} : memref<2x2x8x1024xf32, #tpu.memory_space<vmem>>, vector<1x1x1x16xf32>,
      %swap3A_512 = vector.shape_cast %swap3A_511 : vector<1x1x1x16xf32> to vector<16xf32>
      %swap3A_513 = vector.shape_cast %add3A_505 : vector<16xf32> to vector<1x1x1x16xf32>
      tpu.vector_store %arg7[%swap3A_507, %swap3A_508, %swap3A_509, %swap3A_510], %swap3A_513 {strides = array<i32>} : memref<2x2x8x1024xf32, #tpu.memory_space<vmem>>, vector<1x1x1x16xf32>,
      %get3A_514 = arith.constant 0 : i32
      %get3A_515 = arith.constant 1 : i32
      %get3A_516 = arith.index_cast %get3A_514 : i32 to index
      %get3A_517 = arith.index_cast %get3A_515 : i32 to index
      %get3A_518 = arith.index_cast %select_n3A_473 : i32 to index
      %get3A_519 = arith.index_cast %mul3A_491 : i32 to index
      %get3A_520 = tpu.vector_load %arg6[%get3A_516, %get3A_517, %get3A_518, %get3A_519] {strides = array<i32>} : memref<2x2x8x1024xf32, #tpu.memory_space<vmem>>, vector<1x1x1x16xf32>,
      %get3A_521 = vector.shape_cast %get3A_520 : vector<1x1x1x16xf32> to vector<16xf32>
      %add3A_522 = arith.addf %get3A_521, %get3A_496 : vector<16xf32>
      %swap3A_523 = arith.constant 0 : i32
      %swap3A_524 = arith.constant 1 : i32
      %swap3A_525 = arith.index_cast %swap3A_523 : i32 to index
      %swap3A_526 = arith.index_cast %swap3A_524 : i32 to index
      %swap3A_527 = arith.index_cast %select_n3A_473 : i32 to index
      %swap3A_528 = arith.index_cast %mul3A_491 : i32 to index
      %swap3A_529 = tpu.vector_load %arg7[%swap3A_525, %swap3A_526, %swap3A_527, %swap3A_528] {strides = array<i32>} : memref<2x2x8x1024xf32, #tpu.memory_space<vmem>>, vector<1x1x1x16xf32>,
      %swap3A_530 = vector.shape_cast %swap3A_529 : vector<1x1x1x16xf32> to vector<16xf32>
      %swap3A_531 = vector.shape_cast %add3A_522 : vector<16xf32> to vector<1x1x1x16xf32>
      tpu.vector_store %arg7[%swap3A_525, %swap3A_526, %swap3A_527, %swap3A_528], %swap3A_531 {strides = array<i32>} : memref<2x2x8x1024xf32, #tpu.memory_space<vmem>>, vector<1x1x1x16xf32>,
      %scan3A_532 = arith.constant 1 : i32
      %scan3A_533 = arith.addi %scan3A_449, %scan3A_532 : i32
      %jit3A_534 = arith.constant 64 : i32
      %div3A_535 = arith.divsi %scan3A_533, %jit3A_534 : i32
      %sign3A_536 = arith.constant 0 : i32
      %sign3A_537 = arith.cmpi sgt, %scan3A_533, %sign3A_536 : i32
      %sign3A_538 = arith.extui %sign3A_537 : i1 to i32
      %sign3A_539 = arith.constant 0 : i32
      %sign3A_540 = arith.cmpi slt, %scan3A_533, %sign3A_539 : i32
      %sign3A_541 = arith.extui %sign3A_540 : i1 to i32
      %sign3A_542 = arith.subi %sign3A_538, %sign3A_541 : i32
      %sign3A_543 = arith.constant 0 : i32
      %sign3A_544 = arith.cmpi sgt, %jit3A_534, %sign3A_543 : i32
      %sign3A_545 = arith.extui %sign3A_544 : i1 to i32
      %sign3A_546 = arith.constant 0 : i32
      %sign3A_547 = arith.cmpi slt, %jit3A_534, %sign3A_546 : i32
      %sign3A_548 = arith.extui %sign3A_547 : i1 to i32
      %sign3A_549 = arith.subi %sign3A_545, %sign3A_548 : i32
      %ne3A_550 = arith.cmpi ne, %sign3A_542, %sign3A_549 : i32
      %rem3A_551 = arith.remsi %scan3A_533, %jit3A_534 : i32
      %ne3A_552 = arith.constant 0 : i32
      %ne3A_553 = arith.cmpi ne, %rem3A_551, %ne3A_552 : i32
      %and3A_554 = arith.andi %ne3A_550, %ne3A_553 : i1
      %sub3A_555 = arith.constant 1 : i32
      %sub3A_556 = arith.subi %div3A_535, %sub3A_555 : i32
      %select_n3A_557 = arith.select %and3A_554, %sub3A_556, %div3A_535 : i32
      %jit3A_558 = arith.constant 64 : i32
      %eq3A_559 = arith.constant 0 : i32
      %eq3A_560 = arith.cmpi eq, %jit3A_558, %eq3A_559 : i32
      %jit3A_561 = arith.constant 1 : i32
      %select_n3A_562 = arith.select %eq3A_560, %jit3A_561, %jit3A_558 : i32
      %rem3A_563 = arith.remsi %scan3A_533, %select_n3A_562 : i32
      %ne3A_564 = arith.constant 0 : i32
      %ne3A_565 = arith.cmpi ne, %rem3A_563, %ne3A_564 : i32
      %lt3A_566 = arith.constant 0 : i32
      %lt3A_567 = arith.cmpi slt, %rem3A_563, %lt3A_566 : i32
      %lt3A_568 = arith.constant 0 : i32
      %lt3A_569 = arith.cmpi slt, %select_n3A_562, %lt3A_568 : i32
      %ne3A_570 = arith.xori %lt3A_567, %lt3A_569 : i1
      %and3A_571 = arith.andi %ne3A_570, %ne3A_565 : i1
      %add3A_572 = arith.addi %rem3A_563, %select_n3A_562 : i32
      %select_n3A_573 = arith.select %and3A_571, %add3A_572, %rem3A_563 : i32
      %mul3A_574 = arith.constant 16 : i32
      %mul3A_575 = arith.muli %select_n3A_573, %mul3A_574 : i32
      %get3A_576 = arith.constant 0 : i32
      %get3A_577 = arith.index_cast %get3A_576 : i32 to index
      %get3A_578 = arith.index_cast %select_n3A_557 : i32 to index
      %get3A_579 = arith.index_cast %mul3A_575 : i32 to index
      %get3A_580 = tpu.vector_load %arg5[%get3A_577, %get3A_578, %get3A_579] {strides = array<i32>} : memref<2x8x1024xf32, #tpu.memory_space<vmem>>, vector<1x1x16xf32>,
      %get3A_581 = vector.shape_cast %get3A_580 : vector<1x1x16xf32> to vector<16xf32>
      %get3A_582 = arith.constant 0 : i32
      %get3A_583 = arith.constant 0 : i32
      %get3A_584 = arith.index_cast %get3A_582 : i32 to index
      %get3A_585 = arith.index_cast %get3A_583 : i32 to index
      %get3A_586 = arith.index_cast %select_n3A_557 : i32 to index
      %get3A_587 = arith.index_cast %mul3A_575 : i32 to index
      %get3A_588 = tpu.vector_load %arg6[%get3A_584, %get3A_585, %get3A_586, %get3A_587] {strides = array<i32>} : memref<2x2x8x1024xf32, #tpu.memory_space<vmem>>, vector<1x1x1x16xf32>,
      %get3A_589 = vector.shape_cast %get3A_588 : vector<1x1x1x16xf32> to vector<16xf32>
      %add3A_590 = arith.addf %get3A_589, %get3A_581 : vector<16xf32>
      %swap3A_591 = arith.constant 0 : i32
      %swap3A_592 = arith.constant 0 : i32
      %swap3A_593 = arith.index_cast %swap3A_591 : i32 to index
      %swap3A_594 = arith.index_cast %swap3A_592 : i32 to index
      %swap3A_595 = arith.index_cast %select_n3A_557 : i32 to index
      %swap3A_596 = arith.index_cast %mul3A_575 : i32 to index
      %swap3A_597 = tpu.vector_load %arg7[%swap3A_593, %swap3A_594, %swap3A_595, %swap3A_596] {strides = array<i32>} : memref<2x2x8x1024xf32, #tpu.memory_space<vmem>>, vector<1x1x1x16xf32>,
      %swap3A_598 = vector.shape_cast %swap3A_597 : vector<1x1x1x16xf32> to vector<16xf32>
      %swap3A_599 = vector.shape_cast %add3A_590 : vector<16xf32> to vector<1x1x1x16xf32>
      tpu.vector_store %arg7[%swap3A_593, %swap3A_594, %swap3A_595, %swap3A_596], %swap3A_599 {strides = array<i32>} : memref<2x2x8x1024xf32, #tpu.memory_space<vmem>>, vector<1x1x1x16xf32>,
      %get3A_600 = arith.constant 0 : i32
      %get3A_601 = arith.constant 1 : i32
      %get3A_602 = arith.index_cast %get3A_600 : i32 to index
      %get3A_603 = arith.index_cast %get3A_601 : i32 to index
      %get3A_604 = arith.index_cast %select_n3A_557 : i32 to index
      %get3A_605 = arith.index_cast %mul3A_575 : i32 to index
      %get3A_606 = tpu.vector_load %arg6[%get3A_602, %get3A_603, %get3A_604, %get3A_605] {strides = array<i32>} : memref<2x2x8x1024xf32, #tpu.memory_space<vmem>>, vector<1x1x1x16xf32>,
      %get3A_607 = vector.shape_cast %get3A_606 : vector<1x1x1x16xf32> to vector<16xf32>
      %add3A_608 = arith.addf %get3A_607, %get3A_581 : vector<16xf32>
      %swap3A_609 = arith.constant 0 : i32
      %swap3A_610 = arith.constant 1 : i32
      %swap3A_611 = arith.index_cast %swap3A_609 : i32 to index
      %swap3A_612 = arith.index_cast %swap3A_610 : i32 to index
      %swap3A_613 = arith.index_cast %select_n3A_557 : i32 to index
      %swap3A_614 = arith.index_cast %mul3A_575 : i32 to index
      %swap3A_615 = tpu.vector_load %arg7[%swap3A_611, %swap3A_612, %swap3A_613, %swap3A_614] {strides = array<i32>} : memref<2x2x8x1024xf32, #tpu.memory_space<vmem>>, vector<1x1x1x16xf32>,
      %swap3A_616 = vector.shape_cast %swap3A_615 : vector<1x1x1x16xf32> to vector<16xf32>
      %swap3A_617 = vector.shape_cast %add3A_608 : vector<16xf32> to vector<1x1x1x16xf32>
      tpu.vector_store %arg7[%swap3A_611, %swap3A_612, %swap3A_613, %swap3A_614], %swap3A_617 {strides = array<i32>} : memref<2x2x8x1024xf32, #tpu.memory_space<vmem>>, vector<1x1x1x16xf32>,
      %scan3A_618 = arith.constant 2 : i32
      %scan3A_619 = arith.addi %scan3A_449, %scan3A_618 : i32
      %jit3A_620 = arith.constant 64 : i32
      %div3A_621 = arith.divsi %scan3A_619, %jit3A_620 : i32
      %sign3A_622 = arith.constant 0 : i32
      %sign3A_623 = arith.cmpi sgt, %scan3A_619, %sign3A_622 : i32
      %sign3A_624 = arith.extui %sign3A_623 : i1 to i32
      %sign3A_625 = arith.constant 0 : i32
      %sign3A_626 = arith.cmpi slt, %scan3A_619, %sign3A_625 : i32
      %sign3A_627 = arith.extui %sign3A_626 : i1 to i32
      %sign3A_628 = arith.subi %sign3A_624, %sign3A_627 : i32
      %sign3A_629 = arith.constant 0 : i32
      %sign3A_630 = arith.cmpi sgt, %jit3A_620, %sign3A_629 : i32
      %sign3A_631 = arith.extui %sign3A_630 : i1 to i32
      %sign3A_632 = arith.constant 0 : i32
      %sign3A_633 = arith.cmpi slt, %jit3A_620, %sign3A_632 : i32
      %sign3A_634 = arith.extui %sign3A_633 : i1 to i32
      %sign3A_635 = arith.subi %sign3A_631, %sign3A_634 : i32
      %ne3A_636 = arith.cmpi ne, %sign3A_628, %sign3A_635 : i32
      %rem3A_637 = arith.remsi %scan3A_619, %jit3A_620 : i32
      %ne3A_638 = arith.constant 0 : i32
      %ne3A_639 = arith.cmpi ne, %rem3A_637, %ne3A_638 : i32
      %and3A_640 = arith.andi %ne3A_636, %ne3A_639 : i1
      %sub3A_641 = arith.constant 1 : i32
      %sub3A_642 = arith.subi %div3A_621, %sub3A_641 : i32
      %select_n3A_643 = arith.select %and3A_640, %sub3A_642, %div3A_621 : i32
      %jit3A_644 = arith.constant 64 : i32
      %eq3A_645 = arith.constant 0 : i32
      %eq3A_646 = arith.cmpi eq, %jit3A_644, %eq3A_645 : i32
      %jit3A_647 = arith.constant 1 : i32
      %select_n3A_648 = arith.select %eq3A_646, %jit3A_647, %jit3A_644 : i32
      %rem3A_649 = arith.remsi %scan3A_619, %select_n3A_648 : i32
      %ne3A_650 = arith.constant 0 : i32
      %ne3A_651 = arith.cmpi ne, %rem3A_649, %ne3A_650 : i32
      %lt3A_652 = arith.constant 0 : i32
      %lt3A_653 = arith.cmpi slt, %rem3A_649, %lt3A_652 : i32
      %lt3A_654 = arith.constant 0 : i32
      %lt3A_655 = arith.cmpi slt, %select_n3A_648, %lt3A_654 : i32
      %ne3A_656 = arith.xori %lt3A_653, %lt3A_655 : i1
      %and3A_657 = arith.andi %ne3A_656, %ne3A_651 : i1
      %add3A_658 = arith.addi %rem3A_649, %select_n3A_648 : i32
      %select_n3A_659 = arith.select %and3A_657, %add3A_658, %rem3A_649 : i32
      %mul3A_660 = arith.constant 16 : i32
      %mul3A_661 = arith.muli %select_n3A_659, %mul3A_660 : i32
      %get3A_662 = arith.constant 0 : i32
      %get3A_663 = arith.index_cast %get3A_662 : i32 to index
      %get3A_664 = arith.index_cast %select_n3A_643 : i32 to index
      %get3A_665 = arith.index_cast %mul3A_661 : i32 to index
      %get3A_666 = tpu.vector_load %arg5[%get3A_663, %get3A_664, %get3A_665] {strides = array<i32>} : memref<2x8x1024xf32, #tpu.memory_space<vmem>>, vector<1x1x16xf32>,
      %get3A_667 = vector.shape_cast %get3A_666 : vector<1x1x16xf32> to vector<16xf32>
      %get3A_668 = arith.constant 0 : i32
      %get3A_669 = arith.constant 0 : i32
      %get3A_670 = arith.index_cast %get3A_668 : i32 to index
      %get3A_671 = arith.index_cast %get3A_669 : i32 to index
      %get3A_672 = arith.index_cast %select_n3A_643 : i32 to index
      %get3A_673 = arith.index_cast %mul3A_661 : i32 to index
      %get3A_674 = tpu.vector_load %arg6[%get3A_670, %get3A_671, %get3A_672, %get3A_673] {strides = array<i32>} : memref<2x2x8x1024xf32, #tpu.memory_space<vmem>>, vector<1x1x1x16xf32>,
      %get3A_675 = vector.shape_cast %get3A_674 : vector<1x1x1x16xf32> to vector<16xf32>
      %add3A_676 = arith.addf %get3A_675, %get3A_667 : vector<16xf32>
      %swap3A_677 = arith.constant 0 : i32
      %swap3A_678 = arith.constant 0 : i32
      %swap3A_679 = arith.index_cast %swap3A_677 : i32 to index
      %swap3A_680 = arith.index_cast %swap3A_678 : i32 to index
      %swap3A_681 = arith.index_cast %select_n3A_643 : i32 to index
      %swap3A_682 = arith.index_cast %mul3A_661 : i32 to index
      %swap3A_683 = tpu.vector_load %arg7[%swap3A_679, %swap3A_680, %swap3A_681, %swap3A_682] {strides = array<i32>} : memref<2x2x8x1024xf32, #tpu.memory_space<vmem>>, vector<1x1x1x16xf32>,
      %swap3A_684 = vector.shape_cast %swap3A_683 : vector<1x1x1x16xf32> to vector<16xf32>
      %swap3A_685 = vector.shape_cast %add3A_676 : vector<16xf32> to vector<1x1x1x16xf32>
      tpu.vector_store %arg7[%swap3A_679, %swap3A_680, %swap3A_681, %swap3A_682], %swap3A_685 {strides = array<i32>} : memref<2x2x8x1024xf32, #tpu.memory_space<vmem>>, vector<1x1x1x16xf32>,
      %get3A_686 = arith.constant 0 : i32
      %get3A_687 = arith.constant 1 : i32
      %get3A_688 = arith.index_cast %get3A_686 : i32 to index
      %get3A_689 = arith.index_cast %get3A_687 : i32 to index
      %get3A_690 = arith.index_cast %select_n3A_643 : i32 to index
      %get3A_691 = arith.index_cast %mul3A_661 : i32 to index
      %get3A_692 = tpu.vector_load %arg6[%get3A_688, %get3A_689, %get3A_690, %get3A_691] {strides = array<i32>} : memref<2x2x8x1024xf32, #tpu.memory_space<vmem>>, vector<1x1x1x16xf32>,
      %get3A_693 = vector.shape_cast %get3A_692 : vector<1x1x1x16xf32> to vector<16xf32>
      %add3A_694 = arith.addf %get3A_693, %get3A_667 : vector<16xf32>
      %swap3A_695 = arith.constant 0 : i32
      %swap3A_696 = arith.constant 1 : i32
      %swap3A_697 = arith.index_cast %swap3A_695 : i32 to index
      %swap3A_698 = arith.index_cast %swap3A_696 : i32 to index
      %swap3A_699 = arith.index_cast %select_n3A_643 : i32 to index
      %swap3A_700 = arith.index_cast %mul3A_661 : i32 to index
      %swap3A_701 = tpu.vector_load %arg7[%swap3A_697, %swap3A_698, %swap3A_699, %swap3A_700] {strides = array<i32>} : memref<2x2x8x1024xf32, #tpu.memory_space<vmem>>, vector<1x1x1x16xf32>,
      %swap3A_702 = vector.shape_cast %swap3A_701 : vector<1x1x1x16xf32> to vector<16xf32>
      %swap3A_703 = vector.shape_cast %add3A_694 : vector<16xf32> to vector<1x1x1x16xf32>
      tpu.vector_store %arg7[%swap3A_697, %swap3A_698, %swap3A_699, %swap3A_700], %swap3A_703 {strides = array<i32>} : memref<2x2x8x1024xf32, #tpu.memory_space<vmem>>, vector<1x1x1x16xf32>,
      %scan3A_704 = arith.constant 3 : i32
      %scan3A_705 = arith.addi %scan3A_449, %scan3A_704 : i32
      %jit3A_706 = arith.constant 64 : i32
      %div3A_707 = arith.divsi %scan3A_705, %jit3A_706 : i32
      %sign3A_708 = arith.constant 0 : i32
      %sign3A_709 = arith.cmpi sgt, %scan3A_705, %sign3A_708 : i32
      %sign3A_710 = arith.extui %sign3A_709 : i1 to i32
      %sign3A_711 = arith.constant 0 : i32
      %sign3A_712 = arith.cmpi slt, %scan3A_705, %sign3A_711 : i32
      %sign3A_713 = arith.extui %sign3A_712 : i1 to i32
      %sign3A_714 = arith.subi %sign3A_710, %sign3A_713 : i32
      %sign3A_715 = arith.constant 0 : i32
      %sign3A_716 = arith.cmpi sgt, %jit3A_706, %sign3A_715 : i32
      %sign3A_717 = arith.extui %sign3A_716 : i1 to i32
      %sign3A_718 = arith.constant 0 : i32
      %sign3A_719 = arith.cmpi slt, %jit3A_706, %sign3A_718 : i32
      %sign3A_720 = arith.extui %sign3A_719 : i1 to i32
      %sign3A_721 = arith.subi %sign3A_717, %sign3A_720 : i32
      %ne3A_722 = arith.cmpi ne, %sign3A_714, %sign3A_721 : i32
      %rem3A_723 = arith.remsi %scan3A_705, %jit3A_706 : i32
      %ne3A_724 = arith.constant 0 : i32
      %ne3A_725 = arith.cmpi ne, %rem3A_723, %ne3A_724 : i32
      %and3A_726 = arith.andi %ne3A_722, %ne3A_725 : i1
      %sub3A_727 = arith.constant 1 : i32
      %sub3A_728 = arith.subi %div3A_707, %sub3A_727 : i32
      %select_n3A_729 = arith.select %and3A_726, %sub3A_728, %div3A_707 : i32
      %jit3A_730 = arith.constant 64 : i32
      %eq3A_731 = arith.constant 0 : i32
      %eq3A_732 = arith.cmpi eq, %jit3A_730, %eq3A_731 : i32
      %jit3A_733 = arith.constant 1 : i32
      %select_n3A_734 = arith.select %eq3A_732, %jit3A_733, %jit3A_730 : i32
      %rem3A_735 = arith.remsi %scan3A_705, %select_n3A_734 : i32
      %ne3A_736 = arith.constant 0 : i32
      %ne3A_737 = arith.cmpi ne, %rem3A_735, %ne3A_736 : i32
      %lt3A_738 = arith.constant 0 : i32
      %lt3A_739 = arith.cmpi slt, %rem3A_735, %lt3A_738 : i32
      %lt3A_740 = arith.constant 0 : i32
      %lt3A_741 = arith.cmpi slt, %select_n3A_734, %lt3A_740 : i32
      %ne3A_742 = arith.xori %lt3A_739, %lt3A_741 : i1
      %and3A_743 = arith.andi %ne3A_742, %ne3A_737 : i1
      %add3A_744 = arith.addi %rem3A_735, %select_n3A_734 : i32
      %select_n3A_745 = arith.select %and3A_743, %add3A_744, %rem3A_735 : i32
      %mul3A_746 = arith.constant 16 : i32
      %mul3A_747 = arith.muli %select_n3A_745, %mul3A_746 : i32
      %get3A_748 = arith.constant 0 : i32
      %get3A_749 = arith.index_cast %get3A_748 : i32 to index
      %get3A_750 = arith.index_cast %select_n3A_729 : i32 to index
      %get3A_751 = arith.index_cast %mul3A_747 : i32 to index
      %get3A_752 = tpu.vector_load %arg5[%get3A_749, %get3A_750, %get3A_751] {strides = array<i32>} : memref<2x8x1024xf32, #tpu.memory_space<vmem>>, vector<1x1x16xf32>,
      %get3A_753 = vector.shape_cast %get3A_752 : vector<1x1x16xf32> to vector<16xf32>
      %get3A_754 = arith.constant 0 : i32
      %get3A_755 = arith.constant 0 : i32
      %get3A_756 = arith.index_cast %get3A_754 : i32 to index
      %get3A_757 = arith.index_cast %get3A_755 : i32 to index
      %get3A_758 = arith.index_cast %select_n3A_729 : i32 to index
      %get3A_759 = arith.index_cast %mul3A_747 : i32 to index
      %get3A_760 = tpu.vector_load %arg6[%get3A_756, %get3A_757, %get3A_758, %get3A_759] {strides = array<i32>} : memref<2x2x8x1024xf32, #tpu.memory_space<vmem>>, vector<1x1x1x16xf32>,
      %get3A_761 = vector.shape_cast %get3A_760 : vector<1x1x1x16xf32> to vector<16xf32>
      %add3A_762 = arith.addf %get3A_761, %get3A_753 : vector<16xf32>
      %swap3A_763 = arith.constant 0 : i32
      %swap3A_764 = arith.constant 0 : i32
      %swap3A_765 = arith.index_cast %swap3A_763 : i32 to index
      %swap3A_766 = arith.index_cast %swap3A_764 : i32 to index
      %swap3A_767 = arith.index_cast %select_n3A_729 : i32 to index
      %swap3A_768 = arith.index_cast %mul3A_747 : i32 to index
      %swap3A_769 = tpu.vector_load %arg7[%swap3A_765, %swap3A_766, %swap3A_767, %swap3A_768] {strides = array<i32>} : memref<2x2x8x1024xf32, #tpu.memory_space<vmem>>, vector<1x1x1x16xf32>,
      %swap3A_770 = vector.shape_cast %swap3A_769 : vector<1x1x1x16xf32> to vector<16xf32>
      %swap3A_771 = vector.shape_cast %add3A_762 : vector<16xf32> to vector<1x1x1x16xf32>
      tpu.vector_store %arg7[%swap3A_765, %swap3A_766, %swap3A_767, %swap3A_768], %swap3A_771 {strides = array<i32>} : memref<2x2x8x1024xf32, #tpu.memory_space<vmem>>, vector<1x1x1x16xf32>,
      %get3A_772 = arith.constant 0 : i32
      %get3A_773 = arith.constant 1 : i32
      %get3A_774 = arith.index_cast %get3A_772 : i32 to index
      %get3A_775 = arith.index_cast %get3A_773 : i32 to index
      %get3A_776 = arith.index_cast %select_n3A_729 : i32 to index
      %get3A_777 = arith.index_cast %mul3A_747 : i32 to index
      %get3A_778 = tpu.vector_load %arg6[%get3A_774, %get3A_775, %get3A_776, %get3A_777] {strides = array<i32>} : memref<2x2x8x1024xf32, #tpu.memory_space<vmem>>, vector<1x1x1x16xf32>,
      %get3A_779 = vector.shape_cast %get3A_778 : vector<1x1x1x16xf32> to vector<16xf32>
      %add3A_780 = arith.addf %get3A_779, %get3A_753 : vector<16xf32>
      %swap3A_781 = arith.constant 0 : i32
      %swap3A_782 = arith.constant 1 : i32
      %swap3A_783 = arith.index_cast %swap3A_781 : i32 to index
      %swap3A_784 = arith.index_cast %swap3A_782 : i32 to index
      %swap3A_785 = arith.index_cast %select_n3A_729 : i32 to index
      %swap3A_786 = arith.index_cast %mul3A_747 : i32 to index
      %swap3A_787 = tpu.vector_load %arg7[%swap3A_783, %swap3A_784, %swap3A_785, %swap3A_786] {strides = array<i32>} : memref<2x2x8x1024xf32, #tpu.memory_space<vmem>>, vector<1x1x1x16xf32>,
      %swap3A_788 = vector.shape_cast %swap3A_787 : vector<1x1x1x16xf32> to vector<16xf32>
      %swap3A_789 = vector.shape_cast %add3A_780 : vector<16xf32> to vector<1x1x1x16xf32>
      tpu.vector_store %arg7[%swap3A_783, %swap3A_784, %swap3A_785, %swap3A_786], %swap3A_789 {strides = array<i32>} : memref<2x2x8x1024xf32, #tpu.memory_space<vmem>>, vector<1x1x1x16xf32>,
      %scan3A_790 = arith.constant 4 : i32
      %scan3A_791 = arith.addi %scan3A_449, %scan3A_790 : i32
      %jit3A_792 = arith.constant 64 : i32
      %div3A_793 = arith.divsi %scan3A_791, %jit3A_792 : i32
      %sign3A_794 = arith.constant 0 : i32
      %sign3A_795 = arith.cmpi sgt, %scan3A_791, %sign3A_794 : i32
      %sign3A_796 = arith.extui %sign3A_795 : i1 to i32
      %sign3A_797 = arith.constant 0 : i32
      %sign3A_798 = arith.cmpi slt, %scan3A_791, %sign3A_797 : i32
      %sign3A_799 = arith.extui %sign3A_798 : i1 to i32
      %sign3A_800 = arith.subi %sign3A_796, %sign3A_799 : i32
      %sign3A_801 = arith.constant 0 : i32
      %sign3A_802 = arith.cmpi sgt, %jit3A_792, %sign3A_801 : i32
      %sign3A_803 = arith.extui %sign3A_802 : i1 to i32
      %sign3A_804 = arith.constant 0 : i32
      %sign3A_805 = arith.cmpi slt, %jit3A_792, %sign3A_804 : i32
      %sign3A_806 = arith.extui %sign3A_805 : i1 to i32
      %sign3A_807 = arith.subi %sign3A_803, %sign3A_806 : i32
      %ne3A_808 = arith.cmpi ne, %sign3A_800, %sign3A_807 : i32
      %rem3A_809 = arith.remsi %scan3A_791, %jit3A_792 : i32
      %ne3A_810 = arith.constant 0 : i32
      %ne3A_811 = arith.cmpi ne, %rem3A_809, %ne3A_810 : i32
      %and3A_812 = arith.andi %ne3A_808, %ne3A_811 : i1
      %sub3A_813 = arith.constant 1 : i32
      %sub3A_814 = arith.subi %div3A_793, %sub3A_813 : i32
      %select_n3A_815 = arith.select %and3A_812, %sub3A_814, %div3A_793 : i32
      %jit3A_816 = arith.constant 64 : i32
      %eq3A_817 = arith.constant 0 : i32
      %eq3A_818 = arith.cmpi eq, %jit3A_816, %eq3A_817 : i32
      %jit3A_819 = arith.constant 1 : i32
      %select_n3A_820 = arith.select %eq3A_818, %jit3A_819, %jit3A_816 : i32
      %rem3A_821 = arith.remsi %scan3A_791, %select_n3A_820 : i32
      %ne3A_822 = arith.constant 0 : i32
      %ne3A_823 = arith.cmpi ne, %rem3A_821, %ne3A_822 : i32
      %lt3A_824 = arith.constant 0 : i32
      %lt3A_825 = arith.cmpi slt, %rem3A_821, %lt3A_824 : i32
      %lt3A_826 = arith.constant 0 : i32
      %lt3A_827 = arith.cmpi slt, %select_n3A_820, %lt3A_826 : i32
      %ne3A_828 = arith.xori %lt3A_825, %lt3A_827 : i1
      %and3A_829 = arith.andi %ne3A_828, %ne3A_823 : i1
      %add3A_830 = arith.addi %rem3A_821, %select_n3A_820 : i32
      %select_n3A_831 = arith.select %and3A_829, %add3A_830, %rem3A_821 : i32
      %mul3A_832 = arith.constant 16 : i32
      %mul3A_833 = arith.muli %select_n3A_831, %mul3A_832 : i32
      %get3A_834 = arith.constant 0 : i32
      %get3A_835 = arith.index_cast %get3A_834 : i32 to index
      %get3A_836 = arith.index_cast %select_n3A_815 : i32 to index
      %get3A_837 = arith.index_cast %mul3A_833 : i32 to index
      %get3A_838 = tpu.vector_load %arg5[%get3A_835, %get3A_836, %get3A_837] {strides = array<i32>} : memref<2x8x1024xf32, #tpu.memory_space<vmem>>, vector<1x1x16xf32>,
      %get3A_839 = vector.shape_cast %get3A_838 : vector<1x1x16xf32> to vector<16xf32>
      %get3A_840 = arith.constant 0 : i32
      %get3A_841 = arith.constant 0 : i32
      %get3A_842 = arith.index_cast %get3A_840 : i32 to index
      %get3A_843 = arith.index_cast %get3A_841 : i32 to index
      %get3A_844 = arith.index_cast %select_n3A_815 : i32 to index
      %get3A_845 = arith.index_cast %mul3A_833 : i32 to index
      %get3A_846 = tpu.vector_load %arg6[%get3A_842, %get3A_843, %get3A_844, %get3A_845] {strides = array<i32>} : memref<2x2x8x1024xf32, #tpu.memory_space<vmem>>, vector<1x1x1x16xf32>,
      %get3A_847 = vector.shape_cast %get3A_846 : vector<1x1x1x16xf32> to vector<16xf32>
      %add3A_848 = arith.addf %get3A_847, %get3A_839 : vector<16xf32>
      %swap3A_849 = arith.constant 0 : i32
      %swap3A_850 = arith.constant 0 : i32
      %swap3A_851 = arith.index_cast %swap3A_849 : i32 to index
      %swap3A_852 = arith.index_cast %swap3A_850 : i32 to index
      %swap3A_853 = arith.index_cast %select_n3A_815 : i32 to index
      %swap3A_854 = arith.index_cast %mul3A_833 : i32 to index
      %swap3A_855 = tpu.vector_load %arg7[%swap3A_851, %swap3A_852, %swap3A_853, %swap3A_854] {strides = array<i32>} : memref<2x2x8x1024xf32, #tpu.memory_space<vmem>>, vector<1x1x1x16xf32>,
      %swap3A_856 = vector.shape_cast %swap3A_855 : vector<1x1x1x16xf32> to vector<16xf32>
      %swap3A_857 = vector.shape_cast %add3A_848 : vector<16xf32> to vector<1x1x1x16xf32>
      tpu.vector_store %arg7[%swap3A_851, %swap3A_852, %swap3A_853, %swap3A_854], %swap3A_857 {strides = array<i32>} : memref<2x2x8x1024xf32, #tpu.memory_space<vmem>>, vector<1x1x1x16xf32>,
      %get3A_858 = arith.constant 0 : i32
      %get3A_859 = arith.constant 1 : i32
      %get3A_860 = arith.index_cast %get3A_858 : i32 to index
      %get3A_861 = arith.index_cast %get3A_859 : i32 to index
      %get3A_862 = arith.index_cast %select_n3A_815 : i32 to index
      %get3A_863 = arith.index_cast %mul3A_833 : i32 to index
      %get3A_864 = tpu.vector_load %arg6[%get3A_860, %get3A_861, %get3A_862, %get3A_863] {strides = array<i32>} : memref<2x2x8x1024xf32, #tpu.memory_space<vmem>>, vector<1x1x1x16xf32>,
      %get3A_865 = vector.shape_cast %get3A_864 : vector<1x1x1x16xf32> to vector<16xf32>
      %add3A_866 = arith.addf %get3A_865, %get3A_839 : vector<16xf32>
      %swap3A_867 = arith.constant 0 : i32
      %swap3A_868 = arith.constant 1 : i32
      %swap3A_869 = arith.index_cast %swap3A_867 : i32 to index
      %swap3A_870 = arith.index_cast %swap3A_868 : i32 to index
      %swap3A_871 = arith.index_cast %select_n3A_815 : i32 to index
      %swap3A_872 = arith.index_cast %mul3A_833 : i32 to index
      %swap3A_873 = tpu.vector_load %arg7[%swap3A_869, %swap3A_870, %swap3A_871, %swap3A_872] {strides = array<i32>} : memref<2x2x8x1024xf32, #tpu.memory_space<vmem>>, vector<1x1x1x16xf32>,
      %swap3A_874 = vector.shape_cast %swap3A_873 : vector<1x1x1x16xf32> to vector<16xf32>
      %swap3A_875 = vector.shape_cast %add3A_866 : vector<16xf32> to vector<1x1x1x16xf32>
      tpu.vector_store %arg7[%swap3A_869, %swap3A_870, %swap3A_871, %swap3A_872], %swap3A_875 {strides = array<i32>} : memref<2x2x8x1024xf32, #tpu.memory_space<vmem>>, vector<1x1x1x16xf32>,
      %scan3A_876 = arith.constant 5 : i32
      %scan3A_877 = arith.addi %scan3A_449, %scan3A_876 : i32
      %jit3A_878 = arith.constant 64 : i32
      %div3A_879 = arith.divsi %scan3A_877, %jit3A_878 : i32
      %sign3A_880 = arith.constant 0 : i32
      %sign3A_881 = arith.cmpi sgt, %scan3A_877, %sign3A_880 : i32
      %sign3A_882 = arith.extui %sign3A_881 : i1 to i32
      %sign3A_883 = arith.constant 0 : i32
      %sign3A_884 = arith.cmpi slt, %scan3A_877, %sign3A_883 : i32
      %sign3A_885 = arith.extui %sign3A_884 : i1 to i32
      %sign3A_886 = arith.subi %sign3A_882, %sign3A_885 : i32
      %sign3A_887 = arith.constant 0 : i32
      %sign3A_888 = arith.cmpi sgt, %jit3A_878, %sign3A_887 : i32
      %sign3A_889 = arith.extui %sign3A_888 : i1 to i32
      %sign3A_890 = arith.constant 0 : i32
      %sign3A_891 = arith.cmpi slt, %jit3A_878, %sign3A_890 : i32
      %sign3A_892 = arith.extui %sign3A_891 : i1 to i32
      %sign3A_893 = arith.subi %sign3A_889, %sign3A_892 : i32
      %ne3A_894 = arith.cmpi ne, %sign3A_886, %sign3A_893 : i32
      %rem3A_895 = arith.remsi %scan3A_877, %jit3A_878 : i32
      %ne3A_896 = arith.constant 0 : i32
      %ne3A_897 = arith.cmpi ne, %rem3A_895, %ne3A_896 : i32
      %and3A_898 = arith.andi %ne3A_894, %ne3A_897 : i1
      %sub3A_899 = arith.constant 1 : i32
      %sub3A_900 = arith.subi %div3A_879, %sub3A_899 : i32
      %select_n3A_901 = arith.select %and3A_898, %sub3A_900, %div3A_879 : i32
      %jit3A_902 = arith.constant 64 : i32
      %eq3A_903 = arith.constant 0 : i32
      %eq3A_904 = arith.cmpi eq, %jit3A_902, %eq3A_903 : i32
      %jit3A_905 = arith.constant 1 : i32
      %select_n3A_906 = arith.select %eq3A_904, %jit3A_905, %jit3A_902 : i32
      %rem3A_907 = arith.remsi %scan3A_877, %select_n3A_906 : i32
      %ne3A_908 = arith.constant 0 : i32
      %ne3A_909 = arith.cmpi ne, %rem3A_907, %ne3A_908 : i32
      %lt3A_910 = arith.constant 0 : i32
      %lt3A_911 = arith.cmpi slt, %rem3A_907, %lt3A_910 : i32
      %lt3A_912 = arith.constant 0 : i32
      %lt3A_913 = arith.cmpi slt, %select_n3A_906, %lt3A_912 : i32
      %ne3A_914 = arith.xori %lt3A_911, %lt3A_913 : i1
      %and3A_915 = arith.andi %ne3A_914, %ne3A_909 : i1
      %add3A_916 = arith.addi %rem3A_907, %select_n3A_906 : i32
      %select_n3A_917 = arith.select %and3A_915, %add3A_916, %rem3A_907 : i32
      %mul3A_918 = arith.constant 16 : i32
      %mul3A_919 = arith.muli %select_n3A_917, %mul3A_918 : i32
      %get3A_920 = arith.constant 0 : i32
      %get3A_921 = arith.index_cast %get3A_920 : i32 to index
      %get3A_922 = arith.index_cast %select_n3A_901 : i32 to index
      %get3A_923 = arith.index_cast %mul3A_919 : i32 to index
      %get3A_924 = tpu.vector_load %arg5[%get3A_921, %get3A_922, %get3A_923] {strides = array<i32>} : memref<2x8x1024xf32, #tpu.memory_space<vmem>>, vector<1x1x16xf32>,
      %get3A_925 = vector.shape_cast %get3A_924 : vector<1x1x16xf32> to vector<16xf32>
      %get3A_926 = arith.constant 0 : i32
      %get3A_927 = arith.constant 0 : i32
      %get3A_928 = arith.index_cast %get3A_926 : i32 to index
      %get3A_929 = arith.index_cast %get3A_927 : i32 to index
      %get3A_930 = arith.index_cast %select_n3A_901 : i32 to index
      %get3A_931 = arith.index_cast %mul3A_919 : i32 to index
      %get3A_932 = tpu.vector_load %arg6[%get3A_928, %get3A_929, %get3A_930, %get3A_931] {strides = array<i32>} : memref<2x2x8x1024xf32, #tpu.memory_space<vmem>>, vector<1x1x1x16xf32>,
      %get3A_933 = vector.shape_cast %get3A_932 : vector<1x1x1x16xf32> to vector<16xf32>
      %add3A_934 = arith.addf %get3A_933, %get3A_925 : vector<16xf32>
      %swap3A_935 = arith.constant 0 : i32
      %swap3A_936 = arith.constant 0 : i32
      %swap3A_937 = arith.index_cast %swap3A_935 : i32 to index
      %swap3A_938 = arith.index_cast %swap3A_936 : i32 to index
      %swap3A_939 = arith.index_cast %select_n3A_901 : i32 to index
      %swap3A_940 = arith.index_cast %mul3A_919 : i32 to index
      %swap3A_941 = tpu.vector_load %arg7[%swap3A_937, %swap3A_938, %swap3A_939, %swap3A_940] {strides = array<i32>} : memref<2x2x8x1024xf32, #tpu.memory_space<vmem>>, vector<1x1x1x16xf32>,
      %swap3A_942 = vector.shape_cast %swap3A_941 : vector<1x1x1x16xf32> to vector<16xf32>
      %swap3A_943 = vector.shape_cast %add3A_934 : vector<16xf32> to vector<1x1x1x16xf32>
      tpu.vector_store %arg7[%swap3A_937, %swap3A_938, %swap3A_939, %swap3A_940], %swap3A_943 {strides = array<i32>} : memref<2x2x8x1024xf32, #tpu.memory_space<vmem>>, vector<1x1x1x16xf32>,
      %get3A_944 = arith.constant 0 : i32
      %get3A_945 = arith.constant 1 : i32
      %get3A_946 = arith.index_cast %get3A_944 : i32 to index
      %get3A_947 = arith.index_cast %get3A_945 : i32 to index
      %get3A_948 = arith.index_cast %select_n3A_901 : i32 to index
      %get3A_949 = arith.index_cast %mul3A_919 : i32 to index
      %get3A_950 = tpu.vector_load %arg6[%get3A_946, %get3A_947, %get3A_948, %get3A_949] {strides = array<i32>} : memref<2x2x8x1024xf32, #tpu.memory_space<vmem>>, vector<1x1x1x16xf32>,
      %get3A_951 = vector.shape_cast %get3A_950 : vector<1x1x1x16xf32> to vector<16xf32>
      %add3A_952 = arith.addf %get3A_951, %get3A_925 : vector<16xf32>
      %swap3A_953 = arith.constant 0 : i32
      %swap3A_954 = arith.constant 1 : i32
      %swap3A_955 = arith.index_cast %swap3A_953 : i32 to index
      %swap3A_956 = arith.index_cast %swap3A_954 : i32 to index
      %swap3A_957 = arith.index_cast %select_n3A_901 : i32 to index
      %swap3A_958 = arith.index_cast %mul3A_919 : i32 to index
      %swap3A_959 = tpu.vector_load %arg7[%swap3A_955, %swap3A_956, %swap3A_957, %swap3A_958] {strides = array<i32>} : memref<2x2x8x1024xf32, #tpu.memory_space<vmem>>, vector<1x1x1x16xf32>,
      %swap3A_960 = vector.shape_cast %swap3A_959 : vector<1x1x1x16xf32> to vector<16xf32>
      %swap3A_961 = vector.shape_cast %add3A_952 : vector<16xf32> to vector<1x1x1x16xf32>
      tpu.vector_store %arg7[%swap3A_955, %swap3A_956, %swap3A_957, %swap3A_958], %swap3A_961 {strides = array<i32>} : memref<2x2x8x1024xf32, #tpu.memory_space<vmem>>, vector<1x1x1x16xf32>,
      %scan3A_962 = arith.constant 6 : i32
      %scan3A_963 = arith.addi %scan3A_449, %scan3A_962 : i32
      %jit3A_964 = arith.constant 64 : i32
      %div3A_965 = arith.divsi %scan3A_963, %jit3A_964 : i32
      %sign3A_966 = arith.constant 0 : i32
      %sign3A_967 = arith.cmpi sgt, %scan3A_963, %sign3A_966 : i32
      %sign3A_968 = arith.extui %sign3A_967 : i1 to i32
      %sign3A_969 = arith.constant 0 : i32
      %sign3A_970 = arith.cmpi slt, %scan3A_963, %sign3A_969 : i32
      %sign3A_971 = arith.extui %sign3A_970 : i1 to i32
      %sign3A_972 = arith.subi %sign3A_968, %sign3A_971 : i32
      %sign3A_973 = arith.constant 0 : i32
      %sign3A_974 = arith.cmpi sgt, %jit3A_964, %sign3A_973 : i32
      %sign3A_975 = arith.extui %sign3A_974 : i1 to i32
      %sign3A_976 = arith.constant 0 : i32
      %sign3A_977 = arith.cmpi slt, %jit3A_964, %sign3A_976 : i32
      %sign3A_978 = arith.extui %sign3A_977 : i1 to i32
      %sign3A_979 = arith.subi %sign3A_975, %sign3A_978 : i32
      %ne3A_980 = arith.cmpi ne, %sign3A_972, %sign3A_979 : i32
      %rem3A_981 = arith.remsi %scan3A_963, %jit3A_964 : i32
      %ne3A_982 = arith.constant 0 : i32
      %ne3A_983 = arith.cmpi ne, %rem3A_981, %ne3A_982 : i32
      %and3A_984 = arith.andi %ne3A_980, %ne3A_983 : i1
      %sub3A_985 = arith.constant 1 : i32
      %sub3A_986 = arith.subi %div3A_965, %sub3A_985 : i32
      %select_n3A_987 = arith.select %and3A_984, %sub3A_986, %div3A_965 : i32
      %jit3A_988 = arith.constant 64 : i32
      %eq3A_989 = arith.constant 0 : i32
      %eq3A_990 = arith.cmpi eq, %jit3A_988, %eq3A_989 : i32
      %jit3A_991 = arith.constant 1 : i32
      %select_n3A_992 = arith.select %eq3A_990, %jit3A_991, %jit3A_988 : i32
      %rem3A_993 = arith.remsi %scan3A_963, %select_n3A_992 : i32
      %ne3A_994 = arith.constant 0 : i32
      %ne3A_995 = arith.cmpi ne, %rem3A_993, %ne3A_994 : i32
      %lt3A_996 = arith.constant 0 : i32
      %lt3A_997 = arith.cmpi slt, %rem3A_993, %lt3A_996 : i32
      %lt3A_998 = arith.constant 0 : i32
      %lt3A_999 = arith.cmpi slt, %select_n3A_992, %lt3A_998 : i32
      %ne3A_1000 = arith.xori %lt3A_997, %lt3A_999 : i1
      %and3A_1001 = arith.andi %ne3A_1000, %ne3A_995 : i1
      %add3A_1002 = arith.addi %rem3A_993, %select_n3A_992 : i32
      %select_n3A_1003 = arith.select %and3A_1001, %add3A_1002, %rem3A_993 : i32
      %mul3A_1004 = arith.constant 16 : i32
      %mul3A_1005 = arith.muli %select_n3A_1003, %mul3A_1004 : i32
      %get3A_1006 = arith.constant 0 : i32
      %get3A_1007 = arith.index_cast %get3A_1006 : i32 to index
      %get3A_1008 = arith.index_cast %select_n3A_987 : i32 to index
      %get3A_1009 = arith.index_cast %mul3A_1005 : i32 to index
      %get3A_1010 = tpu.vector_load %arg5[%get3A_1007, %get3A_1008, %get3A_1009] {strides = array<i32>} : memref<2x8x1024xf32, #tpu.memory_space<vmem>>, vector<1x1x16xf32>,
      %get3A_1011 = vector.shape_cast %get3A_1010 : vector<1x1x16xf32> to vector<16xf32>
      %get3A_1012 = arith.constant 0 : i32
      %get3A_1013 = arith.constant 0 : i32
      %get3A_1014 = arith.index_cast %get3A_1012 : i32 to index
      %get3A_1015 = arith.index_cast %get3A_1013 : i32 to index
      %get3A_1016 = arith.index_cast %select_n3A_987 : i32 to index
      %get3A_1017 = arith.index_cast %mul3A_1005 : i32 to index
      %get3A_1018 = tpu.vector_load %arg6[%get3A_1014, %get3A_1015, %get3A_1016, %get3A_1017] {strides = array<i32>} : memref<2x2x8x1024xf32, #tpu.memory_space<vmem>>, vector<1x1x1x16xf32>,
      %get3A_1019 = vector.shape_cast %get3A_1018 : vector<1x1x1x16xf32> to vector<16xf32>
      %add3A_1020 = arith.addf %get3A_1019, %get3A_1011 : vector<16xf32>
      %swap3A_1021 = arith.constant 0 : i32
      %swap3A_1022 = arith.constant 0 : i32
      %swap3A_1023 = arith.index_cast %swap3A_1021 : i32 to index
      %swap3A_1024 = arith.index_cast %swap3A_1022 : i32 to index
      %swap3A_1025 = arith.index_cast %select_n3A_987 : i32 to index
      %swap3A_1026 = arith.index_cast %mul3A_1005 : i32 to index
      %swap3A_1027 = tpu.vector_load %arg7[%swap3A_1023, %swap3A_1024, %swap3A_1025, %swap3A_1026] {strides = array<i32>} : memref<2x2x8x1024xf32, #tpu.memory_space<vmem>>, vector<1x1x1x16xf32>,
      %swap3A_1028 = vector.shape_cast %swap3A_1027 : vector<1x1x1x16xf32> to vector<16xf32>
      %swap3A_1029 = vector.shape_cast %add3A_1020 : vector<16xf32> to vector<1x1x1x16xf32>
      tpu.vector_store %arg7[%swap3A_1023, %swap3A_1024, %swap3A_1025, %swap3A_1026], %swap3A_1029 {strides = array<i32>} : memref<2x2x8x1024xf32, #tpu.memory_space<vmem>>, vector<1x1x1x16xf32>,
      %get3A_1030 = arith.constant 0 : i32
      %get3A_1031 = arith.constant 1 : i32
      %get3A_1032 = arith.index_cast %get3A_1030 : i32 to index
      %get3A_1033 = arith.index_cast %get3A_1031 : i32 to index
      %get3A_1034 = arith.index_cast %select_n3A_987 : i32 to index
      %get3A_1035 = arith.index_cast %mul3A_1005 : i32 to index
      %get3A_1036 = tpu.vector_load %arg6[%get3A_1032, %get3A_1033, %get3A_1034, %get3A_1035] {strides = array<i32>} : memref<2x2x8x1024xf32, #tpu.memory_space<vmem>>, vector<1x1x1x16xf32>,
      %get3A_1037 = vector.shape_cast %get3A_1036 : vector<1x1x1x16xf32> to vector<16xf32>
      %add3A_1038 = arith.addf %get3A_1037, %get3A_1011 : vector<16xf32>
      %swap3A_1039 = arith.constant 0 : i32
      %swap3A_1040 = arith.constant 1 : i32
      %swap3A_1041 = arith.index_cast %swap3A_1039 : i32 to index
      %swap3A_1042 = arith.index_cast %swap3A_1040 : i32 to index
      %swap3A_1043 = arith.index_cast %select_n3A_987 : i32 to index
      %swap3A_1044 = arith.index_cast %mul3A_1005 : i32 to index
      %swap3A_1045 = tpu.vector_load %arg7[%swap3A_1041, %swap3A_1042, %swap3A_1043, %swap3A_1044] {strides = array<i32>} : memref<2x2x8x1024xf32, #tpu.memory_space<vmem>>, vector<1x1x1x16xf32>,
      %swap3A_1046 = vector.shape_cast %swap3A_1045 : vector<1x1x1x16xf32> to vector<16xf32>
      %swap3A_1047 = vector.shape_cast %add3A_1038 : vector<16xf32> to vector<1x1x1x16xf32>
      tpu.vector_store %arg7[%swap3A_1041, %swap3A_1042, %swap3A_1043, %swap3A_1044], %swap3A_1047 {strides = array<i32>} : memref<2x2x8x1024xf32, #tpu.memory_space<vmem>>, vector<1x1x1x16xf32>,
      %scan3A_1048 = arith.constant 7 : i32
      %scan3A_1049 = arith.addi %scan3A_449, %scan3A_1048 : i32
      %jit3A_1050 = arith.constant 64 : i32
      %div3A_1051 = arith.divsi %scan3A_1049, %jit3A_1050 : i32
      %sign3A_1052 = arith.constant 0 : i32
      %sign3A_1053 = arith.cmpi sgt, %scan3A_1049, %sign3A_1052 : i32
      %sign3A_1054 = arith.extui %sign3A_1053 : i1 to i32
      %sign3A_1055 = arith.constant 0 : i32
      %sign3A_1056 = arith.cmpi slt, %scan3A_1049, %sign3A_1055 : i32
      %sign3A_1057 = arith.extui %sign3A_1056 : i1 to i32
      %sign3A_1058 = arith.subi %sign3A_1054, %sign3A_1057 : i32
      %sign3A_1059 = arith.constant 0 : i32
      %sign3A_1060 = arith.cmpi sgt, %jit3A_1050, %sign3A_1059 : i32
      %sign3A_1061 = arith.extui %sign3A_1060 : i1 to i32
      %sign3A_1062 = arith.constant 0 : i32
      %sign3A_1063 = arith.cmpi slt, %jit3A_1050, %sign3A_1062 : i32
      %sign3A_1064 = arith.extui %sign3A_1063 : i1 to i32
      %sign3A_1065 = arith.subi %sign3A_1061, %sign3A_1064 : i32
      %ne3A_1066 = arith.cmpi ne, %sign3A_1058, %sign3A_1065 : i32
      %rem3A_1067 = arith.remsi %scan3A_1049, %jit3A_1050 : i32
      %ne3A_1068 = arith.constant 0 : i32
      %ne3A_1069 = arith.cmpi ne, %rem3A_1067, %ne3A_1068 : i32
      %and3A_1070 = arith.andi %ne3A_1066, %ne3A_1069 : i1
      %sub3A_1071 = arith.constant 1 : i32
      %sub3A_1072 = arith.subi %div3A_1051, %sub3A_1071 : i32
      %select_n3A_1073 = arith.select %and3A_1070, %sub3A_1072, %div3A_1051 : i32
      %jit3A_1074 = arith.constant 64 : i32
      %eq3A_1075 = arith.constant 0 : i32
      %eq3A_1076 = arith.cmpi eq, %jit3A_1074, %eq3A_1075 : i32
      %jit3A_1077 = arith.constant 1 : i32
      %select_n3A_1078 = arith.select %eq3A_1076, %jit3A_1077, %jit3A_1074 : i32
      %rem3A_1079 = arith.remsi %scan3A_1049, %select_n3A_1078 : i32
      %ne3A_1080 = arith.constant 0 : i32
      %ne3A_1081 = arith.cmpi ne, %rem3A_1079, %ne3A_1080 : i32
      %lt3A_1082 = arith.constant 0 : i32
      %lt3A_1083 = arith.cmpi slt, %rem3A_1079, %lt3A_1082 : i32
      %lt3A_1084 = arith.constant 0 : i32
      %lt3A_1085 = arith.cmpi slt, %select_n3A_1078, %lt3A_1084 : i32
      %ne3A_1086 = arith.xori %lt3A_1083, %lt3A_1085 : i1
      %and3A_1087 = arith.andi %ne3A_1086, %ne3A_1081 : i1
      %add3A_1088 = arith.addi %rem3A_1079, %select_n3A_1078 : i32
      %select_n3A_1089 = arith.select %and3A_1087, %add3A_1088, %rem3A_1079 : i32
      %mul3A_1090 = arith.constant 16 : i32
      %mul3A_1091 = arith.muli %select_n3A_1089, %mul3A_1090 : i32
      %get3A_1092 = arith.constant 0 : i32
      %get3A_1093 = arith.index_cast %get3A_1092 : i32 to index
      %get3A_1094 = arith.index_cast %select_n3A_1073 : i32 to index
      %get3A_1095 = arith.index_cast %mul3A_1091 : i32 to index
      %get3A_1096 = tpu.vector_load %arg5[%get3A_1093, %get3A_1094, %get3A_1095] {strides = array<i32>} : memref<2x8x1024xf32, #tpu.memory_space<vmem>>, vector<1x1x16xf32>,
      %get3A_1097 = vector.shape_cast %get3A_1096 : vector<1x1x16xf32> to vector<16xf32>
      %get3A_1098 = arith.constant 0 : i32
      %get3A_1099 = arith.constant 0 : i32
      %get3A_1100 = arith.index_cast %get3A_1098 : i32 to index
      %get3A_1101 = arith.index_cast %get3A_1099 : i32 to index
      %get3A_1102 = arith.index_cast %select_n3A_1073 : i32 to index
      %get3A_1103 = arith.index_cast %mul3A_1091 : i32 to index
      %get3A_1104 = tpu.vector_load %arg6[%get3A_1100, %get3A_1101, %get3A_1102, %get3A_1103] {strides = array<i32>} : memref<2x2x8x1024xf32, #tpu.memory_space<vmem>>, vector<1x1x1x16xf32>,
      %get3A_1105 = vector.shape_cast %get3A_1104 : vector<1x1x1x16xf32> to vector<16xf32>
      %add3A_1106 = arith.addf %get3A_1105, %get3A_1097 : vector<16xf32>
      %swap3A_1107 = arith.constant 0 : i32
      %swap3A_1108 = arith.constant 0 : i32
      %swap3A_1109 = arith.index_cast %swap3A_1107 : i32 to index
      %swap3A_1110 = arith.index_cast %swap3A_1108 : i32 to index
      %swap3A_1111 = arith.index_cast %select_n3A_1073 : i32 to index
      %swap3A_1112 = arith.index_cast %mul3A_1091 : i32 to index
      %swap3A_1113 = tpu.vector_load %arg7[%swap3A_1109, %swap3A_1110, %swap3A_1111, %swap3A_1112] {strides = array<i32>} : memref<2x2x8x1024xf32, #tpu.memory_space<vmem>>, vector<1x1x1x16xf32>,
      %swap3A_1114 = vector.shape_cast %swap3A_1113 : vector<1x1x1x16xf32> to vector<16xf32>
      %swap3A_1115 = vector.shape_cast %add3A_1106 : vector<16xf32> to vector<1x1x1x16xf32>
      tpu.vector_store %arg7[%swap3A_1109, %swap3A_1110, %swap3A_1111, %swap3A_1112], %swap3A_1115 {strides = array<i32>} : memref<2x2x8x1024xf32, #tpu.memory_space<vmem>>, vector<1x1x1x16xf32>,
      %get3A_1116 = arith.constant 0 : i32
      %get3A_1117 = arith.constant 1 : i32
      %get3A_1118 = arith.index_cast %get3A_1116 : i32 to index
      %get3A_1119 = arith.index_cast %get3A_1117 : i32 to index
      %get3A_1120 = arith.index_cast %select_n3A_1073 : i32 to index
      %get3A_1121 = arith.index_cast %mul3A_1091 : i32 to index
      %get3A_1122 = tpu.vector_load %arg6[%get3A_1118, %get3A_1119, %get3A_1120, %get3A_1121] {strides = array<i32>} : memref<2x2x8x1024xf32, #tpu.memory_space<vmem>>, vector<1x1x1x16xf32>,
      %get3A_1123 = vector.shape_cast %get3A_1122 : vector<1x1x1x16xf32> to vector<16xf32>
      %add3A_1124 = arith.addf %get3A_1123, %get3A_1097 : vector<16xf32>
      %swap3A_1125 = arith.constant 0 : i32
      %swap3A_1126 = arith.constant 1 : i32
      %swap3A_1127 = arith.index_cast %swap3A_1125 : i32 to index
      %swap3A_1128 = arith.index_cast %swap3A_1126 : i32 to index
      %swap3A_1129 = arith.index_cast %select_n3A_1073 : i32 to index
      %swap3A_1130 = arith.index_cast %mul3A_1091 : i32 to index
      %swap3A_1131 = tpu.vector_load %arg7[%swap3A_1127, %swap3A_1128, %swap3A_1129, %swap3A_1130] {strides = array<i32>} : memref<2x2x8x1024xf32, #tpu.memory_space<vmem>>, vector<1x1x1x16xf32>,
      %swap3A_1132 = vector.shape_cast %swap3A_1131 : vector<1x1x1x16xf32> to vector<16xf32>
      %swap3A_1133 = vector.shape_cast %add3A_1124 : vector<16xf32> to vector<1x1x1x16xf32>
      tpu.vector_store %arg7[%swap3A_1127, %swap3A_1128, %swap3A_1129, %swap3A_1130], %swap3A_1133 {strides = array<i32>} : memref<2x2x8x1024xf32, #tpu.memory_space<vmem>>, vector<1x1x1x16xf32>,
    }
    %scan3A_379 = arith.constant 512 : i32
    %mul3A_380 = arith.constant 24 : i32
    %mul3A_381 = arith.muli %select_n3A_32, %mul3A_380 : i32
    %add3A_382 = arith.constant 16 : i32
    %add3A_383 = arith.addi %mul3A_381, %add3A_382 : i32
    %multiple_of3A_384 = tpu.assume_multiple %add3A_383, 8 : i32
    %dma_start3A_385 = arith.constant 0 : i32
    %dma_start3A_386 = arith.constant 0 : i32
    %dma_start3A_387 = arith.constant 0 : i32
    %dma_start3A_388 = arith.constant 0 : i32
    %dma_start3A_389 = arith.constant 0 : i32
    %dma_start3A_390 = tpu.memref_slice %arg7[%dma_start3A_385, %dma_start3A_387, %dma_start3A_388, %dma_start3A_389] : memref<2x2x8x1024xf32, #tpu.memory_space<vmem>> -> memref<1x2x8x1024xf32, #tpu.memory_space<vmem>>
    %dma_start3A_391 = tpu.memref_squeeze %dma_start3A_390 : memref<1x2x8x1024xf32, #tpu.memory_space<vmem>> -> memref<2x8x1024xf32, #tpu.memory_space<vmem>>
    %dma_start3A_392 = arith.constant 0 : i32
    %dma_start3A_393 = tpu.memref_slice %arg4[%mul3A_18, %multiple_of3A_384, %dma_start3A_392] : memref<16x96x1024xf32, #tpu.memory_space<hbm>> -> memref<2x8x1024xf32, #tpu.memory_space<hbm>>
    %dma_start3A_394 = tpu.memref_slice %arg10[%dma_start3A_386] : memref<2x!tpu.dma_semaphore, #tpu.memory_space<semaphore_mem>> -> memref<1x!tpu.dma_semaphore, #tpu.memory_space<semaphore_mem>>
    %dma_start3A_395 = tpu.memref_squeeze %dma_start3A_394 : memref<1x!tpu.dma_semaphore, #tpu.memory_space<semaphore_mem>> -> memref<!tpu.dma_semaphore, #tpu.memory_space<semaphore_mem>>
    %dma_start3A_396 = arith.constant 0 : i32
    %dma_start3A_397 = tpu.memref_slice %arg4[%mul3A_18, %multiple_of3A_384, %dma_start3A_396] : memref<16x96x1024xf32, #tpu.memory_space<hbm>> -> memref<2x8x1024xf32, #tpu.memory_space<hbm>>
    %dma_start3A_398 = arith.constant 0 : i32
    %dma_start3A_399 = arith.constant 0 : i32
    %dma_start3A_400 = arith.constant 0 : i32
    %dma_start3A_401 = tpu.memref_slice %arg7[%dma_start3A_385, %dma_start3A_398, %dma_start3A_399, %dma_start3A_400] : memref<2x2x8x1024xf32, #tpu.memory_space<vmem>> -> memref<1x2x8x1024xf32, #tpu.memory_space<vmem>>
    %dma_start3A_402 = tpu.memref_squeeze %dma_start3A_401 : memref<1x2x8x1024xf32, #tpu.memory_space<vmem>> -> memref<2x8x1024xf32, #tpu.memory_space<vmem>>
    tpu.enqueue_dma source(%dma_start3A_402 : memref<2x8x1024xf32, #tpu.memory_space<vmem>>) target(%dma_start3A_397 : memref<2x8x1024xf32, #tpu.memory_space<hbm>>) target_semaphore(%dma_start3A_395 : memref<!tpu.dma_semaphore, #tpu.memory_space<semaphore_mem>>)
    %mul3A_403 = arith.constant 24 : i32
    %mul3A_404 = arith.muli %select_n3A_32, %mul3A_403 : i32
    %add3A_405 = arith.constant 8 : i32
    %add3A_406 = arith.addi %mul3A_404, %add3A_405 : i32
    %multiple_of3A_407 = tpu.assume_multiple %add3A_406, 8 : i32
    %dma_wait3A_408 = arith.constant 1 : i32
    %dma_wait3A_409 = arith.constant 1 : i32
    %dma_wait3A_410 = arith.constant 0 : i32
    %dma_wait3A_411 = arith.constant 0 : i32
    %dma_wait3A_412 = arith.constant 0 : i32
    %dma_wait3A_413 = tpu.memref_slice %arg7[%dma_wait3A_408, %dma_wait3A_410, %dma_wait3A_411, %dma_wait3A_412] : memref<2x2x8x1024xf32, #tpu.memory_space<vmem>> -> memref<1x2x8x1024xf32, #tpu.memory_space<vmem>>
    %dma_wait3A_414 = tpu.memref_squeeze %dma_wait3A_413 : memref<1x2x8x1024xf32, #tpu.memory_space<vmem>> -> memref<2x8x1024xf32, #tpu.memory_space<vmem>>
    %dma_wait3A_415 = arith.constant 0 : i32
    %dma_wait3A_416 = tpu.memref_slice %arg4[%mul3A_18, %multiple_of3A_407, %dma_wait3A_415] : memref<16x96x1024xf32, #tpu.memory_space<hbm>> -> memref<2x8x1024xf32, #tpu.memory_space<hbm>>
    %dma_wait3A_417 = tpu.memref_slice %arg10[%dma_wait3A_409] : memref<2x!tpu.dma_semaphore, #tpu.memory_space<semaphore_mem>> -> memref<1x!tpu.dma_semaphore, #tpu.memory_space<semaphore_mem>>
    %dma_wait3A_418 = tpu.memref_squeeze %dma_wait3A_417 : memref<1x!tpu.dma_semaphore, #tpu.memory_space<semaphore_mem>> -> memref<!tpu.dma_semaphore, #tpu.memory_space<semaphore_mem>>
    %dma_wait3A_419 = arith.constant 0 : i32
    %dma_wait3A_420 = tpu.memref_slice %arg4[%mul3A_18, %multiple_of3A_407, %dma_wait3A_419] : memref<16x96x1024xf32, #tpu.memory_space<hbm>> -> memref<2x8x1024xf32, #tpu.memory_space<hbm>>
    %dma_wait3A_421 = arith.constant 0 : i32
    %dma_wait3A_422 = arith.constant 0 : i32
    %dma_wait3A_423 = arith.constant 0 : i32
    %dma_wait3A_424 = tpu.memref_slice %arg7[%dma_wait3A_408, %dma_wait3A_421, %dma_wait3A_422, %dma_wait3A_423] : memref<2x2x8x1024xf32, #tpu.memory_space<vmem>> -> memref<1x2x8x1024xf32, #tpu.memory_space<vmem>>
    %dma_wait3A_425 = tpu.memref_squeeze %dma_wait3A_424 : memref<1x2x8x1024xf32, #tpu.memory_space<vmem>> -> memref<2x8x1024xf32, #tpu.memory_space<vmem>>
    tpu.wait_dma2 semaphore(%dma_wait3A_418 : memref<!tpu.dma_semaphore, #tpu.memory_space<semaphore_mem>>) src(%dma_wait3A_425 : memref<2x8x1024xf32, #tpu.memory_space<vmem>>) dst(%dma_wait3A_420 : memref<2x8x1024xf32, #tpu.memory_space<hbm>>)
    %mul3A_426 = arith.constant 24 : i32
    %mul3A_427 = arith.muli %select_n3A_32, %mul3A_426 : i32
    %add3A_428 = arith.constant 16 : i32
    %add3A_429 = arith.addi %mul3A_427, %add3A_428 : i32
    %multiple_of3A_430 = tpu.assume_multiple %add3A_429, 8 : i32
    %dma_wait3A_431 = arith.constant 0 : i32
    %dma_wait3A_432 = arith.constant 0 : i32
    %dma_wait3A_433 = arith.constant 0 : i32
    %dma_wait3A_434 = arith.constant 0 : i32
    %dma_wait3A_435 = arith.constant 0 : i32
    %dma_wait3A_436 = tpu.memref_slice %arg7[%dma_wait3A_431, %dma_wait3A_433, %dma_wait3A_434, %dma_wait3A_435] : memref<2x2x8x1024xf32, #tpu.memory_space<vmem>> -> memref<1x2x8x1024xf32, #tpu.memory_space<vmem>>
    %dma_wait3A_437 = tpu.memref_squeeze %dma_wait3A_436 : memref<1x2x8x1024xf32, #tpu.memory_space<vmem>> -> memref<2x8x1024xf32, #tpu.memory_space<vmem>>
    %dma_wait3A_438 = arith.constant 0 : i32
    %dma_wait3A_439 = tpu.memref_slice %arg4[%mul3A_18, %multiple_of3A_430, %dma_wait3A_438] : memref<16x96x1024xf32, #tpu.memory_space<hbm>> -> memref<2x8x1024xf32, #tpu.memory_space<hbm>>
    %dma_wait3A_440 = tpu.memref_slice %arg10[%dma_wait3A_432] : memref<2x!tpu.dma_semaphore, #tpu.memory_space<semaphore_mem>> -> memref<1x!tpu.dma_semaphore, #tpu.memory_space<semaphore_mem>>
    %dma_wait3A_441 = tpu.memref_squeeze %dma_wait3A_440 : memref<1x!tpu.dma_semaphore, #tpu.memory_space<semaphore_mem>> -> memref<!tpu.dma_semaphore, #tpu.memory_space<semaphore_mem>>
    %dma_wait3A_442 = arith.constant 0 : i32
    %dma_wait3A_443 = tpu.memref_slice %arg4[%mul3A_18, %multiple_of3A_430, %dma_wait3A_442] : memref<16x96x1024xf32, #tpu.memory_space<hbm>> -> memref<2x8x1024xf32, #tpu.memory_space<hbm>>
    %dma_wait3A_444 = arith.constant 0 : i32
    %dma_wait3A_445 = arith.constant 0 : i32
    %dma_wait3A_446 = arith.constant 0 : i32
    %dma_wait3A_447 = tpu.memref_slice %arg7[%dma_wait3A_431, %dma_wait3A_444, %dma_wait3A_445, %dma_wait3A_446] : memref<2x2x8x1024xf32, #tpu.memory_space<vmem>> -> memref<1x2x8x1024xf32, #tpu.memory_space<vmem>>
    %dma_wait3A_448 = tpu.memref_squeeze %dma_wait3A_447 : memref<1x2x8x1024xf32, #tpu.memory_space<vmem>> -> memref<2x8x1024xf32, #tpu.memory_space<vmem>>
    tpu.wait_dma2 semaphore(%dma_wait3A_441 : memref<!tpu.dma_semaphore, #tpu.memory_space<semaphore_mem>>) src(%dma_wait3A_448 : memref<2x8x1024xf32, #tpu.memory_space<vmem>>) dst(%dma_wait3A_443 : memref<2x8x1024xf32, #tpu.memory_space<hbm>>)
    return
  }
}

module attributes {stable_mosaic.version = 14 : i64} {
  func.func @_tc_body(%arg0: memref<64x96x1024xf32, #tpu.memory_space<any>>, %arg1: memref<96x1024xf32, #tpu.memory_space<vmem>>, %arg2: memref<64x96x1024xf32, #tpu.memory_space<any>>, %arg3: memref<4x8x96x1024xf32, #tpu.memory_space<vmem>>, %arg4: memref<4x8x96x1024xf32, #tpu.memory_space<vmem>>, %arg5: memref<4x!tpu.dma_semaphore, #tpu.memory_space<semaphore_mem>>, %arg6: memref<4x!tpu.dma_semaphore, #tpu.memory_space<semaphore_mem>>) attributes {dimension_semantics = [], scalar_prefetch = 0 : i64, scratch_operands = 4 : i64, tpu.core_type = #tpu.core_type<tc>} {
    %get3A = arith.constant 0 : index
    %get3A_0 = arith.constant 0 : index
    %get3A_1 = vector.load %arg1[%get3A, %get3A_0] : memref<96x1024xf32, #tpu.memory_space<vmem>>, vector<96x1024xf32>
    %dma_start3A = arith.constant 0 : i32
    %dma_start3A_2 = arith.constant 0 : i32
    %dma_start3A_3 = tpu.memref_slice %arg5[%dma_start3A_2] : memref<4x!tpu.dma_semaphore, #tpu.memory_space<semaphore_mem>> -> memref<1x!tpu.dma_semaphore, #tpu.memory_space<semaphore_mem>>
    %dma_start3A_4 = tpu.memref_squeeze %dma_start3A_3 : memref<1x!tpu.dma_semaphore, #tpu.memory_space<semaphore_mem>> -> memref<!tpu.dma_semaphore, #tpu.memory_space<semaphore_mem>>
    %dma_start3A_5 = arith.constant 0 : i32
    %dma_start3A_6 = arith.constant 0 : i32
    %dma_start3A_7 = arith.constant 0 : i32
    %dma_start3A_8 = tpu.memref_slice %arg3[%dma_start3A, %dma_start3A_5, %dma_start3A_6, %dma_start3A_7] : memref<4x8x96x1024xf32, #tpu.memory_space<vmem>> -> memref<1x8x96x1024xf32, #tpu.memory_space<vmem>>
    %dma_start3A_9 = tpu.memref_squeeze %dma_start3A_8 : memref<1x8x96x1024xf32, #tpu.memory_space<vmem>> -> memref<8x96x1024xf32, #tpu.memory_space<vmem>>
    %dma_start3A_10 = arith.constant 16 : i32
    %dma_start3A_11 = arith.constant 0 : i32
    %dma_start3A_12 = arith.constant 0 : i32
    %dma_start3A_13 = tpu.memref_slice %arg0[%dma_start3A_10, %dma_start3A_11, %dma_start3A_12] : memref<64x96x1024xf32, #tpu.memory_space<any>> -> memref<8x96x1024xf32, #tpu.memory_space<any>>
    tpu.enqueue_dma source(%dma_start3A_13 : memref<8x96x1024xf32, #tpu.memory_space<any>>) target(%dma_start3A_9 : memref<8x96x1024xf32, #tpu.memory_space<vmem>>) target_semaphore(%dma_start3A_4 : memref<!tpu.dma_semaphore, #tpu.memory_space<semaphore_mem>>)
    %dma_start3A_14 = arith.constant 1 : i32
    %dma_start3A_15 = arith.constant 1 : i32
    %dma_start3A_16 = tpu.memref_slice %arg5[%dma_start3A_15] : memref<4x!tpu.dma_semaphore, #tpu.memory_space<semaphore_mem>> -> memref<1x!tpu.dma_semaphore, #tpu.memory_space<semaphore_mem>>
    %dma_start3A_17 = tpu.memref_squeeze %dma_start3A_16 : memref<1x!tpu.dma_semaphore, #tpu.memory_space<semaphore_mem>> -> memref<!tpu.dma_semaphore, #tpu.memory_space<semaphore_mem>>
    %dma_start3A_18 = arith.constant 0 : i32
    %dma_start3A_19 = arith.constant 0 : i32
    %dma_start3A_20 = arith.constant 0 : i32
    %dma_start3A_21 = tpu.memref_slice %arg3[%dma_start3A_14, %dma_start3A_18, %dma_start3A_19, %dma_start3A_20] : memref<4x8x96x1024xf32, #tpu.memory_space<vmem>> -> memref<1x8x96x1024xf32, #tpu.memory_space<vmem>>
    %dma_start3A_22 = tpu.memref_squeeze %dma_start3A_21 : memref<1x8x96x1024xf32, #tpu.memory_space<vmem>> -> memref<8x96x1024xf32, #tpu.memory_space<vmem>>
    %dma_start3A_23 = arith.constant 24 : i32
    %dma_start3A_24 = arith.constant 0 : i32
    %dma_start3A_25 = arith.constant 0 : i32
    %dma_start3A_26 = tpu.memref_slice %arg0[%dma_start3A_23, %dma_start3A_24, %dma_start3A_25] : memref<64x96x1024xf32, #tpu.memory_space<any>> -> memref<8x96x1024xf32, #tpu.memory_space<any>>
    tpu.enqueue_dma source(%dma_start3A_26 : memref<8x96x1024xf32, #tpu.memory_space<any>>) target(%dma_start3A_22 : memref<8x96x1024xf32, #tpu.memory_space<vmem>>) target_semaphore(%dma_start3A_17 : memref<!tpu.dma_semaphore, #tpu.memory_space<semaphore_mem>>)
    %dma_start3A_27 = arith.constant 2 : i32
    %dma_start3A_28 = arith.constant 2 : i32
    %dma_start3A_29 = tpu.memref_slice %arg5[%dma_start3A_28] : memref<4x!tpu.dma_semaphore, #tpu.memory_space<semaphore_mem>> -> memref<1x!tpu.dma_semaphore, #tpu.memory_space<semaphore_mem>>
    %dma_start3A_30 = tpu.memref_squeeze %dma_start3A_29 : memref<1x!tpu.dma_semaphore, #tpu.memory_space<semaphore_mem>> -> memref<!tpu.dma_semaphore, #tpu.memory_space<semaphore_mem>>
    %dma_start3A_31 = arith.constant 0 : i32
    %dma_start3A_32 = arith.constant 0 : i32
    %dma_start3A_33 = arith.constant 0 : i32
    %dma_start3A_34 = tpu.memref_slice %arg3[%dma_start3A_27, %dma_start3A_31, %dma_start3A_32, %dma_start3A_33] : memref<4x8x96x1024xf32, #tpu.memory_space<vmem>> -> memref<1x8x96x1024xf32, #tpu.memory_space<vmem>>
    %dma_start3A_35 = tpu.memref_squeeze %dma_start3A_34 : memref<1x8x96x1024xf32, #tpu.memory_space<vmem>> -> memref<8x96x1024xf32, #tpu.memory_space<vmem>>
    %dma_start3A_36 = arith.constant 32 : i32
    %dma_start3A_37 = arith.constant 0 : i32
    %dma_start3A_38 = arith.constant 0 : i32
    %dma_start3A_39 = tpu.memref_slice %arg0[%dma_start3A_36, %dma_start3A_37, %dma_start3A_38] : memref<64x96x1024xf32, #tpu.memory_space<any>> -> memref<8x96x1024xf32, #tpu.memory_space<any>>
    tpu.enqueue_dma source(%dma_start3A_39 : memref<8x96x1024xf32, #tpu.memory_space<any>>) target(%dma_start3A_35 : memref<8x96x1024xf32, #tpu.memory_space<vmem>>) target_semaphore(%dma_start3A_30 : memref<!tpu.dma_semaphore, #tpu.memory_space<semaphore_mem>>)
    %dma_start3A_40 = arith.constant 3 : i32
    %dma_start3A_41 = arith.constant 3 : i32
    %dma_start3A_42 = tpu.memref_slice %arg5[%dma_start3A_41] : memref<4x!tpu.dma_semaphore, #tpu.memory_space<semaphore_mem>> -> memref<1x!tpu.dma_semaphore, #tpu.memory_space<semaphore_mem>>
    %dma_start3A_43 = tpu.memref_squeeze %dma_start3A_42 : memref<1x!tpu.dma_semaphore, #tpu.memory_space<semaphore_mem>> -> memref<!tpu.dma_semaphore, #tpu.memory_space<semaphore_mem>>
    %dma_start3A_44 = arith.constant 0 : i32
    %dma_start3A_45 = arith.constant 0 : i32
    %dma_start3A_46 = arith.constant 0 : i32
    %dma_start3A_47 = tpu.memref_slice %arg3[%dma_start3A_40, %dma_start3A_44, %dma_start3A_45, %dma_start3A_46] : memref<4x8x96x1024xf32, #tpu.memory_space<vmem>> -> memref<1x8x96x1024xf32, #tpu.memory_space<vmem>>
    %dma_start3A_48 = tpu.memref_squeeze %dma_start3A_47 : memref<1x8x96x1024xf32, #tpu.memory_space<vmem>> -> memref<8x96x1024xf32, #tpu.memory_space<vmem>>
    %dma_start3A_49 = arith.constant 40 : i32
    %dma_start3A_50 = arith.constant 0 : i32
    %dma_start3A_51 = arith.constant 0 : i32
    %dma_start3A_52 = tpu.memref_slice %arg0[%dma_start3A_49, %dma_start3A_50, %dma_start3A_51] : memref<64x96x1024xf32, #tpu.memory_space<any>> -> memref<8x96x1024xf32, #tpu.memory_space<any>>
    tpu.enqueue_dma source(%dma_start3A_52 : memref<8x96x1024xf32, #tpu.memory_space<any>>) target(%dma_start3A_48 : memref<8x96x1024xf32, #tpu.memory_space<vmem>>) target_semaphore(%dma_start3A_43 : memref<!tpu.dma_semaphore, #tpu.memory_space<semaphore_mem>>)
    %dma_wait3A = arith.constant 0 : i32
    %dma_wait3A_53 = arith.constant 0 : i32
    %dma_wait3A_54 = tpu.memref_slice %arg5[%dma_wait3A_53] : memref<4x!tpu.dma_semaphore, #tpu.memory_space<semaphore_mem>> -> memref<1x!tpu.dma_semaphore, #tpu.memory_space<semaphore_mem>>
    %dma_wait3A_55 = tpu.memref_squeeze %dma_wait3A_54 : memref<1x!tpu.dma_semaphore, #tpu.memory_space<semaphore_mem>> -> memref<!tpu.dma_semaphore, #tpu.memory_space<semaphore_mem>>
    %dma_wait3A_56 = arith.constant 0 : i32
    %dma_wait3A_57 = arith.constant 0 : i32
    %dma_wait3A_58 = arith.constant 0 : i32
    %dma_wait3A_59 = tpu.memref_slice %arg3[%dma_wait3A, %dma_wait3A_56, %dma_wait3A_57, %dma_wait3A_58] : memref<4x8x96x1024xf32, #tpu.memory_space<vmem>> -> memref<1x8x96x1024xf32, #tpu.memory_space<vmem>>
    %dma_wait3A_60 = tpu.memref_squeeze %dma_wait3A_59 : memref<1x8x96x1024xf32, #tpu.memory_space<vmem>> -> memref<8x96x1024xf32, #tpu.memory_space<vmem>>
    %dma_wait3A_61 = arith.constant 16 : i32
    %dma_wait3A_62 = arith.constant 0 : i32
    %dma_wait3A_63 = arith.constant 0 : i32
    %dma_wait3A_64 = tpu.memref_slice %arg0[%dma_wait3A_61, %dma_wait3A_62, %dma_wait3A_63] : memref<64x96x1024xf32, #tpu.memory_space<any>> -> memref<8x96x1024xf32, #tpu.memory_space<any>>
    tpu.wait_dma2 semaphore(%dma_wait3A_55 : memref<!tpu.dma_semaphore, #tpu.memory_space<semaphore_mem>>) src(%dma_wait3A_64 : memref<8x96x1024xf32, #tpu.memory_space<any>>) dst(%dma_wait3A_60 : memref<8x96x1024xf32, #tpu.memory_space<vmem>>)
    %get3A_65 = arith.constant 0 : index
    %get3A_66 = arith.constant 0 : index
    %get3A_67 = arith.constant 0 : index
    %get3A_68 = arith.constant 0 : index
    %get3A_69 = vector.load %arg3[%get3A_65, %get3A_66, %get3A_67, %get3A_68] : memref<4x8x96x1024xf32, #tpu.memory_space<vmem>>, vector<1x8x96x1024xf32>
    %get3A_70 = vector.shape_cast %get3A_69 : vector<1x8x96x1024xf32> to vector<8x96x1024xf32>
    %broadcast_in_dim3A = vector.shape_cast %get3A_1 : vector<96x1024xf32> to vector<1x96x1024xf32>
    %add3A = vector.broadcast %broadcast_in_dim3A : vector<1x96x1024xf32> to vector<8x96x1024xf32>
    %add3A_71 = arith.addf %get3A_70, %add3A : vector<8x96x1024xf32>
    %swap3A = arith.constant 0 : index
    %swap3A_72 = arith.constant 0 : index
    %swap3A_73 = arith.constant 0 : index
    %swap3A_74 = arith.constant 0 : index
    %swap3A_75 = vector.load %arg4[%swap3A, %swap3A_72, %swap3A_73, %swap3A_74] : memref<4x8x96x1024xf32, #tpu.memory_space<vmem>>, vector<1x8x96x1024xf32>
    %swap3A_76 = vector.shape_cast %swap3A_75 : vector<1x8x96x1024xf32> to vector<8x96x1024xf32>
    %swap3A_77 = vector.shape_cast %add3A_71 : vector<8x96x1024xf32> to vector<1x8x96x1024xf32>
    tpu.vector_store %arg4[%swap3A, %swap3A_72, %swap3A_73, %swap3A_74], %swap3A_77 {strides = array<i32>} : memref<4x8x96x1024xf32, #tpu.memory_space<vmem>>, vector<1x8x96x1024xf32>,
    %dma_start3A_78 = arith.constant 0 : i32
    %dma_start3A_79 = arith.constant 0 : i32
    %dma_start3A_80 = tpu.memref_slice %arg6[%dma_start3A_79] : memref<4x!tpu.dma_semaphore, #tpu.memory_space<semaphore_mem>> -> memref<1x!tpu.dma_semaphore, #tpu.memory_space<semaphore_mem>>
    %dma_start3A_81 = tpu.memref_squeeze %dma_start3A_80 : memref<1x!tpu.dma_semaphore, #tpu.memory_space<semaphore_mem>> -> memref<!tpu.dma_semaphore, #tpu.memory_space<semaphore_mem>>
    %dma_start3A_82 = arith.constant 16 : i32
    %dma_start3A_83 = arith.constant 0 : i32
    %dma_start3A_84 = arith.constant 0 : i32
    %dma_start3A_85 = tpu.memref_slice %arg2[%dma_start3A_82, %dma_start3A_83, %dma_start3A_84] : memref<64x96x1024xf32, #tpu.memory_space<any>> -> memref<8x96x1024xf32, #tpu.memory_space<any>>
    %dma_start3A_86 = arith.constant 0 : i32
    %dma_start3A_87 = arith.constant 0 : i32
    %dma_start3A_88 = arith.constant 0 : i32
    %dma_start3A_89 = tpu.memref_slice %arg4[%dma_start3A_78, %dma_start3A_86, %dma_start3A_87, %dma_start3A_88] : memref<4x8x96x1024xf32, #tpu.memory_space<vmem>> -> memref<1x8x96x1024xf32, #tpu.memory_space<vmem>>
    %dma_start3A_90 = tpu.memref_squeeze %dma_start3A_89 : memref<1x8x96x1024xf32, #tpu.memory_space<vmem>> -> memref<8x96x1024xf32, #tpu.memory_space<vmem>>
    tpu.enqueue_dma source(%dma_start3A_90 : memref<8x96x1024xf32, #tpu.memory_space<vmem>>) target(%dma_start3A_85 : memref<8x96x1024xf32, #tpu.memory_space<any>>) target_semaphore(%dma_start3A_81 : memref<!tpu.dma_semaphore, #tpu.memory_space<semaphore_mem>>)
    %dma_start3A_91 = arith.constant 0 : i32
    %dma_start3A_92 = arith.constant 0 : i32
    %dma_start3A_93 = tpu.memref_slice %arg5[%dma_start3A_92] : memref<4x!tpu.dma_semaphore, #tpu.memory_space<semaphore_mem>> -> memref<1x!tpu.dma_semaphore, #tpu.memory_space<semaphore_mem>>
    %dma_start3A_94 = tpu.memref_squeeze %dma_start3A_93 : memref<1x!tpu.dma_semaphore, #tpu.memory_space<semaphore_mem>> -> memref<!tpu.dma_semaphore, #tpu.memory_space<semaphore_mem>>
    %dma_start3A_95 = arith.constant 0 : i32
    %dma_start3A_96 = arith.constant 0 : i32
    %dma_start3A_97 = arith.constant 0 : i32
    %dma_start3A_98 = tpu.memref_slice %arg3[%dma_start3A_91, %dma_start3A_95, %dma_start3A_96, %dma_start3A_97] : memref<4x8x96x1024xf32, #tpu.memory_space<vmem>> -> memref<1x8x96x1024xf32, #tpu.memory_space<vmem>>
    %dma_start3A_99 = tpu.memref_squeeze %dma_start3A_98 : memref<1x8x96x1024xf32, #tpu.memory_space<vmem>> -> memref<8x96x1024xf32, #tpu.memory_space<vmem>>
    %dma_start3A_100 = arith.constant 48 : i32
    %dma_start3A_101 = arith.constant 0 : i32
    %dma_start3A_102 = arith.constant 0 : i32
    %dma_start3A_103 = tpu.memref_slice %arg0[%dma_start3A_100, %dma_start3A_101, %dma_start3A_102] : memref<64x96x1024xf32, #tpu.memory_space<any>> -> memref<8x96x1024xf32, #tpu.memory_space<any>>
    tpu.enqueue_dma source(%dma_start3A_103 : memref<8x96x1024xf32, #tpu.memory_space<any>>) target(%dma_start3A_99 : memref<8x96x1024xf32, #tpu.memory_space<vmem>>) target_semaphore(%dma_start3A_94 : memref<!tpu.dma_semaphore, #tpu.memory_space<semaphore_mem>>)
    %dma_wait3A_104 = arith.constant 1 : i32
    %dma_wait3A_105 = arith.constant 1 : i32
    %dma_wait3A_106 = tpu.memref_slice %arg5[%dma_wait3A_105] : memref<4x!tpu.dma_semaphore, #tpu.memory_space<semaphore_mem>> -> memref<1x!tpu.dma_semaphore, #tpu.memory_space<semaphore_mem>>
    %dma_wait3A_107 = tpu.memref_squeeze %dma_wait3A_106 : memref<1x!tpu.dma_semaphore, #tpu.memory_space<semaphore_mem>> -> memref<!tpu.dma_semaphore, #tpu.memory_space<semaphore_mem>>
    %dma_wait3A_108 = arith.constant 0 : i32
    %dma_wait3A_109 = arith.constant 0 : i32
    %dma_wait3A_110 = arith.constant 0 : i32
    %dma_wait3A_111 = tpu.memref_slice %arg3[%dma_wait3A_104, %dma_wait3A_108, %dma_wait3A_109, %dma_wait3A_110] : memref<4x8x96x1024xf32, #tpu.memory_space<vmem>> -> memref<1x8x96x1024xf32, #tpu.memory_space<vmem>>
    %dma_wait3A_112 = tpu.memref_squeeze %dma_wait3A_111 : memref<1x8x96x1024xf32, #tpu.memory_space<vmem>> -> memref<8x96x1024xf32, #tpu.memory_space<vmem>>
    %dma_wait3A_113 = arith.constant 24 : i32
    %dma_wait3A_114 = arith.constant 0 : i32
    %dma_wait3A_115 = arith.constant 0 : i32
    %dma_wait3A_116 = tpu.memref_slice %arg0[%dma_wait3A_113, %dma_wait3A_114, %dma_wait3A_115] : memref<64x96x1024xf32, #tpu.memory_space<any>> -> memref<8x96x1024xf32, #tpu.memory_space<any>>
    tpu.wait_dma2 semaphore(%dma_wait3A_107 : memref<!tpu.dma_semaphore, #tpu.memory_space<semaphore_mem>>) src(%dma_wait3A_116 : memref<8x96x1024xf32, #tpu.memory_space<any>>) dst(%dma_wait3A_112 : memref<8x96x1024xf32, #tpu.memory_space<vmem>>)
    %get3A_117 = arith.constant 1 : index
    %get3A_118 = arith.constant 0 : index
    %get3A_119 = arith.constant 0 : index
    %get3A_120 = arith.constant 0 : index
    %get3A_121 = vector.load %arg3[%get3A_117, %get3A_118, %get3A_119, %get3A_120] : memref<4x8x96x1024xf32, #tpu.memory_space<vmem>>, vector<1x8x96x1024xf32>
    %get3A_122 = vector.shape_cast %get3A_121 : vector<1x8x96x1024xf32> to vector<8x96x1024xf32>
    %broadcast_in_dim3A_123 = vector.shape_cast %get3A_1 : vector<96x1024xf32> to vector<1x96x1024xf32>
    %add3A_124 = vector.broadcast %broadcast_in_dim3A_123 : vector<1x96x1024xf32> to vector<8x96x1024xf32>
    %add3A_125 = arith.addf %get3A_122, %add3A_124 : vector<8x96x1024xf32>
    %swap3A_126 = arith.constant 1 : index
    %swap3A_127 = arith.constant 0 : index
    %swap3A_128 = arith.constant 0 : index
    %swap3A_129 = arith.constant 0 : index
    %swap3A_130 = vector.load %arg4[%swap3A_126, %swap3A_127, %swap3A_128, %swap3A_129] : memref<4x8x96x1024xf32, #tpu.memory_space<vmem>>, vector<1x8x96x1024xf32>
    %swap3A_131 = vector.shape_cast %swap3A_130 : vector<1x8x96x1024xf32> to vector<8x96x1024xf32>
    %swap3A_132 = vector.shape_cast %add3A_125 : vector<8x96x1024xf32> to vector<1x8x96x1024xf32>
    tpu.vector_store %arg4[%swap3A_126, %swap3A_127, %swap3A_128, %swap3A_129], %swap3A_132 {strides = array<i32>} : memref<4x8x96x1024xf32, #tpu.memory_space<vmem>>, vector<1x8x96x1024xf32>,
    %dma_start3A_133 = arith.constant 1 : i32
    %dma_start3A_134 = arith.constant 1 : i32
    %dma_start3A_135 = tpu.memref_slice %arg6[%dma_start3A_134] : memref<4x!tpu.dma_semaphore, #tpu.memory_space<semaphore_mem>> -> memref<1x!tpu.dma_semaphore, #tpu.memory_space<semaphore_mem>>
    %dma_start3A_136 = tpu.memref_squeeze %dma_start3A_135 : memref<1x!tpu.dma_semaphore, #tpu.memory_space<semaphore_mem>> -> memref<!tpu.dma_semaphore, #tpu.memory_space<semaphore_mem>>
    %dma_start3A_137 = arith.constant 24 : i32
    %dma_start3A_138 = arith.constant 0 : i32
    %dma_start3A_139 = arith.constant 0 : i32
    %dma_start3A_140 = tpu.memref_slice %arg2[%dma_start3A_137, %dma_start3A_138, %dma_start3A_139] : memref<64x96x1024xf32, #tpu.memory_space<any>> -> memref<8x96x1024xf32, #tpu.memory_space<any>>
    %dma_start3A_141 = arith.constant 0 : i32
    %dma_start3A_142 = arith.constant 0 : i32
    %dma_start3A_143 = arith.constant 0 : i32
    %dma_start3A_144 = tpu.memref_slice %arg4[%dma_start3A_133, %dma_start3A_141, %dma_start3A_142, %dma_start3A_143] : memref<4x8x96x1024xf32, #tpu.memory_space<vmem>> -> memref<1x8x96x1024xf32, #tpu.memory_space<vmem>>
    %dma_start3A_145 = tpu.memref_squeeze %dma_start3A_144 : memref<1x8x96x1024xf32, #tpu.memory_space<vmem>> -> memref<8x96x1024xf32, #tpu.memory_space<vmem>>
    tpu.enqueue_dma source(%dma_start3A_145 : memref<8x96x1024xf32, #tpu.memory_space<vmem>>) target(%dma_start3A_140 : memref<8x96x1024xf32, #tpu.memory_space<any>>) target_semaphore(%dma_start3A_136 : memref<!tpu.dma_semaphore, #tpu.memory_space<semaphore_mem>>)
    %dma_start3A_146 = arith.constant 1 : i32
    %dma_start3A_147 = arith.constant 1 : i32
    %dma_start3A_148 = tpu.memref_slice %arg5[%dma_start3A_147] : memref<4x!tpu.dma_semaphore, #tpu.memory_space<semaphore_mem>> -> memref<1x!tpu.dma_semaphore, #tpu.memory_space<semaphore_mem>>
    %dma_start3A_149 = tpu.memref_squeeze %dma_start3A_148 : memref<1x!tpu.dma_semaphore, #tpu.memory_space<semaphore_mem>> -> memref<!tpu.dma_semaphore, #tpu.memory_space<semaphore_mem>>
    %dma_start3A_150 = arith.constant 0 : i32
    %dma_start3A_151 = arith.constant 0 : i32
    %dma_start3A_152 = arith.constant 0 : i32
    %dma_start3A_153 = tpu.memref_slice %arg3[%dma_start3A_146, %dma_start3A_150, %dma_start3A_151, %dma_start3A_152] : memref<4x8x96x1024xf32, #tpu.memory_space<vmem>> -> memref<1x8x96x1024xf32, #tpu.memory_space<vmem>>
    %dma_start3A_154 = tpu.memref_squeeze %dma_start3A_153 : memref<1x8x96x1024xf32, #tpu.memory_space<vmem>> -> memref<8x96x1024xf32, #tpu.memory_space<vmem>>
    %dma_start3A_155 = arith.constant 56 : i32
    %dma_start3A_156 = arith.constant 0 : i32
    %dma_start3A_157 = arith.constant 0 : i32
    %dma_start3A_158 = tpu.memref_slice %arg0[%dma_start3A_155, %dma_start3A_156, %dma_start3A_157] : memref<64x96x1024xf32, #tpu.memory_space<any>> -> memref<8x96x1024xf32, #tpu.memory_space<any>>
    tpu.enqueue_dma source(%dma_start3A_158 : memref<8x96x1024xf32, #tpu.memory_space<any>>) target(%dma_start3A_154 : memref<8x96x1024xf32, #tpu.memory_space<vmem>>) target_semaphore(%dma_start3A_149 : memref<!tpu.dma_semaphore, #tpu.memory_space<semaphore_mem>>)
    %dma_wait3A_159 = arith.constant 2 : i32
    %dma_wait3A_160 = arith.constant 2 : i32
    %dma_wait3A_161 = tpu.memref_slice %arg5[%dma_wait3A_160] : memref<4x!tpu.dma_semaphore, #tpu.memory_space<semaphore_mem>> -> memref<1x!tpu.dma_semaphore, #tpu.memory_space<semaphore_mem>>
    %dma_wait3A_162 = tpu.memref_squeeze %dma_wait3A_161 : memref<1x!tpu.dma_semaphore, #tpu.memory_space<semaphore_mem>> -> memref<!tpu.dma_semaphore, #tpu.memory_space<semaphore_mem>>
    %dma_wait3A_163 = arith.constant 0 : i32
    %dma_wait3A_164 = arith.constant 0 : i32
    %dma_wait3A_165 = arith.constant 0 : i32
    %dma_wait3A_166 = tpu.memref_slice %arg3[%dma_wait3A_159, %dma_wait3A_163, %dma_wait3A_164, %dma_wait3A_165] : memref<4x8x96x1024xf32, #tpu.memory_space<vmem>> -> memref<1x8x96x1024xf32, #tpu.memory_space<vmem>>
    %dma_wait3A_167 = tpu.memref_squeeze %dma_wait3A_166 : memref<1x8x96x1024xf32, #tpu.memory_space<vmem>> -> memref<8x96x1024xf32, #tpu.memory_space<vmem>>
    %dma_wait3A_168 = arith.constant 32 : i32
    %dma_wait3A_169 = arith.constant 0 : i32
    %dma_wait3A_170 = arith.constant 0 : i32
    %dma_wait3A_171 = tpu.memref_slice %arg0[%dma_wait3A_168, %dma_wait3A_169, %dma_wait3A_170] : memref<64x96x1024xf32, #tpu.memory_space<any>> -> memref<8x96x1024xf32, #tpu.memory_space<any>>
    tpu.wait_dma2 semaphore(%dma_wait3A_162 : memref<!tpu.dma_semaphore, #tpu.memory_space<semaphore_mem>>) src(%dma_wait3A_171 : memref<8x96x1024xf32, #tpu.memory_space<any>>) dst(%dma_wait3A_167 : memref<8x96x1024xf32, #tpu.memory_space<vmem>>)
    %get3A_172 = arith.constant 2 : index
    %get3A_173 = arith.constant 0 : index
    %get3A_174 = arith.constant 0 : index
    %get3A_175 = arith.constant 0 : index
    %get3A_176 = vector.load %arg3[%get3A_172, %get3A_173, %get3A_174, %get3A_175] : memref<4x8x96x1024xf32, #tpu.memory_space<vmem>>, vector<1x8x96x1024xf32>
    %get3A_177 = vector.shape_cast %get3A_176 : vector<1x8x96x1024xf32> to vector<8x96x1024xf32>
    %broadcast_in_dim3A_178 = vector.shape_cast %get3A_1 : vector<96x1024xf32> to vector<1x96x1024xf32>
    %add3A_179 = vector.broadcast %broadcast_in_dim3A_178 : vector<1x96x1024xf32> to vector<8x96x1024xf32>
    %add3A_180 = arith.addf %get3A_177, %add3A_179 : vector<8x96x1024xf32>
    %swap3A_181 = arith.constant 2 : index
    %swap3A_182 = arith.constant 0 : index
    %swap3A_183 = arith.constant 0 : index
    %swap3A_184 = arith.constant 0 : index
    %swap3A_185 = vector.load %arg4[%swap3A_181, %swap3A_182, %swap3A_183, %swap3A_184] : memref<4x8x96x1024xf32, #tpu.memory_space<vmem>>, vector<1x8x96x1024xf32>
    %swap3A_186 = vector.shape_cast %swap3A_185 : vector<1x8x96x1024xf32> to vector<8x96x1024xf32>
    %swap3A_187 = vector.shape_cast %add3A_180 : vector<8x96x1024xf32> to vector<1x8x96x1024xf32>
    tpu.vector_store %arg4[%swap3A_181, %swap3A_182, %swap3A_183, %swap3A_184], %swap3A_187 {strides = array<i32>} : memref<4x8x96x1024xf32, #tpu.memory_space<vmem>>, vector<1x8x96x1024xf32>,
    %dma_start3A_188 = arith.constant 2 : i32
    %dma_start3A_189 = arith.constant 2 : i32
    %dma_start3A_190 = tpu.memref_slice %arg6[%dma_start3A_189] : memref<4x!tpu.dma_semaphore, #tpu.memory_space<semaphore_mem>> -> memref<1x!tpu.dma_semaphore, #tpu.memory_space<semaphore_mem>>
    %dma_start3A_191 = tpu.memref_squeeze %dma_start3A_190 : memref<1x!tpu.dma_semaphore, #tpu.memory_space<semaphore_mem>> -> memref<!tpu.dma_semaphore, #tpu.memory_space<semaphore_mem>>
    %dma_start3A_192 = arith.constant 32 : i32
    %dma_start3A_193 = arith.constant 0 : i32
    %dma_start3A_194 = arith.constant 0 : i32
    %dma_start3A_195 = tpu.memref_slice %arg2[%dma_start3A_192, %dma_start3A_193, %dma_start3A_194] : memref<64x96x1024xf32, #tpu.memory_space<any>> -> memref<8x96x1024xf32, #tpu.memory_space<any>>
    %dma_start3A_196 = arith.constant 0 : i32
    %dma_start3A_197 = arith.constant 0 : i32
    %dma_start3A_198 = arith.constant 0 : i32
    %dma_start3A_199 = tpu.memref_slice %arg4[%dma_start3A_188, %dma_start3A_196, %dma_start3A_197, %dma_start3A_198] : memref<4x8x96x1024xf32, #tpu.memory_space<vmem>> -> memref<1x8x96x1024xf32, #tpu.memory_space<vmem>>
    %dma_start3A_200 = tpu.memref_squeeze %dma_start3A_199 : memref<1x8x96x1024xf32, #tpu.memory_space<vmem>> -> memref<8x96x1024xf32, #tpu.memory_space<vmem>>
    tpu.enqueue_dma source(%dma_start3A_200 : memref<8x96x1024xf32, #tpu.memory_space<vmem>>) target(%dma_start3A_195 : memref<8x96x1024xf32, #tpu.memory_space<any>>) target_semaphore(%dma_start3A_191 : memref<!tpu.dma_semaphore, #tpu.memory_space<semaphore_mem>>)
    %dma_wait3A_201 = arith.constant 3 : i32
    %dma_wait3A_202 = arith.constant 3 : i32
    %dma_wait3A_203 = tpu.memref_slice %arg5[%dma_wait3A_202] : memref<4x!tpu.dma_semaphore, #tpu.memory_space<semaphore_mem>> -> memref<1x!tpu.dma_semaphore, #tpu.memory_space<semaphore_mem>>
    %dma_wait3A_204 = tpu.memref_squeeze %dma_wait3A_203 : memref<1x!tpu.dma_semaphore, #tpu.memory_space<semaphore_mem>> -> memref<!tpu.dma_semaphore, #tpu.memory_space<semaphore_mem>>
    %dma_wait3A_205 = arith.constant 0 : i32
    %dma_wait3A_206 = arith.constant 0 : i32
    %dma_wait3A_207 = arith.constant 0 : i32
    %dma_wait3A_208 = tpu.memref_slice %arg3[%dma_wait3A_201, %dma_wait3A_205, %dma_wait3A_206, %dma_wait3A_207] : memref<4x8x96x1024xf32, #tpu.memory_space<vmem>> -> memref<1x8x96x1024xf32, #tpu.memory_space<vmem>>
    %dma_wait3A_209 = tpu.memref_squeeze %dma_wait3A_208 : memref<1x8x96x1024xf32, #tpu.memory_space<vmem>> -> memref<8x96x1024xf32, #tpu.memory_space<vmem>>
    %dma_wait3A_210 = arith.constant 40 : i32
    %dma_wait3A_211 = arith.constant 0 : i32
    %dma_wait3A_212 = arith.constant 0 : i32
    %dma_wait3A_213 = tpu.memref_slice %arg0[%dma_wait3A_210, %dma_wait3A_211, %dma_wait3A_212] : memref<64x96x1024xf32, #tpu.memory_space<any>> -> memref<8x96x1024xf32, #tpu.memory_space<any>>
    tpu.wait_dma2 semaphore(%dma_wait3A_204 : memref<!tpu.dma_semaphore, #tpu.memory_space<semaphore_mem>>) src(%dma_wait3A_213 : memref<8x96x1024xf32, #tpu.memory_space<any>>) dst(%dma_wait3A_209 : memref<8x96x1024xf32, #tpu.memory_space<vmem>>)
    %get3A_214 = arith.constant 3 : index
    %get3A_215 = arith.constant 0 : index
    %get3A_216 = arith.constant 0 : index
    %get3A_217 = arith.constant 0 : index
    %get3A_218 = vector.load %arg3[%get3A_214, %get3A_215, %get3A_216, %get3A_217] : memref<4x8x96x1024xf32, #tpu.memory_space<vmem>>, vector<1x8x96x1024xf32>
    %get3A_219 = vector.shape_cast %get3A_218 : vector<1x8x96x1024xf32> to vector<8x96x1024xf32>
    %broadcast_in_dim3A_220 = vector.shape_cast %get3A_1 : vector<96x1024xf32> to vector<1x96x1024xf32>
    %add3A_221 = vector.broadcast %broadcast_in_dim3A_220 : vector<1x96x1024xf32> to vector<8x96x1024xf32>
    %add3A_222 = arith.addf %get3A_219, %add3A_221 : vector<8x96x1024xf32>
    %swap3A_223 = arith.constant 3 : index
    %swap3A_224 = arith.constant 0 : index
    %swap3A_225 = arith.constant 0 : index
    %swap3A_226 = arith.constant 0 : index
    %swap3A_227 = vector.load %arg4[%swap3A_223, %swap3A_224, %swap3A_225, %swap3A_226] : memref<4x8x96x1024xf32, #tpu.memory_space<vmem>>, vector<1x8x96x1024xf32>
    %swap3A_228 = vector.shape_cast %swap3A_227 : vector<1x8x96x1024xf32> to vector<8x96x1024xf32>
    %swap3A_229 = vector.shape_cast %add3A_222 : vector<8x96x1024xf32> to vector<1x8x96x1024xf32>
    tpu.vector_store %arg4[%swap3A_223, %swap3A_224, %swap3A_225, %swap3A_226], %swap3A_229 {strides = array<i32>} : memref<4x8x96x1024xf32, #tpu.memory_space<vmem>>, vector<1x8x96x1024xf32>,
    %dma_start3A_230 = arith.constant 3 : i32
    %dma_start3A_231 = arith.constant 3 : i32
    %dma_start3A_232 = tpu.memref_slice %arg6[%dma_start3A_231] : memref<4x!tpu.dma_semaphore, #tpu.memory_space<semaphore_mem>> -> memref<1x!tpu.dma_semaphore, #tpu.memory_space<semaphore_mem>>
    %dma_start3A_233 = tpu.memref_squeeze %dma_start3A_232 : memref<1x!tpu.dma_semaphore, #tpu.memory_space<semaphore_mem>> -> memref<!tpu.dma_semaphore, #tpu.memory_space<semaphore_mem>>
    %dma_start3A_234 = arith.constant 40 : i32
    %dma_start3A_235 = arith.constant 0 : i32
    %dma_start3A_236 = arith.constant 0 : i32
    %dma_start3A_237 = tpu.memref_slice %arg2[%dma_start3A_234, %dma_start3A_235, %dma_start3A_236] : memref<64x96x1024xf32, #tpu.memory_space<any>> -> memref<8x96x1024xf32, #tpu.memory_space<any>>
    %dma_start3A_238 = arith.constant 0 : i32
    %dma_start3A_239 = arith.constant 0 : i32
    %dma_start3A_240 = arith.constant 0 : i32
    %dma_start3A_241 = tpu.memref_slice %arg4[%dma_start3A_230, %dma_start3A_238, %dma_start3A_239, %dma_start3A_240] : memref<4x8x96x1024xf32, #tpu.memory_space<vmem>> -> memref<1x8x96x1024xf32, #tpu.memory_space<vmem>>
    %dma_start3A_242 = tpu.memref_squeeze %dma_start3A_241 : memref<1x8x96x1024xf32, #tpu.memory_space<vmem>> -> memref<8x96x1024xf32, #tpu.memory_space<vmem>>
    tpu.enqueue_dma source(%dma_start3A_242 : memref<8x96x1024xf32, #tpu.memory_space<vmem>>) target(%dma_start3A_237 : memref<8x96x1024xf32, #tpu.memory_space<any>>) target_semaphore(%dma_start3A_233 : memref<!tpu.dma_semaphore, #tpu.memory_space<semaphore_mem>>)
    %dma_wait3A_243 = arith.constant 0 : i32
    %dma_wait3A_244 = arith.constant 0 : i32
    %dma_wait3A_245 = tpu.memref_slice %arg5[%dma_wait3A_244] : memref<4x!tpu.dma_semaphore, #tpu.memory_space<semaphore_mem>> -> memref<1x!tpu.dma_semaphore, #tpu.memory_space<semaphore_mem>>
    %dma_wait3A_246 = tpu.memref_squeeze %dma_wait3A_245 : memref<1x!tpu.dma_semaphore, #tpu.memory_space<semaphore_mem>> -> memref<!tpu.dma_semaphore, #tpu.memory_space<semaphore_mem>>
    %dma_wait3A_247 = arith.constant 0 : i32
    %dma_wait3A_248 = arith.constant 0 : i32
    %dma_wait3A_249 = arith.constant 0 : i32
    %dma_wait3A_250 = tpu.memref_slice %arg3[%dma_wait3A_243, %dma_wait3A_247, %dma_wait3A_248, %dma_wait3A_249] : memref<4x8x96x1024xf32, #tpu.memory_space<vmem>> -> memref<1x8x96x1024xf32, #tpu.memory_space<vmem>>
    %dma_wait3A_251 = tpu.memref_squeeze %dma_wait3A_250 : memref<1x8x96x1024xf32, #tpu.memory_space<vmem>> -> memref<8x96x1024xf32, #tpu.memory_space<vmem>>
    %dma_wait3A_252 = arith.constant 48 : i32
    %dma_wait3A_253 = arith.constant 0 : i32
    %dma_wait3A_254 = arith.constant 0 : i32
    %dma_wait3A_255 = tpu.memref_slice %arg0[%dma_wait3A_252, %dma_wait3A_253, %dma_wait3A_254] : memref<64x96x1024xf32, #tpu.memory_space<any>> -> memref<8x96x1024xf32, #tpu.memory_space<any>>
    tpu.wait_dma2 semaphore(%dma_wait3A_246 : memref<!tpu.dma_semaphore, #tpu.memory_space<semaphore_mem>>) src(%dma_wait3A_255 : memref<8x96x1024xf32, #tpu.memory_space<any>>) dst(%dma_wait3A_251 : memref<8x96x1024xf32, #tpu.memory_space<vmem>>)
    %dma_wait3A_256 = arith.constant 0 : i32
    %dma_wait3A_257 = arith.constant 0 : i32
    %dma_wait3A_258 = tpu.memref_slice %arg6[%dma_wait3A_257] : memref<4x!tpu.dma_semaphore, #tpu.memory_space<semaphore_mem>> -> memref<1x!tpu.dma_semaphore, #tpu.memory_space<semaphore_mem>>
    %dma_wait3A_259 = tpu.memref_squeeze %dma_wait3A_258 : memref<1x!tpu.dma_semaphore, #tpu.memory_space<semaphore_mem>> -> memref<!tpu.dma_semaphore, #tpu.memory_space<semaphore_mem>>
    %dma_wait3A_260 = arith.constant 16 : i32
    %dma_wait3A_261 = arith.constant 0 : i32
    %dma_wait3A_262 = arith.constant 0 : i32
    %dma_wait3A_263 = tpu.memref_slice %arg2[%dma_wait3A_260, %dma_wait3A_261, %dma_wait3A_262] : memref<64x96x1024xf32, #tpu.memory_space<any>> -> memref<8x96x1024xf32, #tpu.memory_space<any>>
    %dma_wait3A_264 = arith.constant 0 : i32
    %dma_wait3A_265 = arith.constant 0 : i32
    %dma_wait3A_266 = arith.constant 0 : i32
    %dma_wait3A_267 = tpu.memref_slice %arg4[%dma_wait3A_256, %dma_wait3A_264, %dma_wait3A_265, %dma_wait3A_266] : memref<4x8x96x1024xf32, #tpu.memory_space<vmem>> -> memref<1x8x96x1024xf32, #tpu.memory_space<vmem>>
    %dma_wait3A_268 = tpu.memref_squeeze %dma_wait3A_267 : memref<1x8x96x1024xf32, #tpu.memory_space<vmem>> -> memref<8x96x1024xf32, #tpu.memory_space<vmem>>
    tpu.wait_dma2 semaphore(%dma_wait3A_259 : memref<!tpu.dma_semaphore, #tpu.memory_space<semaphore_mem>>) src(%dma_wait3A_268 : memref<8x96x1024xf32, #tpu.memory_space<vmem>>) dst(%dma_wait3A_263 : memref<8x96x1024xf32, #tpu.memory_space<any>>)
    %get3A_269 = arith.constant 0 : index
    %get3A_270 = arith.constant 0 : index
    %get3A_271 = arith.constant 0 : index
    %get3A_272 = arith.constant 0 : index
    %get3A_273 = vector.load %arg3[%get3A_269, %get3A_270, %get3A_271, %get3A_272] : memref<4x8x96x1024xf32, #tpu.memory_space<vmem>>, vector<1x8x96x1024xf32>
    %get3A_274 = vector.shape_cast %get3A_273 : vector<1x8x96x1024xf32> to vector<8x96x1024xf32>
    %broadcast_in_dim3A_275 = vector.shape_cast %get3A_1 : vector<96x1024xf32> to vector<1x96x1024xf32>
    %add3A_276 = vector.broadcast %broadcast_in_dim3A_275 : vector<1x96x1024xf32> to vector<8x96x1024xf32>
    %add3A_277 = arith.addf %get3A_274, %add3A_276 : vector<8x96x1024xf32>
    %swap3A_278 = arith.constant 0 : index
    %swap3A_279 = arith.constant 0 : index
    %swap3A_280 = arith.constant 0 : index
    %swap3A_281 = arith.constant 0 : index
    %swap3A_282 = vector.load %arg4[%swap3A_278, %swap3A_279, %swap3A_280, %swap3A_281] : memref<4x8x96x1024xf32, #tpu.memory_space<vmem>>, vector<1x8x96x1024xf32>
    %swap3A_283 = vector.shape_cast %swap3A_282 : vector<1x8x96x1024xf32> to vector<8x96x1024xf32>
    %swap3A_284 = vector.shape_cast %add3A_277 : vector<8x96x1024xf32> to vector<1x8x96x1024xf32>
    tpu.vector_store %arg4[%swap3A_278, %swap3A_279, %swap3A_280, %swap3A_281], %swap3A_284 {strides = array<i32>} : memref<4x8x96x1024xf32, #tpu.memory_space<vmem>>, vector<1x8x96x1024xf32>,
    %dma_start3A_285 = arith.constant 0 : i32
    %dma_start3A_286 = arith.constant 0 : i32
    %dma_start3A_287 = tpu.memref_slice %arg6[%dma_start3A_286] : memref<4x!tpu.dma_semaphore, #tpu.memory_space<semaphore_mem>> -> memref<1x!tpu.dma_semaphore, #tpu.memory_space<semaphore_mem>>
    %dma_start3A_288 = tpu.memref_squeeze %dma_start3A_287 : memref<1x!tpu.dma_semaphore, #tpu.memory_space<semaphore_mem>> -> memref<!tpu.dma_semaphore, #tpu.memory_space<semaphore_mem>>
    %dma_start3A_289 = arith.constant 48 : i32
    %dma_start3A_290 = arith.constant 0 : i32
    %dma_start3A_291 = arith.constant 0 : i32
    %dma_start3A_292 = tpu.memref_slice %arg2[%dma_start3A_289, %dma_start3A_290, %dma_start3A_291] : memref<64x96x1024xf32, #tpu.memory_space<any>> -> memref<8x96x1024xf32, #tpu.memory_space<any>>
    %dma_start3A_293 = arith.constant 0 : i32
    %dma_start3A_294 = arith.constant 0 : i32
    %dma_start3A_295 = arith.constant 0 : i32
    %dma_start3A_296 = tpu.memref_slice %arg4[%dma_start3A_285, %dma_start3A_293, %dma_start3A_294, %dma_start3A_295] : memref<4x8x96x1024xf32, #tpu.memory_space<vmem>> -> memref<1x8x96x1024xf32, #tpu.memory_space<vmem>>
    %dma_start3A_297 = tpu.memref_squeeze %dma_start3A_296 : memref<1x8x96x1024xf32, #tpu.memory_space<vmem>> -> memref<8x96x1024xf32, #tpu.memory_space<vmem>>
    tpu.enqueue_dma source(%dma_start3A_297 : memref<8x96x1024xf32, #tpu.memory_space<vmem>>) target(%dma_start3A_292 : memref<8x96x1024xf32, #tpu.memory_space<any>>) target_semaphore(%dma_start3A_288 : memref<!tpu.dma_semaphore, #tpu.memory_space<semaphore_mem>>)
    %dma_wait3A_298 = arith.constant 1 : i32
    %dma_wait3A_299 = arith.constant 1 : i32
    %dma_wait3A_300 = tpu.memref_slice %arg5[%dma_wait3A_299] : memref<4x!tpu.dma_semaphore, #tpu.memory_space<semaphore_mem>> -> memref<1x!tpu.dma_semaphore, #tpu.memory_space<semaphore_mem>>
    %dma_wait3A_301 = tpu.memref_squeeze %dma_wait3A_300 : memref<1x!tpu.dma_semaphore, #tpu.memory_space<semaphore_mem>> -> memref<!tpu.dma_semaphore, #tpu.memory_space<semaphore_mem>>
    %dma_wait3A_302 = arith.constant 0 : i32
    %dma_wait3A_303 = arith.constant 0 : i32
    %dma_wait3A_304 = arith.constant 0 : i32
    %dma_wait3A_305 = tpu.memref_slice %arg3[%dma_wait3A_298, %dma_wait3A_302, %dma_wait3A_303, %dma_wait3A_304] : memref<4x8x96x1024xf32, #tpu.memory_space<vmem>> -> memref<1x8x96x1024xf32, #tpu.memory_space<vmem>>
    %dma_wait3A_306 = tpu.memref_squeeze %dma_wait3A_305 : memref<1x8x96x1024xf32, #tpu.memory_space<vmem>> -> memref<8x96x1024xf32, #tpu.memory_space<vmem>>
    %dma_wait3A_307 = arith.constant 56 : i32
    %dma_wait3A_308 = arith.constant 0 : i32
    %dma_wait3A_309 = arith.constant 0 : i32
    %dma_wait3A_310 = tpu.memref_slice %arg0[%dma_wait3A_307, %dma_wait3A_308, %dma_wait3A_309] : memref<64x96x1024xf32, #tpu.memory_space<any>> -> memref<8x96x1024xf32, #tpu.memory_space<any>>
    tpu.wait_dma2 semaphore(%dma_wait3A_301 : memref<!tpu.dma_semaphore, #tpu.memory_space<semaphore_mem>>) src(%dma_wait3A_310 : memref<8x96x1024xf32, #tpu.memory_space<any>>) dst(%dma_wait3A_306 : memref<8x96x1024xf32, #tpu.memory_space<vmem>>)
    %dma_wait3A_311 = arith.constant 1 : i32
    %dma_wait3A_312 = arith.constant 1 : i32
    %dma_wait3A_313 = tpu.memref_slice %arg6[%dma_wait3A_312] : memref<4x!tpu.dma_semaphore, #tpu.memory_space<semaphore_mem>> -> memref<1x!tpu.dma_semaphore, #tpu.memory_space<semaphore_mem>>
    %dma_wait3A_314 = tpu.memref_squeeze %dma_wait3A_313 : memref<1x!tpu.dma_semaphore, #tpu.memory_space<semaphore_mem>> -> memref<!tpu.dma_semaphore, #tpu.memory_space<semaphore_mem>>
    %dma_wait3A_315 = arith.constant 24 : i32
    %dma_wait3A_316 = arith.constant 0 : i32
    %dma_wait3A_317 = arith.constant 0 : i32
    %dma_wait3A_318 = tpu.memref_slice %arg2[%dma_wait3A_315, %dma_wait3A_316, %dma_wait3A_317] : memref<64x96x1024xf32, #tpu.memory_space<any>> -> memref<8x96x1024xf32, #tpu.memory_space<any>>
    %dma_wait3A_319 = arith.constant 0 : i32
    %dma_wait3A_320 = arith.constant 0 : i32
    %dma_wait3A_321 = arith.constant 0 : i32
    %dma_wait3A_322 = tpu.memref_slice %arg4[%dma_wait3A_311, %dma_wait3A_319, %dma_wait3A_320, %dma_wait3A_321] : memref<4x8x96x1024xf32, #tpu.memory_space<vmem>> -> memref<1x8x96x1024xf32, #tpu.memory_space<vmem>>
    %dma_wait3A_323 = tpu.memref_squeeze %dma_wait3A_322 : memref<1x8x96x1024xf32, #tpu.memory_space<vmem>> -> memref<8x96x1024xf32, #tpu.memory_space<vmem>>
    tpu.wait_dma2 semaphore(%dma_wait3A_314 : memref<!tpu.dma_semaphore, #tpu.memory_space<semaphore_mem>>) src(%dma_wait3A_323 : memref<8x96x1024xf32, #tpu.memory_space<vmem>>) dst(%dma_wait3A_318 : memref<8x96x1024xf32, #tpu.memory_space<any>>)
    %get3A_324 = arith.constant 1 : index
    %get3A_325 = arith.constant 0 : index
    %get3A_326 = arith.constant 0 : index
    %get3A_327 = arith.constant 0 : index
    %get3A_328 = vector.load %arg3[%get3A_324, %get3A_325, %get3A_326, %get3A_327] : memref<4x8x96x1024xf32, #tpu.memory_space<vmem>>, vector<1x8x96x1024xf32>
    %get3A_329 = vector.shape_cast %get3A_328 : vector<1x8x96x1024xf32> to vector<8x96x1024xf32>
    %broadcast_in_dim3A_330 = vector.shape_cast %get3A_1 : vector<96x1024xf32> to vector<1x96x1024xf32>
    %add3A_331 = vector.broadcast %broadcast_in_dim3A_330 : vector<1x96x1024xf32> to vector<8x96x1024xf32>
    %add3A_332 = arith.addf %get3A_329, %add3A_331 : vector<8x96x1024xf32>
    %swap3A_333 = arith.constant 1 : index
    %swap3A_334 = arith.constant 0 : index
    %swap3A_335 = arith.constant 0 : index
    %swap3A_336 = arith.constant 0 : index
    %swap3A_337 = vector.load %arg4[%swap3A_333, %swap3A_334, %swap3A_335, %swap3A_336] : memref<4x8x96x1024xf32, #tpu.memory_space<vmem>>, vector<1x8x96x1024xf32>
    %swap3A_338 = vector.shape_cast %swap3A_337 : vector<1x8x96x1024xf32> to vector<8x96x1024xf32>
    %swap3A_339 = vector.shape_cast %add3A_332 : vector<8x96x1024xf32> to vector<1x8x96x1024xf32>
    tpu.vector_store %arg4[%swap3A_333, %swap3A_334, %swap3A_335, %swap3A_336], %swap3A_339 {strides = array<i32>} : memref<4x8x96x1024xf32, #tpu.memory_space<vmem>>, vector<1x8x96x1024xf32>,
    %dma_start3A_340 = arith.constant 1 : i32
    %dma_start3A_341 = arith.constant 1 : i32
    %dma_start3A_342 = tpu.memref_slice %arg6[%dma_start3A_341] : memref<4x!tpu.dma_semaphore, #tpu.memory_space<semaphore_mem>> -> memref<1x!tpu.dma_semaphore, #tpu.memory_space<semaphore_mem>>
    %dma_start3A_343 = tpu.memref_squeeze %dma_start3A_342 : memref<1x!tpu.dma_semaphore, #tpu.memory_space<semaphore_mem>> -> memref<!tpu.dma_semaphore, #tpu.memory_space<semaphore_mem>>
    %dma_start3A_344 = arith.constant 56 : i32
    %dma_start3A_345 = arith.constant 0 : i32
    %dma_start3A_346 = arith.constant 0 : i32
    %dma_start3A_347 = tpu.memref_slice %arg2[%dma_start3A_344, %dma_start3A_345, %dma_start3A_346] : memref<64x96x1024xf32, #tpu.memory_space<any>> -> memref<8x96x1024xf32, #tpu.memory_space<any>>
    %dma_start3A_348 = arith.constant 0 : i32
    %dma_start3A_349 = arith.constant 0 : i32
    %dma_start3A_350 = arith.constant 0 : i32
    %dma_start3A_351 = tpu.memref_slice %arg4[%dma_start3A_340, %dma_start3A_348, %dma_start3A_349, %dma_start3A_350] : memref<4x8x96x1024xf32, #tpu.memory_space<vmem>> -> memref<1x8x96x1024xf32, #tpu.memory_space<vmem>>
    %dma_start3A_352 = tpu.memref_squeeze %dma_start3A_351 : memref<1x8x96x1024xf32, #tpu.memory_space<vmem>> -> memref<8x96x1024xf32, #tpu.memory_space<vmem>>
    tpu.enqueue_dma source(%dma_start3A_352 : memref<8x96x1024xf32, #tpu.memory_space<vmem>>) target(%dma_start3A_347 : memref<8x96x1024xf32, #tpu.memory_space<any>>) target_semaphore(%dma_start3A_343 : memref<!tpu.dma_semaphore, #tpu.memory_space<semaphore_mem>>)
    %dma_wait3A_353 = arith.constant 2 : i32
    %dma_wait3A_354 = arith.constant 2 : i32
    %dma_wait3A_355 = tpu.memref_slice %arg6[%dma_wait3A_354] : memref<4x!tpu.dma_semaphore, #tpu.memory_space<semaphore_mem>> -> memref<1x!tpu.dma_semaphore, #tpu.memory_space<semaphore_mem>>
    %dma_wait3A_356 = tpu.memref_squeeze %dma_wait3A_355 : memref<1x!tpu.dma_semaphore, #tpu.memory_space<semaphore_mem>> -> memref<!tpu.dma_semaphore, #tpu.memory_space<semaphore_mem>>
    %dma_wait3A_357 = arith.constant 32 : i32
    %dma_wait3A_358 = arith.constant 0 : i32
    %dma_wait3A_359 = arith.constant 0 : i32
    %dma_wait3A_360 = tpu.memref_slice %arg2[%dma_wait3A_357, %dma_wait3A_358, %dma_wait3A_359] : memref<64x96x1024xf32, #tpu.memory_space<any>> -> memref<8x96x1024xf32, #tpu.memory_space<any>>
    %dma_wait3A_361 = arith.constant 0 : i32
    %dma_wait3A_362 = arith.constant 0 : i32
    %dma_wait3A_363 = arith.constant 0 : i32
    %dma_wait3A_364 = tpu.memref_slice %arg4[%dma_wait3A_353, %dma_wait3A_361, %dma_wait3A_362, %dma_wait3A_363] : memref<4x8x96x1024xf32, #tpu.memory_space<vmem>> -> memref<1x8x96x1024xf32, #tpu.memory_space<vmem>>
    %dma_wait3A_365 = tpu.memref_squeeze %dma_wait3A_364 : memref<1x8x96x1024xf32, #tpu.memory_space<vmem>> -> memref<8x96x1024xf32, #tpu.memory_space<vmem>>
    tpu.wait_dma2 semaphore(%dma_wait3A_356 : memref<!tpu.dma_semaphore, #tpu.memory_space<semaphore_mem>>) src(%dma_wait3A_365 : memref<8x96x1024xf32, #tpu.memory_space<vmem>>) dst(%dma_wait3A_360 : memref<8x96x1024xf32, #tpu.memory_space<any>>)
    %dma_wait3A_366 = arith.constant 3 : i32
    %dma_wait3A_367 = arith.constant 3 : i32
    %dma_wait3A_368 = tpu.memref_slice %arg6[%dma_wait3A_367] : memref<4x!tpu.dma_semaphore, #tpu.memory_space<semaphore_mem>> -> memref<1x!tpu.dma_semaphore, #tpu.memory_space<semaphore_mem>>
    %dma_wait3A_369 = tpu.memref_squeeze %dma_wait3A_368 : memref<1x!tpu.dma_semaphore, #tpu.memory_space<semaphore_mem>> -> memref<!tpu.dma_semaphore, #tpu.memory_space<semaphore_mem>>
    %dma_wait3A_370 = arith.constant 40 : i32
    %dma_wait3A_371 = arith.constant 0 : i32
    %dma_wait3A_372 = arith.constant 0 : i32
    %dma_wait3A_373 = tpu.memref_slice %arg2[%dma_wait3A_370, %dma_wait3A_371, %dma_wait3A_372] : memref<64x96x1024xf32, #tpu.memory_space<any>> -> memref<8x96x1024xf32, #tpu.memory_space<any>>
    %dma_wait3A_374 = arith.constant 0 : i32
    %dma_wait3A_375 = arith.constant 0 : i32
    %dma_wait3A_376 = arith.constant 0 : i32
    %dma_wait3A_377 = tpu.memref_slice %arg4[%dma_wait3A_366, %dma_wait3A_374, %dma_wait3A_375, %dma_wait3A_376] : memref<4x8x96x1024xf32, #tpu.memory_space<vmem>> -> memref<1x8x96x1024xf32, #tpu.memory_space<vmem>>
    %dma_wait3A_378 = tpu.memref_squeeze %dma_wait3A_377 : memref<1x8x96x1024xf32, #tpu.memory_space<vmem>> -> memref<8x96x1024xf32, #tpu.memory_space<vmem>>
    tpu.wait_dma2 semaphore(%dma_wait3A_369 : memref<!tpu.dma_semaphore, #tpu.memory_space<semaphore_mem>>) src(%dma_wait3A_378 : memref<8x96x1024xf32, #tpu.memory_space<vmem>>) dst(%dma_wait3A_373 : memref<8x96x1024xf32, #tpu.memory_space<any>>)
    %dma_wait3A_379 = arith.constant 0 : i32
    %dma_wait3A_380 = arith.constant 0 : i32
    %dma_wait3A_381 = tpu.memref_slice %arg6[%dma_wait3A_380] : memref<4x!tpu.dma_semaphore, #tpu.memory_space<semaphore_mem>> -> memref<1x!tpu.dma_semaphore, #tpu.memory_space<semaphore_mem>>
    %dma_wait3A_382 = tpu.memref_squeeze %dma_wait3A_381 : memref<1x!tpu.dma_semaphore, #tpu.memory_space<semaphore_mem>> -> memref<!tpu.dma_semaphore, #tpu.memory_space<semaphore_mem>>
    %dma_wait3A_383 = arith.constant 48 : i32
    %dma_wait3A_384 = arith.constant 0 : i32
    %dma_wait3A_385 = arith.constant 0 : i32
    %dma_wait3A_386 = tpu.memref_slice %arg2[%dma_wait3A_383, %dma_wait3A_384, %dma_wait3A_385] : memref<64x96x1024xf32, #tpu.memory_space<any>> -> memref<8x96x1024xf32, #tpu.memory_space<any>>
    %dma_wait3A_387 = arith.constant 0 : i32
    %dma_wait3A_388 = arith.constant 0 : i32
    %dma_wait3A_389 = arith.constant 0 : i32
    %dma_wait3A_390 = tpu.memref_slice %arg4[%dma_wait3A_379, %dma_wait3A_387, %dma_wait3A_388, %dma_wait3A_389] : memref<4x8x96x1024xf32, #tpu.memory_space<vmem>> -> memref<1x8x96x1024xf32, #tpu.memory_space<vmem>>
    %dma_wait3A_391 = tpu.memref_squeeze %dma_wait3A_390 : memref<1x8x96x1024xf32, #tpu.memory_space<vmem>> -> memref<8x96x1024xf32, #tpu.memory_space<vmem>>
    tpu.wait_dma2 semaphore(%dma_wait3A_382 : memref<!tpu.dma_semaphore, #tpu.memory_space<semaphore_mem>>) src(%dma_wait3A_391 : memref<8x96x1024xf32, #tpu.memory_space<vmem>>) dst(%dma_wait3A_386 : memref<8x96x1024xf32, #tpu.memory_space<any>>)
    %dma_wait3A_392 = arith.constant 1 : i32
    %dma_wait3A_393 = arith.constant 1 : i32
    %dma_wait3A_394 = tpu.memref_slice %arg6[%dma_wait3A_393] : memref<4x!tpu.dma_semaphore, #tpu.memory_space<semaphore_mem>> -> memref<1x!tpu.dma_semaphore, #tpu.memory_space<semaphore_mem>>
    %dma_wait3A_395 = tpu.memref_squeeze %dma_wait3A_394 : memref<1x!tpu.dma_semaphore, #tpu.memory_space<semaphore_mem>> -> memref<!tpu.dma_semaphore, #tpu.memory_space<semaphore_mem>>
    %dma_wait3A_396 = arith.constant 56 : i32
    %dma_wait3A_397 = arith.constant 0 : i32
    %dma_wait3A_398 = arith.constant 0 : i32
    %dma_wait3A_399 = tpu.memref_slice %arg2[%dma_wait3A_396, %dma_wait3A_397, %dma_wait3A_398] : memref<64x96x1024xf32, #tpu.memory_space<any>> -> memref<8x96x1024xf32, #tpu.memory_space<any>>
    %dma_wait3A_400 = arith.constant 0 : i32
    %dma_wait3A_401 = arith.constant 0 : i32
    %dma_wait3A_402 = arith.constant 0 : i32
    %dma_wait3A_403 = tpu.memref_slice %arg4[%dma_wait3A_392, %dma_wait3A_400, %dma_wait3A_401, %dma_wait3A_402] : memref<4x8x96x1024xf32, #tpu.memory_space<vmem>> -> memref<1x8x96x1024xf32, #tpu.memory_space<vmem>>
    %dma_wait3A_404 = tpu.memref_squeeze %dma_wait3A_403 : memref<1x8x96x1024xf32, #tpu.memory_space<vmem>> -> memref<8x96x1024xf32, #tpu.memory_space<vmem>>
    tpu.wait_dma2 semaphore(%dma_wait3A_395 : memref<!tpu.dma_semaphore, #tpu.memory_space<semaphore_mem>>) src(%dma_wait3A_404 : memref<8x96x1024xf32, #tpu.memory_space<vmem>>) dst(%dma_wait3A_399 : memref<8x96x1024xf32, #tpu.memory_space<any>>)
    return
  }
}

</mosaic_0001>

<sc_bundles>
// kernel: kernel.4.cloned.1.call-start
scs
__scs_entry_jumppad:
0x0: {  	(pc) =	sbr.rel $0x88, $3  }
0x1: {  	(tag) =	ssettag $0x0;
	lr =	simm.s32 $0x1  }
0x2: {  	[smem:$0x3F9F] =	sst lr;
	_ =	strace $0xD0000000  }
0x3: {  	_ = 	snop  }
0x4: {  	_ = 	snop  }
0x5: {  	_ = 	snop  }
0x6: {  	_ = 	snop  }
0x7: {  	_ = 	snop  }
__scs_overlays_trampoline_lowered:
0x8: {  	[smem:$0x3FAE] =	sst s0  }
0x9: {  	[smem:$0x3FAF] =	sst s1  }
0xa: {  	[smem:$0x3FB0] =	sst s2  }
0xb: {  	[smem:$0x3FB1] =	sst s3  }
0xc: {  	[smem:$0x3FB2] =	sst s4  }
0xd: {  	[smem:$0x3FB3] =	sst s5  }
0xe: {  	[smem:$0x3FB4] =	sst s6  }
0xf: {  	[smem:$0x3FB5] =	sst s7  }
0x10: {  	[smem:$0x3FB6] =	sst s8  }
0x11: {  	[smem:$0x3FB7] =	sst s9;
	s0 =	simm.s32 @!p0 $0x0  }
0x12: {  	s1 =	sld [smem:$0x3F9D];
	s0 =	simm.s32 @p0 $0x1  }
0x13: {  	[smem:$0x3FB8] =	sst s0;
	s0 =	simm.s32 @!p1 $0x0  }
0x14: {  	s2 =	sld [smem:$0x3F9C];
	s0 =	simm.s32 @p1 $0x1  }
0x15: {  	[smem:$0x3FB9] =	sst s0;
	s0 =	simm.s32 @!p2 $0x0  }
0x16: {  	s3 =	sld [smem:$0x3FDB];
	s0 =	simm.s32 @p2 $0x1  }
0x17: {  	s4 =	simm.s32 $0x1BF5;
	[smem:$0x3FBB] =	sst s0  }
0x18: {  	s0 =	sld [smem:$0x3F9E];
	_ =	swait.ge [sflag:s4], $0x0  }
0x19: {  	s7 =	sld [smem:$0x3F9F]  }
0x1a: {  	s8 =	sadd.s32 $0xFFFFE003, lr  }
0x1b: {  	s9 =	sadd.s32 $0xFFFFFEF7, lr;
	s5 =	simm.s32 $0xFFFFFFFF;
	p2 =	slt.u32 s8, $0xFFFFF086  }
0x1c: {  	p1 =	slt.u32 s9, $0xF7A;
	s5 =	simm.s32 @!p2 $0x0  }
0x1d: {  	s5 =	simm.s32 @p1 $0x1;
	p0 =	seq.s32 s7, s2  }
0x1e: {  	s7 =	smul.u32 @!p0 $0xF7A, s2;
	p2 =	seq.s32 @!p0 s5, $0x0  }
0x1f: {  	s9 =	smul.u32 $0xF7A, s1;
	s8 =	simm.s32 @!p0 $0x1BF5;
	p2 =	por !p2, p0  }
0x20: {  	[sflag:s8] =	ssyncset.s32 @!p0 $0xFFFFF086;
	s6 =	sadd.s32 @!p0 s3, s7;
	s7 =	simm.s32 @!p0 $0x108  }
0x21: {  	s3 =	sadd.s32 s3, s9;
	s6 =	sadd.s32 @!p0 $0x88, s6;
	s7 =	simm.s32 @p2 $0x1082  }
0x22: {  	[simem:s7], [sflag:s8] =	dma.local @!p0 [hbm:s6], $0xF7A  }
0x23: {  	s9 =	sor.u32 $0xD0000000, s2;
	s6 =	simm.s32 $0x108;
	_ =	swait.ge @!p0 [sflag:s8], $0x0  }
0x24: {  	s3 =	sadd.s32 $0x88, s3;
	s6 =	simm.s32 @!p1 $0x1082;
	[sflag:s4] =	ssyncset.s32 $0xFFFFF086  }
0x25: {  	[simem:s6], [sflag:s4] =	dma.local [hbm:s3], $0xF7A  }
0x26: {  	[smem:$0x3F9F] =	sst s1;
	(tag) =	ssettag s2;
	_ =	strace s9  }
0x27: {  	s1 =	sld [smem:$0x3FAF]  }
0x28: {  	s2 =	sld [smem:$0x3FB0]  }
0x29: {  	s4 =	sld [smem:$0x3FB2]  }
0x2a: {  	p0 =	seq.s32 s5, $0x0;
	s5 =	sld [smem:$0x3FB3]  }
0x2b: {  	s6 =	sld [smem:$0x3FB4]  }
0x2c: {  	s7 =	sld [smem:$0x3FB5]  }
0x2d: {  	s3 =	simm.s32 $0x108;
	s8 =	sld [smem:$0x3FB6]  }
0x2e: {  	s3 =	simm.s32 @!p0 $0x1082;
	s9 =	sld [smem:$0x3FB7]  }
0x2f: {  	lr =	sadd.s32 s0, s3;
	s0 =	sld [smem:$0x3FAE]  }
0x30: {  	s3 =	sld [smem:$0x3FB1]  }
0x31: {  	[smem:$0x3FBA] =	sst s10  }
0x32: {  	s10 =	sld [smem:$0x3FB8];
	_ =	sdelay $0x3  }
0x33: {  	p0 =	seq.s32 s10, $0x1;
	s10 =	sld [smem:$0x3FBA];
	_ =	sdelay $0x3  }
0x34: {  	[smem:$0x3FBA] =	sst s10  }
0x35: {  	s10 =	sld [smem:$0x3FB9];
	_ =	sdelay $0x3  }
0x36: {  	p1 =	seq.s32 s10, $0x1;
	s10 =	sld [smem:$0x3FBA];
	_ =	sdelay $0x3  }
0x37: {  	[smem:$0x3FBA] =	sst s10  }
0x38: {  	s10 =	sld [smem:$0x3FBB]  }
0x39: {  	_ = 	snop;
	(pc) =	sbr.ind lr, $3  }
0x3a: {  	_ = 	snop  }
0x3b: {  	_ = 	snop  }
0x3c: {  	p2 =	seq.s32 s10, $0x1;
	s10 =	sld [smem:$0x3FBA]  }
0x3d: {  	_ =	shalt  }
0x3e: {  	_ =	shalt  }
0x3f: {  	_ =	shalt  }
0x40: {  	_ =	shalt  }
0x41: {  	_ =	shalt  }
0x42: {  	_ =	shalt  }
0x43: {  	_ =	shalt  }
0x44: {  	_ =	shalt  }
0x45: {  	_ =	shalt  }
0x46: {  	_ =	shalt  }
0x47: {  	_ =	shalt  }
0x48: {  	_ =	shalt  }
0x49: {  	_ =	shalt  }
0x4a: {  	_ =	shalt  }
0x4b: {  	_ =	shalt  }
0x4c: {  	_ =	shalt  }
0x4d: {  	_ =	shalt  }
0x4e: {  	_ =	shalt  }
0x4f: {  	_ =	shalt  }
0x50: {  	_ =	shalt  }
0x51: {  	_ =	shalt  }
0x52: {  	_ =	shalt  }
0x53: {  	_ =	shalt  }
0x54: {  	_ =	shalt  }
0x55: {  	_ =	shalt  }
0x56: {  	_ =	shalt  }
0x57: {  	_ =	shalt  }
0x58: {  	_ =	shalt  }
0x59: {  	_ =	shalt  }
0x5a: {  	_ =	shalt  }
0x5b: {  	_ =	shalt  }
0x5c: {  	_ =	shalt  }
0x5d: {  	_ =	shalt  }
0x5e: {  	_ =	shalt  }
0x5f: {  	_ =	shalt  }
0x60: {  	_ =	shalt  }
0x61: {  	_ =	shalt  }
0x62: {  	_ =	shalt  }
0x63: {  	_ =	shalt  }
0x64: {  	_ =	shalt  }
0x65: {  	_ =	shalt  }
0x66: {  	_ =	shalt  }
0x67: {  	_ =	shalt  }
0x68: {  	_ =	shalt  }
0x69: {  	_ =	shalt  }
0x6a: {  	_ =	shalt  }
0x6b: {  	_ =	shalt  }
0x6c: {  	_ =	shalt  }
0x6d: {  	_ =	shalt  }
0x6e: {  	_ =	shalt  }
0x6f: {  	_ =	shalt  }
0x70: {  	_ =	shalt  }
0x71: {  	_ =	shalt  }
0x72: {  	_ =	shalt  }
0x73: {  	_ =	shalt  }
0x74: {  	_ =	shalt  }
0x75: {  	_ =	shalt  }
0x76: {  	_ =	shalt  }
0x77: {  	_ =	shalt  }
0x78: {  	_ =	shalt  }
0x79: {  	_ =	shalt  }
0x7a: {  	_ =	shalt  }
0x7b: {  	_ =	shalt  }
0x7c: {  	_ =	shalt  }
0x7d: {  	_ =	shalt  }
0x7e: {  	_ =	shalt  }
0x7f: {  	_ =	shalt  }
0x80: {  	_ =	shalt  }
0x81: {  	_ =	shalt  }
0x82: {  	_ =	shalt  }
0x83: {  	_ =	shalt  }
0x84: {  	_ =	shalt  }
0x85: {  	_ =	shalt  }
0x86: {  	_ =	shalt  }
0x87: {  	_ =	shalt  }
.Lfunc_end0:
.L_simem_size_0:
called_computation_lowered:
.L_overlay_start_0:
0x88: {  	s2 =	sld [smem:$0x3FD9]  }
0x89: {  	s3 =	sld [smem:$0x3FFE];
	_ =	sdelay $0x1  }
0x8a: {  	s1 =	srdreg.scid  }
0x8b: {  	s0 =	sand.u32 $0x1, s1  }
0x8c: {  	s17 =	sshll.u32 s0, $0xA;
	s2 =	sadd.s32 s3, s2  }
0x8d: {  	s2 =	sadd.s32 s2, s17  }
0x8e: {  	[smem:$0x3FC6] =	sst s2  }
0x8f: {  	_ = 	snop  }
0x90: {  	s2 =	sld [smem:$0x3FC9]  }
0x91: {  	s18 =	sld [smem:$0x3FC8];
	(tm) =	ssettm $0x1  }
0x92: {  	s4 =	sld [smem:$0x3FFB];
	_ =	sdelay $0x3  }
0x93: {  	_ =	strace s4  }
0x94: {  	s4 =	sld [smem:$0x3FFC];
	_ =	sdelay $0x3  }
0x95: {  	_ =	strace s4  }
0x96: {  	s4 =	sld [smem:$0x3FFD];
	_ =	sdelay $0x3  }
0x97: {  	_ =	strace s4  }
0x98: {  	_ =	strace $0x8FFFFFFF  }
0x99: {  	s19 =	sld [smem:$0x3FDB];
	_ =	sdelay $0x1  }
0x9a: {  	s5 =	simm.s32 $_scs_section_size  }
0x9b: {  	s6 =	simm.s32 $_size__tile_overlayer_lowered;
	s7 =	simm.s32 $_tile_overlayer_lowered  }
0x9c: {  	s22 =	simm.s32 $0x1BFF;
	s21 =	sshll.u32 s7, $0x1;
	s4 =	sadd.s32 s5, s19  }
0x9d: {  	s8 =	simm.s32 $0x0;
	s20 =	sshll.u32 s6, $0x1;
	s6 =	sadd.s32 s21, s4  }
0x9e: {  	[timem:s8], [sflag:s22] =	dma.local [hbm:s6], s20  }
0x9f: {  	_ =	swait.ge [sflag:s22], s20  }
0xa0: {  	s5 =	ssub.s32 $0x0, s20;
	[sflag:s22] =	ssyncset.done $0x0  }
0xa1: {  	[sflag:s22] =	ssyncadd.s32 s5;
	_ =	sdelay $0x1  }
0xa2: {  	s23 =	simm.s32 $0x1B8B  }
0xa3: {  	_ =	swait.ge [sflag:s23], $0x1  }
0xa4: {  	[sflag:s23] =	ssyncset.done $0x0  }
0xa5: {  	s25 =	simm.s32 $0x1B8E;
	s24 =	sld [smem:$0x3FFE];
	[sflag:s23] =	ssyncadd.s32 $0xFFFFFFFF  }
0xa6: {  	s26 =	simm.s32 $execute0_lowered;
	[smem:$0x3FD2] =	sst s25  }
0xa7: {  	s6 =	sshll.u32 s26, $0x1;
	_ =	strace $0x80000046;
	[dreg:$0x1] =	wrdreg $0xFFFFFFFF  }
0xa8: {  	s28 =	simm.s32 $_size_execute0_lowered;
	s4 =	sadd.s32 s4, s6;
	[dreg:$0x0] =	wrdreg $0x0  }
0xa9: {  	s6 =	sshll.u32 s28, $0x1;
	[dreg:$0x2] =	wrdreg s4  }
0xaa: {  	[dreg:$0x3] =	wrdreg s6  }
0xab: {  	[dreg:$0x4] =	wrdreg $0xC0  }
0xac: {  	_ =	task [dreg:s8], $0x5FFFF  }
0xad: {  	[dreg:$0x1] =	wrdreg $0xFFFFFFFF  }
0xae: {  	[dreg:$0x0] =	wrdreg $0x60  }
0xaf: {  	[dreg:$0x2] =	wrdreg s2  }
0xb0: {  	[dreg:$0x3] =	wrdreg s18  }
0xb1: {  	[dreg:$0x4] =	wrdreg s24  }
0xb2: {  	[dreg:$0x5] =	wrdreg $0x9  }
0xb3: {  	_ =	task.clear_ibuf [dreg:s8], $0x6FFFF;
	_ =	strace $0x90000046  }
0xb4: {  	s29 =	simm.s32 $0x9;
	_ =	strace $0x80000048  }
0xb5: {  	_ =	swait.ge [sflag:s29], $0x1  }
0xb6: {  	[sflag:s29] =	ssyncadd.s32 $0xFFFFFFFF  }
0xb7: {  	_ =	strace $0x90000048  }
0xb8: {  	_ =	sfence  }
0xb9: {  	s30 =	sld [smem:$0x0];
	_ =	sdelay $0x2  }
0xba: {  	s31 =	sshll.u32 s1, $0xD;
	s1 =	sshrl.u32 s1, $0x2  }
0xbb: {  	s3 =	sand.u32 $0x4000, s31;
	s1 =	sadd.s32 s1, s30  }
0xbc: {  	s0 =	sor.u32 s3, s0;
	s1 =	sshll.u32 s1, $0x11  }
0xbd: {  	s0 =	sor.u32 s1, s0  }
0xbe: {  	s0 =	sadd.s32 $0x8F2B, s0  }
0xbf: {  	[sflag:s0] =	ssyncadd.remote.s32 $0x1  }
0xc0: {  	_ =	sfence.sel $0xFFFF  }
0xc1: {  	[dreg:$0x0] =	wrdreg $0xFFFFFFFF;
	(pc) =	sbr.abs _section_cstart, $3  }
0xc2: {  	[dreg:$0x1] =	wrdreg $0xFFFFFFFF  }
0xc3: {  	_ =	task.clear_ibuf [dreg:s8], $0x2FFFF;
	_ =	strace $0x9FFFFFFF  }
0xc4: {  	(tm) =	ssettm $0x7FFFFFFF  }
0xc5: {  	_ =	shalt  }
tec
execute0_lowered:
.L_overlay_start_1:
0x0: {  	(tag) =	ssettag $0x1  }
0x1: {  	s0 =	rddreg [dreg:$0x0];
	s7 =	stileid.u32  }
0x2: {  	s1 =	rddreg [dreg:$0x1];
	s2 =	srdreg.scid  }
0x3: {  	s4 =	rddreg [dreg:$0x2];
	s14 =	simm.s32 $0x18000;
	s15 =	simm.s32 $0x4000  }
0x4: {  	s17 =	simm.s32 $0x3;
	s18 =	simm.s32 $0x1;
	s19 =	simm.s32 $0xC000  }
0x5: {  	s20 =	simm.s32 $0x4;
	s21 =	simm.s32 $0x2;
	s3 =	sshll.u32 s7, $0x1  }
0x6: {  	s5 =	sand.u32 $0x1, s2;
	s2 =	simm.s32 $0x0;
	s24 =	sshrl.u32 s7, $0x1  }
0x7: {  	s11 =	sadd.s32 $0x600, s4;
	s23 =	sand.u32 $0x2, s3;
	[smem:$0x7FF] =	sst s2  }
0x8: {  	s7 =	smul.u32 $0x30000, s24;
	s3 =	sor.u32 s5, s23;
	s5 =	ssub.s32 $0x2, s5  }
0x9: {  	s24 =	simm.s32 $0x6;
	s6 =	smul.u32 $0x6000, s3;
	s25 =	sshrl.u32 s5, $0x1  }
0xa: {  	_ =	strace $0x80000047;
	s23 =	simm.s32 $0x5;
	s12 =	ssub.s32 s5, s25  }
0xb: {  	s25 =	simm.s32 $0x0;
	s26 =	sadd.s32 s7, s6;
	s28 =	sshrl.u32 s6, $0x3  }
0xc: {  	s29 =	sadd.s32 $0x2000, s6;
	s31 =	sadd.s32 $0x4000, s6;
	s12 =	smax.u32 s12, $0x1  }
0xd: {  	s8 =	sshrl.u32 s26, $0x3;
	s30 =	sadd.s32 s1, s28;
	s9 =	sadd.s32 s7, s29  }
0xe: {  	s5 =	sshrl.u32 s29, $0x3;
	s13 =	sadd.s32 s7, s31;
	[dreg:$0x4] =	wrdreg s30  }
0xf: {  	s4 =	sadd.s32 s0, s8;
	s10 =	sshrl.u32 s9, $0x3;
	s5 =	sadd.s32 s1, s5  }
0x10: {  	s7 =	sadd.s32 s11, s8;
	s13 =	sshrl.u32 s13, $0x3;
	s9 =	sshrl.u32 s31, $0x3  }
0x11: {  	s6 =	sadd.s32 s0, s10;
	s8 =	sadd.s32 s0, s13;
	s9 =	sadd.s32 s1, s9  }
0x12: {  	s10 =	sadd.s32 s11, s10;
	s11 =	sadd.s32 s11, s13;
	s13 =	simm.s32 $0x2000  }
.LBB2_1:
0x13: {  	s0 =	rddreg [dreg:$0x4]  }
0x14: {  	[tilespmem:s2], [sflag:$0x1] =	stream.linear.gather [hbm4b:s0+s2], $0x2000, $0x38;
	[tilespmem:$0x14000] =	vst v63  }
0x15: {  	_ = 	snop  }
0x16: {  	[tilespmem:s15], [sflag:$0x3] =	stream.strided.gather [hbm4b:s4+s13], $0x4000, s14, s13, $0x38;
	[tilespmem:$0x14000] =	vst v63  }
0x17: {  	_ = 	snop  }
0x18: {  	[tilespmem:s13], [sflag:$0x2] =	stream.linear.gather [hbm4b:s5+s2], $0x2000, $0x38;
	[tilespmem:$0x14000] =	vst v63  }
0x19: {  	s22 =	simm.s32 $0x8000  }
0x1a: {  	[tilespmem:s22], [sflag:$0x4] =	stream.strided.gather [hbm4b:s6+s13], $0x4000, s14, s13, $0x38;
	[tilespmem:$0x14000] =	vst v63  }
0x1b: {  	_ =	swait.ge [sflag:s17], $0x4000  }
0x1c: {  	[sflag:s17] =	ssyncset.done $0x0  }
0x1d: {  	[sflag:s17] =	ssyncadd.s32 $0xFFFFC000  }
0x1e: {  	_ =	swait.ge [sflag:s18], $0x2000  }
0x1f: {  	s26 =	sand.u32 $0x1C00, s2;
	s1 =	sand.u32 $0x380, s2;
	[sflag:s18] =	ssyncset.done $0x0  }
0x20: {  	s26 =	sor.u32 s1, s26;
	[sflag:s18] =	ssyncadd.s32 $0xFFFFE000  }
0x21: {  	v1 =	vld [tilespmem:s26+$0x6020]  }
0x22: {  	v6 =	vld [tilespmem:s26+$0x4020]  }
0x23: {  	v7 =	vld [tilespmem:s26+$0x20]  }
0x24: {  	v2 =	vld [tilespmem:s26+$0x6030]  }
0x25: {  	v3 =	vld [tilespmem:s26+$0x30]  }
0x26: {  	v4 =	vld [tilespmem:s26+$0x4010]  }
0x27: {  	v5 =	vld [tilespmem:s26+$0x4030]  }
0x28: {  	v8 =	vld [tilespmem:s26+$0x10]  }
0x29: {  	v0 =	vld [tilespmem:s26+$0x4000]  }
0x2a: {  	v9 =	vld [tilespmem:s26+$0x0]  }
0x2b: {  	v10 =	vld [tilespmem:s26+$0x6010]  }
0x2c: {  	v11 =	vld [tilespmem:s26+$0x6000]  }
0x2d: {  	v12 =	vld [tilespmem:s26+$0x4050]  }
0x2e: {  	v13 =	vld [tilespmem:s26+$0x60]  }
0x2f: {  	v15 =	vld [tilespmem:s26+$0x4060];
	v14 =	vadd.f32 v0, v9  }
0x30: {  	v63 =	vld [tilespmem:s26+$0x6060];
	v4 =	vadd.f32 v4, v8  }
0x31: {  	v0 =	vld [tilespmem:s26+$0x50];
	v2 =	vadd.f32 v2, v3;
	[tilespmem:s26+$0xC000] =	vst v14  }
0x32: {  	v3 =	vadd.f32 v5, v3;
	[tilespmem:s26+$0xC010] =	vst v4;
	v4 =	vld [tilespmem:s26+$0x6050]  }
0x33: {  	v9 =	vadd.f32 v11, v9;
	v5 =	vld [tilespmem:s26+$0x4040];
	[tilespmem:s26+$0xE030] =	vst v2  }
0x34: {  	v2 =	vld [tilespmem:s26+$0x6040];
	[tilespmem:s26+$0xC030] =	vst v3;
	v3 =	vadd.f32 v10, v8;
	v10 =	vadd.f32 v6, v7  }
0x35: {  	s28 =	simm.s32 $0x0;
	s30 =	simm.s32 $0x1;
	s31 =	simm.s32 $0x0;
	v1 =	vadd.f32 v1, v7;
	[tilespmem:s26+$0xE000] =	vst v9;
	v6 =	vld [tilespmem:s26+$0x40];
	v8 =	vadd.f32 v15, v13  }
0x36: {  	s29 =	simm.s32 $0x0;
	s1 =	simm.s32 $0x0;
	s0 =	simm.s32 $0x0;
	v9 =	vadd.f32 v63, v13;
	[tilespmem:s26+$0xC020] =	vst v10;
	v7 =	vadd.f32 v12, v0  }
.LBB2_2:
0x37: {  	s28 =	sadd.s32 $0x8, s28;
	[tilespmem:s26+$0xE010] =	vst v3;
	v0 =	vadd.f32 v4, v0;
	s1 =	sadd.s32 $0x400, s1;
	s0 =	sadd.s32 $0x10, s0  }
0x38: {  	p0 =	slt.u32 s28, $0x1F8;
	[tilespmem:s26+$0xC060] =	vst v8  }
0x39: {  	[tilespmem:s26+$0xE060] =	vst v9  }
0x3a: {  	v3 =	vadd.f32 v5, v6;
	v2 =	vadd.f32 v2, v6;
	[tilespmem:s26+$0xE050] =	vst v0  }
0x3b: {  	s16 =	sand.u32 $0x7, s31;
	s31 =	smov.u32 s30;
	[tilespmem:s26+$0xC050] =	vst v7  }
0x3c: {  	s16 =	sshll.u32 s16, $0xA;
	[tilespmem:s26+$0xC040] =	vst v3  }
0x3d: {  	s16 =	sadd.s32 s16, s29;
	s29 =	smov.u32 s0;
	[tilespmem:s26+$0xE020] =	vst v1  }
0x3e: {  	[tilespmem:s26+$0xE040] =	vst v2;
	s26 =	sor.u32 $0x70, s16  }
0x3f: {  	v0 =	vld [tilespmem:s26+$0x0]  }
0x40: {  	v1 =	vld [tilespmem:s26+$0x4000];
	_ =	sdelay $0x4  }
0x41: {  	v1 =	vadd.f32 v1, v0  }
0x42: {  	s16 =	sor.u32 $0x2070, s16  }
0x43: {  	[tilespmem:s26+$0xC000] =	vst v1  }
0x44: {  	v1 =	vld [tilespmem:s16+$0x4000];
	_ =	sdelay $0x4  }
0x45: {  	s22 =	sand.u32 $0x380, s0;
	s26 =	sand.u32 $0x1C00, s1;
	v0 =	vadd.f32 v1, v0  }
0x46: {  	s26 =	sor.u32 s22, s26  }
0x47: {  	[tilespmem:s16+$0xC000] =	vst v0  }
0x48: {  	v1 =	vld [tilespmem:s26+$0x6020]  }
0x49: {  	v5 =	vld [tilespmem:s26+$0x4020]  }
0x4a: {  	v6 =	vld [tilespmem:s26+$0x20]  }
0x4b: {  	v2 =	vld [tilespmem:s26+$0x6030]  }
0x4c: {  	v4 =	vld [tilespmem:s26+$0x30]  }
0x4d: {  	v0 =	vld [tilespmem:s26+$0x4010]  }
0x4e: {  	v7 =	vld [tilespmem:s26+$0x4030]  }
0x4f: {  	v3 =	vld [tilespmem:s26+$0x10]  }
0x50: {  	v8 =	vld [tilespmem:s26+$0x4000]  }
0x51: {  	v9 =	vld [tilespmem:s26+$0x0]  }
0x52: {  	v10 =	vld [tilespmem:s26+$0x6010]  }
0x53: {  	v11 =	vld [tilespmem:s26+$0x6000]  }
0x54: {  	v12 =	vld [tilespmem:s26+$0x4050]  }
0x55: {  	v13 =	vld [tilespmem:s26+$0x60]  }
0x56: {  	v14 =	vadd.f32 v0, v3;
	v8 =	vadd.f32 v8, v9;
	v0 =	vld [tilespmem:s26+$0x50]  }
0x57: {  	v3 =	vadd.f32 v10, v3;
	v10 =	vld [tilespmem:s26+$0x4060]  }
0x58: {  	v2 =	vadd.f32 v2, v4;
	v7 =	vadd.f32 v7, v4;
	[tilespmem:s26+$0xC000] =	vst v8;
	v15 =	vld [tilespmem:s26+$0x6060]  }
.Ltmp0:
0x59: {  	v8 =	vadd.f32 v11, v9;
	[tilespmem:s26+$0xC010] =	vst v14;
	v4 =	vld [tilespmem:s26+$0x6050];
	(pc) =	sbr.rel @p0 .LBB2_2-.Ltmp0, $4  }
0x5a: {  	[tilespmem:s26+$0xE030] =	vst v2;
	v2 =	vld [tilespmem:s26+$0x6040]  }
0x5b: {  	v1 =	vadd.f32 v1, v6;
	v9 =	vadd.f32 v5, v6;
	[tilespmem:s26+$0xC030] =	vst v7;
	v5 =	vld [tilespmem:s26+$0x4040]  }
0x5c: {  	[tilespmem:s26+$0xE000] =	vst v8;
	v6 =	vld [tilespmem:s26+$0x40];
	v8 =	vadd.f32 v10, v13  }
0x5d: {  	s30 =	sadd.s32 $0x1, s30;
	v7 =	vadd.f32 v12, v0;
	[tilespmem:s26+$0xC020] =	vst v9;
	v9 =	vadd.f32 v15, v13  }
0x5e: {  	[tilespmem:s26+$0xE010] =	vst v3  }
0x5f: {  	[tilespmem:s26+$0xC060] =	vst v8  }
0x60: {  	[tilespmem:s26+$0xE020] =	vst v1  }
0x61: {  	v0 =	vadd.f32 v4, v0;
	[tilespmem:s26+$0xE060] =	vst v9  }
0x62: {  	s0 =	sand.u32 $0x7, s31;
	[tilespmem:s26+$0xC050] =	vst v7;
	v3 =	vadd.f32 v5, v6  }
0x63: {  	s0 =	sshll.u32 s0, $0xA;
	[tilespmem:s26+$0xE050] =	vst v0;
	v0 =	vadd.f32 v2, v6  }
0x64: {  	s0 =	sadd.s32 s0, s29;
	[tilespmem:s26+$0xC040] =	vst v3  }
0x65: {  	s1 =	sor.u32 $0x70, s0;
	[tilespmem:s26+$0xE040] =	vst v0  }
0x66: {  	v0 =	vld [tilespmem:s1+$0x0]  }
0x67: {  	v1 =	vld [tilespmem:s1+$0x4000];
	_ =	sdelay $0x4  }
0x68: {  	v1 =	vadd.f32 v1, v0;
	_ =	sdelay $0x1  }
0x69: {  	s0 =	sor.u32 $0x2070, s0;
	[tilespmem:s1+$0xC000] =	vst v1  }
0x6a: {  	v1 =	vld [tilespmem:s0+$0x4000];
	_ =	sdelay $0x4  }
0x6b: {  	v0 =	vadd.f32 v1, v0;
	_ =	sdelay $0x1  }
0x6c: {  	[tilespmem:s0+$0xC000] =	vst v0  }
0x6d: {  	[hbm4b:s7+s13] =	stream.strided.scatter [tilespmem:s19], [sflag:$0x5], $0x4000, s14, s13, $0x38;
	[tilespmem:$0x14000] =	vst v63  }
0x6e: {  	_ = 	snop  }
0x6f: {  	[tilespmem:s15], [sflag:$0x3] =	stream.strided.gather [hbm4b:s8+s13], $0x4000, s14, s13, $0x38;
	[tilespmem:$0x14000] =	vst v63  }
0x70: {  	s29 =	simm.s32 $0x0  }
0x71: {  	[tilespmem:s29], [sflag:$0x1] =	stream.linear.gather [hbm4b:s9+s29], $0x2000, $0x38;
	[tilespmem:$0x14000] =	vst v63  }
0x72: {  	_ =	swait.ge [sflag:s20], $0x4000  }
0x73: {  	[sflag:s20] =	ssyncset.done $0x0  }
0x74: {  	[sflag:s20] =	ssyncadd.s32 $0xFFFFC000  }
0x75: {  	_ =	swait.ge [sflag:s21], $0x2000  }
0x76: {  	s22 =	sand.u32 $0x1C00, s29;
	s26 =	sand.u32 $0x380, s29;
	[sflag:s21] =	ssyncset.done $0x0  }
0x77: {  	s26 =	sor.u32 s26, s22;
	[sflag:s21] =	ssyncadd.s32 $0xFFFFE000  }
0x78: {  	v1 =	vld [tilespmem:s26+$0xA000]  }
0x79: {  	v7 =	vld [tilespmem:s26+$0x8030]  }
0x7a: {  	v5 =	vld [tilespmem:s26+$0xA030]  }
0x7b: {  	v2 =	vld [tilespmem:s26+$0xA060]  }
0x7c: {  	v0 =	vld [tilespmem:s26+$0x2040]  }
0x7d: {  	v10 =	vld [tilespmem:s26+$0x2030]  }
0x7e: {  	v12 =	vld [tilespmem:s26+$0xA040]  }
0x7f: {  	v6 =	vld [tilespmem:s26+$0x2010]  }
0x80: {  	v8 =	vld [tilespmem:s26+$0x8010]  }
0x81: {  	v3 =	vld [tilespmem:s26+$0x8000]  }
0x82: {  	v4 =	vld [tilespmem:s26+$0x8060]  }
0x83: {  	s31 =	simm.s32 $0x0;
	s30 =	simm.s32 $0x0;
	v9 =	vld [tilespmem:s26+$0xA010];
	v11 =	vadd.f32 v5, v10  }
0x84: {  	s28 =	simm.s32 $0x0;
	s1 =	simm.s32 $0x1;
	s0 =	simm.s32 $0x0;
	v5 =	vadd.f32 v12, v0;
	v10 =	vadd.f32 v7, v10;
	v7 =	vld [tilespmem:s26+$0x2060]  }
.LBB2_4:
0x85: {  	s31 =	sadd.s32 $0x8, s31;
	v12 =	vld [tilespmem:s26+$0x2000];
	[tilespmem:s26+$0x12030] =	vst v11;
	s29 =	sadd.s32 $0x400, s29;
	s0 =	sadd.s32 $0x10, s0  }
0x86: {  	p0 =	slt.u32 s31, $0x1F8;
	v11 =	vld [tilespmem:s26+$0xA020]  }
0x87: {  	v8 =	vadd.f32 v8, v6;
	[tilespmem:s26+$0x10030] =	vst v10;
	v10 =	vld [tilespmem:s26+$0xA050]  }
0x88: {  	v6 =	vadd.f32 v9, v6;
	v9 =	vld [tilespmem:s26+$0x2050]  }
0x89: {  	[tilespmem:s26+$0x10010] =	vst v8;
	v8 =	vld [tilespmem:s26+$0x8050];
	v4 =	vadd.f32 v4, v7;
	v2 =	vadd.f32 v2, v7  }
0x8a: {  	v3 =	vadd.f32 v3, v12;
	v1 =	vadd.f32 v1, v12;
	v7 =	vld [tilespmem:s26+$0x8020]  }
0x8b: {  	[tilespmem:s26+$0x12010] =	vst v6;
	v6 =	vld [tilespmem:s26+$0x2020]  }
0x8c: {  	[tilespmem:s26+$0x12000] =	vst v1  }
0x8d: {  	v1 =	vld [tilespmem:s26+$0x8040];
	[tilespmem:s26+$0x12040] =	vst v5;
	v5 =	vadd.f32 v10, v9  }
0x8e: {  	v8 =	vadd.f32 v8, v9;
	[tilespmem:s26+$0x12060] =	vst v2  }
0x8f: {  	[tilespmem:s26+$0x12050] =	vst v5  }
0x90: {  	v2 =	vadd.f32 v7, v6;
	v5 =	vadd.f32 v11, v6;
	[tilespmem:s26+$0x10050] =	vst v8  }
0x91: {  	[tilespmem:s26+$0x10060] =	vst v4  }
0x92: {  	s16 =	sand.u32 $0x7, s30;
	s30 =	smov.u32 s1;
	[tilespmem:s26+$0x12020] =	vst v5;
	v0 =	vadd.f32 v1, v0  }
0x93: {  	s16 =	sshll.u32 s16, $0xA;
	[tilespmem:s26+$0x10000] =	vst v3  }
0x94: {  	s16 =	sadd.s32 s16, s28;
	s28 =	smov.u32 s0;
	[tilespmem:s26+$0x10040] =	vst v0  }
0x95: {  	s22 =	sor.u32 $0x4070, s16;
	[tilespmem:s26+$0x10020] =	vst v2;
	v0 =	vld [tilespmem:s26+$0x2070]  }
0x96: {  	v1 =	vld [tilespmem:s22+$0x4000];
	_ =	sdelay $0x3  }
0x97: {  	s3 =	sand.u32 $0x380, s0;
	s26 =	sand.u32 $0x1C00, s29  }
0x98: {  	s26 =	sor.u32 s3, s26;
	v1 =	vadd.f32 v1, v0;
	_ =	sdelay $0x1  }
0x99: {  	s3 =	sor.u32 $0x6070, s16;
	[tilespmem:s22+$0xC000] =	vst v1  }
0x9a: {  	v1 =	vld [tilespmem:s3+$0x4000];
	_ =	sdelay $0x4  }
0x9b: {  	v0 =	vadd.f32 v1, v0;
	_ =	sdelay $0x1  }
0x9c: {  	[tilespmem:s3+$0xC000] =	vst v0  }
0x9d: {  	v1 =	vld [tilespmem:s26+$0xA000]  }
0x9e: {  	v7 =	vld [tilespmem:s26+$0x8030]  }
0x9f: {  	v5 =	vld [tilespmem:s26+$0xA030]  }
0xa0: {  	v2 =	vld [tilespmem:s26+$0xA060]  }
0xa1: {  	v0 =	vld [tilespmem:s26+$0x2040]  }
0xa2: {  	v10 =	vld [tilespmem:s26+$0x2030]  }
0xa3: {  	v12 =	vld [tilespmem:s26+$0xA040]  }
0xa4: {  	v6 =	vld [tilespmem:s26+$0x2010]  }
.Ltmp1:
0xa5: {  	v8 =	vld [tilespmem:s26+$0x8010];
	(pc) =	sbr.rel @p0 .LBB2_4-.Ltmp1, $4  }
0xa6: {  	v3 =	vld [tilespmem:s26+$0x8000]  }
0xa7: {  	v4 =	vld [tilespmem:s26+$0x8060]  }
0xa8: {  	v11 =	vadd.f32 v5, v10;
	v9 =	vld [tilespmem:s26+$0xA010];
	v5 =	vadd.f32 v12, v0  }
0xa9: {  	s1 =	sadd.s32 $0x1, s1;
	v10 =	vadd.f32 v7, v10;
	v7 =	vld [tilespmem:s26+$0x2060]  }
0xaa: {  	v12 =	vld [tilespmem:s26+$0x2000]  }
0xab: {  	v13 =	vld [tilespmem:s26+$0x2050]  }
0xac: {  	v8 =	vadd.f32 v8, v6;
	[tilespmem:s26+$0x10030] =	vst v10;
	v10 =	vld [tilespmem:s26+$0xA050]  }
0xad: {  	[tilespmem:s26+$0x12030] =	vst v11  }
0xae: {  	[tilespmem:s26+$0x10010] =	vst v8;
	v8 =	vld [tilespmem:s26+$0x8050];
	v6 =	vadd.f32 v9, v6  }
0xaf: {  	v11 =	vld [tilespmem:s26+$0xA020];
	[tilespmem:s26+$0x12040] =	vst v5;
	v1 =	vadd.f32 v1, v12  }
0xb0: {  	[tilespmem:s26+$0x12010] =	vst v6;
	v6 =	vld [tilespmem:s26+$0x2020];
	v3 =	vadd.f32 v3, v12  }
0xb1: {  	v9 =	vld [tilespmem:s26+$0x8020];
	v5 =	vadd.f32 v10, v13;
	[tilespmem:s26+$0x12000] =	vst v1  }
0xb2: {  	v1 =	vadd.f32 v2, v7;
	v2 =	vld [tilespmem:s26+$0x8040];
	[tilespmem:s26+$0x10000] =	vst v3  }
0xb3: {  	v8 =	vadd.f32 v8, v13;
	[tilespmem:s26+$0x12050] =	vst v5  }
0xb4: {  	[tilespmem:s26+$0x12060] =	vst v1;
	v1 =	vadd.f32 v4, v7  }
0xb5: {  	[tilespmem:s26+$0x10050] =	vst v8;
	v4 =	vadd.f32 v11, v6  }
0xb6: {  	s0 =	sand.u32 $0x7, s30;
	[tilespmem:s26+$0x10060] =	vst v1;
	v1 =	vadd.f32 v9, v6  }
0xb7: {  	s0 =	sshll.u32 s0, $0xA;
	[tilespmem:s26+$0x12020] =	vst v4;
	v0 =	vadd.f32 v2, v0  }
0xb8: {  	s0 =	sadd.s32 s0, s28;
	[tilespmem:s26+$0x10020] =	vst v1  }
0xb9: {  	s1 =	sor.u32 $0x4070, s0;
	[tilespmem:s26+$0x10040] =	vst v0;
	v0 =	vld [tilespmem:s26+$0x2070]  }
0xba: {  	v1 =	vld [tilespmem:s1+$0x4000];
	_ =	sdelay $0x4  }
0xbb: {  	v1 =	vadd.f32 v1, v0;
	_ =	sdelay $0x1  }
0xbc: {  	s0 =	sor.u32 $0x6070, s0;
	[tilespmem:s1+$0xC000] =	vst v1  }
0xbd: {  	v1 =	vld [tilespmem:s0+$0x4000];
	_ =	sdelay $0x4  }
0xbe: {  	v0 =	vadd.f32 v1, v0;
	_ =	sdelay $0x1  }
0xbf: {  	s3 =	simm.s32 $0x10000;
	[tilespmem:s0+$0xC000] =	vst v0  }
0xc0: {  	[hbm4b:s10+s13] =	stream.strided.scatter [tilespmem:s3], [sflag:$0x6], $0x4000, s14, s13, $0x38;
	[tilespmem:$0x14000] =	vst v63  }
0xc1: {  	_ =	swait.ge [sflag:s17], $0x4000  }
0xc2: {  	[sflag:s17] =	ssyncset.done $0x0  }
0xc3: {  	[sflag:s17] =	ssyncadd.s32 $0xFFFFC000  }
0xc4: {  	_ =	swait.ge [sflag:s18], $0x2000  }
0xc5: {  	[sflag:s18] =	ssyncset.done $0x0  }
0xc6: {  	[sflag:s18] =	ssyncadd.s32 $0xFFFFE000  }
0xc7: {  	s26 =	simm.s32 $0x0;
	_ =	swait.ge [sflag:s23], $0x4000  }
0xc8: {  	s16 =	sand.u32 $0x1C00, s26;
	s22 =	sand.u32 $0x380, s26;
	[sflag:s23] =	ssyncset.done $0x0  }
0xc9: {  	s28 =	sor.u32 s22, s16;
	[sflag:s23] =	ssyncadd.s32 $0xFFFFC000  }
0xca: {  	v1 =	vld [tilespmem:s28+$0x6020]  }
0xcb: {  	v6 =	vld [tilespmem:s28+$0x4020]  }
0xcc: {  	v7 =	vld [tilespmem:s28+$0x20]  }
0xcd: {  	v2 =	vld [tilespmem:s28+$0x6030]  }
0xce: {  	v3 =	vld [tilespmem:s28+$0x30]  }
0xcf: {  	v4 =	vld [tilespmem:s28+$0x4010]  }
0xd0: {  	v5 =	vld [tilespmem:s28+$0x4030]  }
0xd1: {  	v8 =	vld [tilespmem:s28+$0x10]  }
0xd2: {  	v0 =	vld [tilespmem:s28+$0x4000]  }
0xd3: {  	v9 =	vld [tilespmem:s28+$0x0]  }
0xd4: {  	v10 =	vld [tilespmem:s28+$0x6010]  }
0xd5: {  	v11 =	vld [tilespmem:s28+$0x6000]  }
0xd6: {  	v61 =	vld [tilespmem:s28+$0x4050]  }
0xd7: {  	v62 =	vld [tilespmem:s28+$0x60]  }
0xd8: {  	v15 =	vld [tilespmem:s28+$0x4060];
	v14 =	vadd.f32 v0, v9  }
0xd9: {  	v63 =	vld [tilespmem:s28+$0x6060];
	v4 =	vadd.f32 v4, v8  }
0xda: {  	v0 =	vld [tilespmem:s28+$0x50];
	v2 =	vadd.f32 v2, v3;
	[tilespmem:s28+$0xC000] =	vst v14  }
0xdb: {  	v3 =	vadd.f32 v5, v3;
	[tilespmem:s28+$0xC010] =	vst v4;
	v4 =	vld [tilespmem:s28+$0x6050]  }
0xdc: {  	v9 =	vadd.f32 v11, v9;
	v5 =	vld [tilespmem:s28+$0x4040];
	[tilespmem:s28+$0xE030] =	vst v2  }
0xdd: {  	v2 =	vld [tilespmem:s28+$0x6040];
	[tilespmem:s28+$0xC030] =	vst v3;
	v3 =	vadd.f32 v10, v8;
	v10 =	vadd.f32 v6, v7  }
0xde: {  	s30 =	simm.s32 $0x0;
	s31 =	simm.s32 $0x0;
	v1 =	vadd.f32 v1, v7;
	[tilespmem:s28+$0xE000] =	vst v9;
	v6 =	vld [tilespmem:s28+$0x40];
	v8 =	vadd.f32 v15, v62  }
0xdf: {  	s29 =	simm.s32 $0x0;
	s1 =	simm.s32 $0x1;
	s0 =	simm.s32 $0x0;
	v9 =	vadd.f32 v63, v62;
	[tilespmem:s28+$0xC020] =	vst v10;
	v7 =	vadd.f32 v61, v0  }
.LBB2_6:
0xe0: {  	s30 =	sadd.s32 $0x8, s30;
	[tilespmem:s28+$0xE010] =	vst v3;
	v0 =	vadd.f32 v4, v0;
	s26 =	sadd.s32 $0x400, s26;
	s0 =	sadd.s32 $0x10, s0  }
0xe1: {  	p0 =	slt.u32 s30, $0x1F8;
	[tilespmem:s28+$0xC060] =	vst v8  }
0xe2: {  	[tilespmem:s28+$0xE060] =	vst v9  }
0xe3: {  	v3 =	vadd.f32 v5, v6;
	v2 =	vadd.f32 v2, v6;
	[tilespmem:s28+$0xE050] =	vst v0  }
0xe4: {  	s3 =	sand.u32 $0x7, s31;
	s31 =	smov.u32 s1;
	[tilespmem:s28+$0xC050] =	vst v7  }
0xe5: {  	s3 =	sshll.u32 s3, $0xA;
	[tilespmem:s28+$0xC040] =	vst v3  }
0xe6: {  	s3 =	sadd.s32 s3, s29;
	s29 =	smov.u32 s0;
	[tilespmem:s28+$0xE020] =	vst v1  }
0xe7: {  	s16 =	sor.u32 $0x70, s3;
	[tilespmem:s28+$0xE040] =	vst v2  }
0xe8: {  	v0 =	vld [tilespmem:s16+$0x0]  }
0xe9: {  	v1 =	vld [tilespmem:s16+$0x4000];
	_ =	sdelay $0x4  }
0xea: {  	v1 =	vadd.f32 v1, v0  }
0xeb: {  	s3 =	sor.u32 $0x2070, s3  }
0xec: {  	[tilespmem:s16+$0xC000] =	vst v1  }
0xed: {  	v1 =	vld [tilespmem:s3+$0x4000];
	_ =	sdelay $0x4  }
0xee: {  	s22 =	sand.u32 $0x380, s0;
	s16 =	sand.u32 $0x1C00, s26;
	v0 =	vadd.f32 v1, v0  }
0xef: {  	s28 =	sor.u32 s22, s16  }
0xf0: {  	[tilespmem:s3+$0xC000] =	vst v0  }
0xf1: {  	v1 =	vld [tilespmem:s28+$0x6020]  }
0xf2: {  	v5 =	vld [tilespmem:s28+$0x4020]  }
0xf3: {  	v6 =	vld [tilespmem:s28+$0x20]  }
0xf4: {  	v2 =	vld [tilespmem:s28+$0x6030]  }
0xf5: {  	v4 =	vld [tilespmem:s28+$0x30]  }
0xf6: {  	v0 =	vld [tilespmem:s28+$0x4010]  }
0xf7: {  	v7 =	vld [tilespmem:s28+$0x4030]  }
0xf8: {  	v3 =	vld [tilespmem:s28+$0x10]  }
0xf9: {  	v8 =	vld [tilespmem:s28+$0x4000]  }
0xfa: {  	v9 =	vld [tilespmem:s28+$0x0]  }
0xfb: {  	v10 =	vld [tilespmem:s28+$0x6010]  }
0xfc: {  	v11 =	vld [tilespmem:s28+$0x6000]  }
0xfd: {  	v12 =	vld [tilespmem:s28+$0x4050]  }
0xfe: {  	v13 =	vld [tilespmem:s28+$0x60]  }
0xff: {  	v14 =	vadd.f32 v0, v3;
	v8 =	vadd.f32 v8, v9;
	v0 =	vld [tilespmem:s28+$0x50]  }
0x100: {  	v3 =	vadd.f32 v10, v3;
	v10 =	vld [tilespmem:s28+$0x4060]  }
0x101: {  	v2 =	vadd.f32 v2, v4;
	v7 =	vadd.f32 v7, v4;
	[tilespmem:s28+$0xC000] =	vst v8;
	v15 =	vld [tilespmem:s28+$0x6060]  }
.Ltmp2:
0x102: {  	v8 =	vadd.f32 v11, v9;
	[tilespmem:s28+$0xC010] =	vst v14;
	v4 =	vld [tilespmem:s28+$0x6050];
	(pc) =	sbr.rel @p0 .LBB2_6-.Ltmp2, $4  }
0x103: {  	[tilespmem:s28+$0xE030] =	vst v2;
	v2 =	vld [tilespmem:s28+$0x6040]  }
0x104: {  	v1 =	vadd.f32 v1, v6;
	v9 =	vadd.f32 v5, v6;
	[tilespmem:s28+$0xC030] =	vst v7;
	v5 =	vld [tilespmem:s28+$0x4040]  }
0x105: {  	[tilespmem:s28+$0xE000] =	vst v8;
	v6 =	vld [tilespmem:s28+$0x40];
	v8 =	vadd.f32 v10, v13  }
0x106: {  	s1 =	sadd.s32 $0x1, s1;
	v7 =	vadd.f32 v12, v0;
	[tilespmem:s28+$0xC020] =	vst v9;
	v9 =	vadd.f32 v15, v13  }
0x107: {  	[tilespmem:s28+$0xE010] =	vst v3  }
0x108: {  	[tilespmem:s28+$0xC060] =	vst v8  }
0x109: {  	[tilespmem:s28+$0xE020] =	vst v1  }
0x10a: {  	v0 =	vadd.f32 v4, v0;
	[tilespmem:s28+$0xE060] =	vst v9  }
0x10b: {  	s0 =	sand.u32 $0x7, s31;
	[tilespmem:s28+$0xC050] =	vst v7;
	v62 =	vadd.f32 v5, v6  }
0x10c: {  	s0 =	sshll.u32 s0, $0xA;
	[tilespmem:s28+$0xE050] =	vst v0;
	v63 =	vadd.f32 v2, v6  }
0x10d: {  	s0 =	sadd.s32 s0, s29;
	[tilespmem:s28+$0xC040] =	vst v62  }
0x10e: {  	s1 =	sor.u32 $0x70, s0;
	[tilespmem:s28+$0xE040] =	vst v63  }
0x10f: {  	v0 =	vld [tilespmem:s1+$0x0]  }
0x110: {  	v1 =	vld [tilespmem:s1+$0x4000];
	_ =	sdelay $0x4  }
0x111: {  	v1 =	vadd.f32 v1, v0;
	_ =	sdelay $0x1  }
0x112: {  	s0 =	sor.u32 $0x2070, s0;
	[tilespmem:s1+$0xC000] =	vst v1  }
0x113: {  	v1 =	vld [tilespmem:s0+$0x4000];
	_ =	sdelay $0x4  }
0x114: {  	v0 =	vadd.f32 v1, v0;
	_ =	sdelay $0x1  }
0x115: {  	s25 =	sadd.s32 $0x1, s25;
	[tilespmem:s0+$0xC000] =	vst v0  }
0x116: {  	[hbm4b:s11+s13] =	stream.strided.scatter [tilespmem:s19], [sflag:$0x5], $0x4000, s14, s13, $0x38;
	[tilespmem:$0x14000] =	vst v63  }
0x117: {  	p0 =	sne.s32 s25, s12;
	_ =	swait.ge [sflag:s24], $0x4000  }
.Ltmp3:
0x118: {  	[sflag:s24] =	ssyncset.done $0x0;
	(pc) =	sbr.rel @p0 .LBB2_1-.Ltmp3, $4  }
0x119: {  	[sflag:s24] =	ssyncadd.s32 $0xFFFFC000  }
0x11a: {  	_ =	swait.ge [sflag:s23], $0x4000  }
0x11b: {  	[sflag:s23] =	ssyncset.done $0x0  }
0x11c: {  	[sflag:s23] =	ssyncadd.s32 $0xFFFFC000  }
0x11d: {  	_ =	sfence.sel $0x180000  }
0x11e: {  	[bflag:$0x0] =	sbarrier.arrive $0xFFFF  }
0x11f: {  	_ =	strace $0x90000047  }
0x120: {  	s0 =	stileid.u32;
	[bflag:$0x2] =	sbarrier.arrive $0xFFFF  }
0x121: {  	p0 =	sne.s32 s0, $0x0;
	s0 =	rddreg [dreg:$0x3]  }
0x122: {  	s0 =	sadd.s32 @!p0 $0x100000, s0  }
0x123: {  	[sflag:s0] =	ssyncadd.tile.s32 @!p0 $0x1;
	_ =	shalt  }
.Lfunc_end2:
_tile_overlayer_lowered:
.L_overlay_start_2:
0x124: {  	(tag) =	ssettag $0x2  }
0x125: {  	s0 =	rddreg [dreg:$0x0];
	s2 =	stileid.u32  }
0x126: {  	s1 =	rddreg [dreg:$0x1];
	p0 =	sne.s32 s2, $0x0  }
0x127: {  	s3 =	rddreg [dreg:$0x2];
	[bflag:$0x3] =	sbarrier.arrive $0xFFFF;
	s2 =	simm.s32 @!p0 $0x1C07  }
0x128: {  	[timem:s3], [sflag:s2] =	dma.local @!p0 [hbm:s0], s1  }
0x129: {  	s0 =	simm.s32 @!p0 $0x7  }
0x12a: {  	_ =	swait.ge @!p0 [sflag:s0], s1  }
0x12b: {  	s1 =	ssub.s32 @!p0 $0x0, s1;
	[sflag:s0] =	ssyncset.done @!p0 $0x0  }
0x12c: {  	[sflag:s0] =	ssyncadd.s32 @!p0 s1  }
0x12d: {  	[bflag:$0x3] =	sbarrier.arrive $0xFFFF  }
0x12e: {  	_ =	shalt  }

</sc_bundles>
